<compile_context>
chip_gen: v7x
topology: tpu7x:2x2x1
jax: 0.10.2.dev20260603
libtpu: 0.0.44.dev20260713+nightly
codegen_flags: <defaults>
</compile_context>

<pallas_src>
import functools

import jax
import jax.numpy as jnp
from jax import lax
from jax.experimental import pallas as pl
from jax.experimental.pallas import tpu as pltpu
from jax.experimental.pallas import tpu_sc as plsc

T = 16384
L = 16
WORD_DIM = 64
CHAR_VOCAB = 100
CHAR_DIM = 30
HID = 50
CTX_DIM = 128
OUT_DIM = WORD_DIM + 2 * HID + CTX_DIM
G = 128
NG = 4 * G
KX = 3 * 128
WORD_VOCAB_HALF = 50000

_SC_CORES = 2
_SC_SUBCORES = 16
_NW = _SC_CORES * _SC_SUBCORES


def _sc_word_gather(word_table, word):
    b_per_w = T // _NW
    mesh = plsc.VectorSubcoreMesh(core_axis_name="c", subcore_axis_name="s")

    @functools.partial(
        pl.kernel,
        mesh=mesh,
        out_type=jax.ShapeDtypeStruct((T, 2 * WORD_DIM), jnp.float32),
        scratch_types=[
            pltpu.VMEM((b_per_w,), jnp.int32),
            pltpu.VMEM((b_per_w, 2 * WORD_DIM), jnp.float32),
            pltpu.SemaphoreType.DMA,
        ],
    )
    def gather_kernel(table_hbm, idx_hbm, out_hbm, idx_v, rows_v, sem):
        wid = lax.axis_index("s") * _SC_CORES + lax.axis_index("c")
        base = wid * b_per_w
        pltpu.sync_copy(idx_hbm.at[pl.ds(base, b_per_w)], idx_v)
        pltpu.async_copy(table_hbm.at[idx_v], rows_v, sem).wait()
        pltpu.sync_copy(rows_v, out_hbm.at[pl.ds(base, b_per_w)])

    return gather_kernel(word_table, word)


def _lstm_block_body(char_ref, wemb_ref, wpar_ref, ctx_ref, ctab_ref,
                     wi_ref, wh_ref, b_ref, out_ref):
    B = char_ref.shape[0]
    f32 = jnp.float32
    bf16 = jnp.bfloat16
    dot = functools.partial(jnp.dot, precision=jax.lax.Precision.DEFAULT,
                            preferred_element_type=f32)
    dot_hi = functools.partial(jnp.dot, precision=jax.lax.Precision.HIGHEST,
                               preferred_element_type=f32)

    col = lax.broadcasted_iota(jnp.int32, (1, NG), 1)
    is_g = jnp.logical_and(col >= 2 * G, col < 3 * G)
    scale = jnp.where(is_g, 1.0, 0.5).astype(f32)

    ctab = ctab_ref[...]
    E = dot_hi(ctab, wi_ref[...]) + b_ref[...]
    M = jnp.concatenate([E[:128], wh_ref[...], E[128:]], axis=0)
    M = (M * scale).astype(bf16)

    NC = 4
    BH = B // NC
    chars_all = char_ref[...]
    vocab_iota = lax.broadcasted_iota(jnp.int32, (BH, 128), 1)

    def onehot(chars, t):
        c = chars[:, t:t + 1]
        return (vocab_iota == c).astype(bf16)

    chains = []
    for k in range(NC):
        chains.append({
            "chars": chars_all[k * BH:(k + 1) * BH],
            "h": jnp.zeros((BH, G), f32),
            "c": jnp.zeros((BH, G), f32),
        })
    for t in range(L):
        for s in chains:
            s["xt"] = jnp.concatenate(
                [onehot(s["chars"], t), s["h"].astype(bf16),
                 onehot(s["chars"], L - 1 - t)], axis=-1)
        for s in chains:
            s["tg"] = jnp.tanh(dot(s["xt"], M))
        for s in chains:
            tg = s["tg"]
            i_s = 0.5 + 0.5 * tg[:, 0:G]
            f_s = 0.5 + 0.5 * tg[:, G:2 * G]
            g_t = tg[:, 2 * G:3 * G]
            o_s = 0.5 + 0.5 * tg[:, 3 * G:4 * G]
            s["c"] = f_s * s["c"] + i_s * g_t
            s["h"] = o_s * jnp.tanh(s["c"])

    h = jnp.concatenate([s["h"] for s in chains], axis=0)
    rows = wemb_ref[...]
    even = wpar_ref[...] == 0
    wemb = jnp.where(even, rows[:, :WORD_DIM], rows[:, WORD_DIM:])
    out_ref[...] = jnp.concatenate(
        [wemb, h[:, :HID], h[:, 64:64 + HID], ctx_ref[...]],
        axis=-1)


def _place_gate_cols(w, off):
    lead = w.shape[:-1]
    w4 = w.reshape(lead + (4, HID))
    pad = [(0, 0)] * len(lead) + [(0, 0), (off, G - HID - off)]
    return jnp.pad(w4, pad).reshape(lead + (NG,))


def _tc_forward(word_emb, word_par, char, ctx, char_table,
                Wi_f, Wh_f, b_f, Wi_b, Wh_b, b_b, interpret=False):
    BT = 1024
    grid = (T // BT,)
    blk = lambda r, c: pl.BlockSpec((r, c), lambda i: (i, 0))
    full = lambda r, c: pl.BlockSpec((r, c), lambda i: (0, 0))

    wi_both = jnp.pad(jnp.concatenate(
        [_place_gate_cols(Wi_f, 0), _place_gate_cols(Wi_b, 64)], axis=0),
        ((0, 4), (0, 0)))
    wh_both = jnp.concatenate([
        jnp.pad(_place_gate_cols(Wh_f, 0), ((0, 64 - HID), (0, 0))),
        jnp.pad(_place_gate_cols(Wh_b, 64), ((0, 64 - HID), (0, 0))),
    ], axis=0)
    bf_row = _place_gate_cols(b_f, 0).reshape(1, NG)
    bb_row = _place_gate_cols(b_b, 64).reshape(1, NG)
    b_exp = jnp.concatenate([
        jnp.broadcast_to(bf_row, (CHAR_VOCAB, NG)),
        jnp.zeros((128 - CHAR_VOCAB, NG), jnp.float32),
        jnp.broadcast_to(bb_row, (CHAR_VOCAB, NG)),
        jnp.zeros((128 - CHAR_VOCAB, NG), jnp.float32),
    ], axis=0)
    zc = jnp.zeros_like(char_table)
    zrow = jnp.zeros((128 - CHAR_VOCAB, 2 * CHAR_DIM), jnp.float32)
    ctab2 = jnp.pad(jnp.concatenate([
        jnp.concatenate([char_table, zc], axis=1), zrow,
        jnp.concatenate([zc, char_table], axis=1), zrow,
    ], axis=0), ((0, 0), (0, 4)))

    return pl.pallas_call(
        _lstm_block_body,
        grid=grid,
        in_specs=[
            blk(BT, L),
            blk(BT, 2 * WORD_DIM),
            blk(BT, 1),
            blk(BT, CTX_DIM),
            full(256, 64),
            full(64, NG),
            full(G, NG),
            full(256, NG),
        ],
        out_specs=blk(BT, OUT_DIM),
        out_shape=jax.ShapeDtypeStruct((T, OUT_DIM), jnp.float32),
        compiler_params=pltpu.CompilerParams(
            dimension_semantics=("parallel",)),
        interpret=interpret,
    )(char, word_emb, word_par, ctx, ctab2, wi_both, wh_both, b_exp)


def kernel(word, char, ctx, word_table, char_table,
           Wi_f, Wh_f, b_f, Wi_b, Wh_b, b_b):
    word = word.astype(jnp.int32)
    table2 = word_table.reshape(WORD_VOCAB_HALF, 2 * WORD_DIM)
    word_emb = _sc_word_gather(table2, word >> 1)
    return _tc_forward(word_emb, (word & 1).reshape(T, 1), char, ctx,
                       char_table,
                       Wi_f, Wh_f, b_f, Wi_b, Wh_b, b_b)

# --- scband reference (transcript-rebuilt; emitter-appended) ---
"""Pipeline reference for scband-embedding-layer-80650895884320 (READ-ONLY COPY).

The authoritative reference and input builder live on the scoring server;
editing this copy changes nothing except your own understanding.
"""

import jax, jax.numpy as jnp
import numpy as np

WORD_VOCAB = 100000
WORD_DIM = 64
CHAR_VOCAB = 100
CHAR_DIM = 30
HID = 50
CTX_DIM = 128
T = 16384
L = 16


def setup_inputs(seed: int = 0) -> dict:
    key = jax.random.key(seed)
    ks = jax.random.split(key, 12)
    word = jax.random.randint(ks[0], (T,), 0, WORD_VOCAB, dtype=jnp.int64 if jax.config.jax_enable_x64 else jnp.int32)
    char = jax.random.randint(ks[1], (T, L), 0, CHAR_VOCAB, dtype=jnp.int64 if jax.config.jax_enable_x64 else jnp.int32)
    ctx = jax.random.normal(ks[2], (T, CTX_DIM), dtype=jnp.float32)
    word_table = jax.random.normal(ks[3], (WORD_VOCAB, WORD_DIM), dtype=jnp.float32) * 0.02
    char_table = jax.random.normal(ks[4], (CHAR_VOCAB, CHAR_DIM), dtype=jnp.float32) * 0.02
    Wi_f = jax.random.normal(ks[5], (CHAR_DIM, 4 * HID), dtype=jnp.float32) * 0.1
    Wh_f = jax.random.normal(ks[6], (HID, 4 * HID), dtype=jnp.float32) * 0.1
    b_f = jnp.zeros((4 * HID,), dtype=jnp.float32)
    Wi_b = jax.random.normal(ks[7], (CHAR_DIM, 4 * HID), dtype=jnp.float32) * 0.1
    Wh_b = jax.random.normal(ks[8], (HID, 4 * HID), dtype=jnp.float32) * 0.1
    b_b = jnp.zeros((4 * HID,), dtype=jnp.float32)
    return {"word": word, "char": char, "ctx": ctx,
            "word_table": word_table, "char_table": char_table,
            "Wi_f": Wi_f, "Wh_f": Wh_f, "b_f": b_f,
            "Wi_b": Wi_b, "Wh_b": Wh_b, "b_b": b_b}


def _lstm_last(xs, Wi, Wh, b):
    # xs: [L, B, D] -> final hidden state [B, HID]
    B = xs.shape[1]
    H = Wh.shape[0]
    h0 = jnp.zeros((B, H), dtype=xs.dtype)
    c0 = jnp.zeros((B, H), dtype=xs.dtype)

    def step(carry, xt):
        h, c = carry
        gates = xt @ Wi + h @ Wh + b
        i, f, g, o = jnp.split(gates, 4, axis=-1)
        i = jax.nn.sigmoid(i)
        f = jax.nn.sigmoid(f)
        o = jax.nn.sigmoid(o)
        g = jnp.tanh(g)
        c = f * c + i * g
        h = o * jnp.tanh(c)
        return (h, c), None

    (h, c), _ = jax.lax.scan(step, (h0, c0), xs)
    return h


def reference(word, char, ctx, word_table, char_table, Wi_f, Wh_f, b_f, Wi_b, Wh_b, b_b):
    # WordEmbedding: table lookup on PackedSequence.data (flat token indices)
    word_emb = jnp.take(word_table, word, axis=0)            # [T, WORD_DIM]
    # CharEmbedding + CharLstmEmbedding: per-char lookup then bi-LSTM over chars
    char_emb = jnp.take(char_table, char, axis=0)            # [T, L, CHAR_DIM]
    xs = jnp.transpose(char_emb, (1, 0, 2))                  # [L, T, CHAR_DIM]
    h_fwd = _lstm_last(xs, Wi_f, Wh_f, b_f)                  # [T, HID]
    h_bwd = _lstm_last(xs[::-1], Wi_b, Wh_b, b_b)            # [T, HID]
    char_out = jnp.concatenate([h_fwd, h_bwd], axis=-1)      # [T, 2*HID]
    # ctx_dim > 0: append contextual features (batch.ctx.data)
    data = jnp.concatenate([word_emb, char_out, ctx], axis=-1)  # [T, WORD_DIM + 2*HID + CTX_DIM]
    # dropout in eval mode = identity
    return data

if __name__ == "__main__":
    import jax
    _d = setup_inputs()
    print(jax.jit(kernel)(*tuple(_d.values())))

</pallas_src>

<mosaic_0001>
#map = affine_map<(d0, d1) -> (0, 0)>
#map1 = affine_map<(d0, d1) -> (0)>
module attributes {stable_mosaic.version = 14 : i64} {
  func.func @gather_kernel(%arg0: i32, %arg1: i32, %arg2: memref<50000x128xf32, #tpu.memory_space<hbm>>, %arg3: memref<16384xi32, #tpu.memory_space<hbm>>, %arg4: memref<16384x128xf32, #tpu.memory_space<hbm>>, %arg5: memref<512xi32, #tpu.memory_space<vmem>>, %arg6: memref<512x128xf32, #tpu.memory_space<vmem>>, %arg7: memref<!tpu.dma_semaphore, #tpu.memory_space<semaphore_mem>>) attributes {dimension_semantics = [#tpu.dimension_semantics<core_parallel>, #tpu.dimension_semantics<subcore_parallel>], iteration_bounds = array<i64: 2, 16>, scalar_prefetch = 0 : i64, scratch_operands = 3 : i64, tpu.core_type = #tpu.core_type<sc_vector_subcore>, window_params = [{transform_indices = #map}, {transform_indices = #map1}, {transform_indices = #map}]} {
    %mul3A = arith.constant 2 : i32
    %mul3A_0 = arith.muli %arg1, %mul3A : i32
    %add3A = arith.addi %mul3A_0, %arg0 : i32
    %mul3A_1 = arith.constant 512 : i32
    %mul3A_2 = arith.muli %add3A, %mul3A_1 : i32
    "tpu.region"() ({
      %run_scoped3A = tpu.sem_alloc : memref<!tpu.dma_semaphore, #tpu.memory_space<semaphore_mem>>
      %dma_start3A_7 = tpu.memref_slice %arg3[%mul3A_2] : memref<16384xi32, #tpu.memory_space<hbm>> -> memref<512xi32, #tpu.memory_space<hbm>>
      %dma_start3A_8 = tpu.memref_slice %arg3[%mul3A_2] : memref<16384xi32, #tpu.memory_space<hbm>> -> memref<512xi32, #tpu.memory_space<hbm>>
      tpu.enqueue_dma source(%dma_start3A_8 : memref<512xi32, #tpu.memory_space<hbm>>) target(%arg5 : memref<512xi32, #tpu.memory_space<vmem>>) target_semaphore(%run_scoped3A : memref<!tpu.dma_semaphore, #tpu.memory_space<semaphore_mem>>)
      %dma_wait3A_9 = tpu.memref_slice %arg3[%mul3A_2] : memref<16384xi32, #tpu.memory_space<hbm>> -> memref<512xi32, #tpu.memory_space<hbm>>
      %dma_wait3A_10 = tpu.memref_slice %arg3[%mul3A_2] : memref<16384xi32, #tpu.memory_space<hbm>> -> memref<512xi32, #tpu.memory_space<hbm>>
      tpu.wait_dma2 semaphore(%run_scoped3A : memref<!tpu.dma_semaphore, #tpu.memory_space<semaphore_mem>>) src(%dma_wait3A_10 : memref<512xi32, #tpu.memory_space<hbm>>) dst(%arg5 : memref<512xi32, #tpu.memory_space<vmem>>)
      tpu.yield
    }) : () -> ()
    %dma_start3A = arith.constant 0 : i32
    %dma_start3A_3 = arith.constant 0 : i32
    %dma_start3A_4 = tpu.memref_slice %arg2[%dma_start3A, %dma_start3A_3] : memref<50000x128xf32, #tpu.memory_space<hbm>> -> memref<50000x128xf32, #tpu.memory_space<hbm>>
    tpu.enqueue_indirect_dma source(%dma_start3A_4 : memref<50000x128xf32, #tpu.memory_space<hbm>>) target(%arg6 : memref<512x128xf32, #tpu.memory_space<vmem>>) offsets(%arg5 : memref<512xi32, #tpu.memory_space<vmem>>) semaphore(%arg7 : memref<!tpu.dma_semaphore, #tpu.memory_space<semaphore_mem>>)
    %dma_wait3A = arith.constant 0 : i32
    %dma_wait3A_5 = arith.constant 0 : i32
    %dma_wait3A_6 = tpu.memref_slice %arg2[%dma_wait3A, %dma_wait3A_5] : memref<50000x128xf32, #tpu.memory_space<hbm>> -> memref<50000x128xf32, #tpu.memory_space<hbm>>
    tpu.wait_indirect_dma semaphore(%arg7 : memref<!tpu.dma_semaphore, #tpu.memory_space<semaphore_mem>>) src(%dma_wait3A_6 : memref<50000x128xf32, #tpu.memory_space<hbm>>) dst(%arg6 : memref<512x128xf32, #tpu.memory_space<vmem>>)
    "tpu.region"() ({
      %run_scoped3A = tpu.sem_alloc : memref<!tpu.dma_semaphore, #tpu.memory_space<semaphore_mem>>
      %dma_start3A_7 = arith.constant 0 : i32
      %dma_start3A_8 = tpu.memref_slice %arg4[%mul3A_2, %dma_start3A_7] : memref<16384x128xf32, #tpu.memory_space<hbm>> -> memref<512x128xf32, #tpu.memory_space<hbm>>
      %dma_start3A_9 = arith.constant 0 : i32
      %dma_start3A_10 = tpu.memref_slice %arg4[%mul3A_2, %dma_start3A_9] : memref<16384x128xf32, #tpu.memory_space<hbm>> -> memref<512x128xf32, #tpu.memory_space<hbm>>
      tpu.enqueue_dma source(%arg6 : memref<512x128xf32, #tpu.memory_space<vmem>>) target(%dma_start3A_10 : memref<512x128xf32, #tpu.memory_space<hbm>>) target_semaphore(%run_scoped3A : memref<!tpu.dma_semaphore, #tpu.memory_space<semaphore_mem>>)
      %dma_wait3A_11 = arith.constant 0 : i32
      %dma_wait3A_12 = tpu.memref_slice %arg4[%mul3A_2, %dma_wait3A_11] : memref<16384x128xf32, #tpu.memory_space<hbm>> -> memref<512x128xf32, #tpu.memory_space<hbm>>
      %dma_wait3A_13 = arith.constant 0 : i32
      %dma_wait3A_14 = tpu.memref_slice %arg4[%mul3A_2, %dma_wait3A_13] : memref<16384x128xf32, #tpu.memory_space<hbm>> -> memref<512x128xf32, #tpu.memory_space<hbm>>
      tpu.wait_dma2 semaphore(%run_scoped3A : memref<!tpu.dma_semaphore, #tpu.memory_space<semaphore_mem>>) src(%arg6 : memref<512x128xf32, #tpu.memory_space<vmem>>) dst(%dma_wait3A_14 : memref<512x128xf32, #tpu.memory_space<hbm>>)
      tpu.yield
    }) : () -> ()
    return
  }
}

module attributes {stable_mosaic.version = 14 : i64} {
  func.func @_lstm_block_body(%arg0: i32, %arg1: memref<1024x16xi32, #tpu.memory_space<vmem>>, %arg2: memref<1024x128xf32, #tpu.memory_space<vmem>>, %arg3: memref<1024x1xi32, #tpu.memory_space<vmem>>, %arg4: memref<1024x128xf32, #tpu.memory_space<vmem>>, %arg5: memref<256x64xf32, #tpu.memory_space<vmem>>, %arg6: memref<64x512xf32, #tpu.memory_space<vmem>>, %arg7: memref<128x512xf32, #tpu.memory_space<vmem>>, %arg8: memref<256x512xf32, #tpu.memory_space<vmem>>, %arg9: memref<1024x292xf32, #tpu.memory_space<vmem>>) attributes {dimension_semantics = [#tpu.dimension_semantics<parallel>], iteration_bounds = array<i64: 16>, scalar_prefetch = 0 : i64, scratch_operands = 0 : i64, tpu.core_type = #tpu.core_type<tc>, window_params = [{transform_indices = @transform_0, window_bounds = array<i64: 1024, 16>}, {transform_indices = @transform_1, window_bounds = array<i64: 1024, 128>}, {transform_indices = @transform_2, window_bounds = array<i64: 1024, 1>}, {transform_indices = @transform_3, window_bounds = array<i64: 1024, 128>}, {pipeline_mode = #tpu.pipeline_mode<synchronous>, transform_indices = @transform_4, window_bounds = array<i64: 256, 64>}, {pipeline_mode = #tpu.pipeline_mode<synchronous>, transform_indices = @transform_5, window_bounds = array<i64: 64, 512>}, {pipeline_mode = #tpu.pipeline_mode<synchronous>, transform_indices = @transform_6, window_bounds = array<i64: 128, 512>}, {pipeline_mode = #tpu.pipeline_mode<synchronous>, transform_indices = @transform_7, window_bounds = array<i64: 256, 512>}, {transform_indices = @transform_8, window_bounds = array<i64: 1024, 292>}]} {
    %iota3A = tpu.iota {dimensions = array<i32: 1>} : vector<1x512xi32>
    %ge3A = arith.constant 256 : i32
    %ge3A_0 = vector.broadcast %ge3A : i32 to vector<1x512xi32>
    %ge3A_1 = arith.cmpi sge, %iota3A, %ge3A_0 : vector<1x512xi32>
    %lt3A = arith.constant 384 : i32
    %lt3A_2 = vector.broadcast %lt3A : i32 to vector<1x512xi32>
    %lt3A_3 = arith.cmpi slt, %iota3A, %lt3A_2 : vector<1x512xi32>
    %and3A = arith.andi %ge3A_1, %lt3A_3 : vector<1x512xi1>
    %jit3A = arith.constant 1.000000e+00 : f32
    %jit3A_4 = arith.constant 5.000000e-01 : f32
    %broadcast_in_dim3A = vector.broadcast %jit3A : f32 to vector<1x512xf32>
    %broadcast_in_dim3A_5 = vector.broadcast %jit3A_4 : f32 to vector<1x512xf32>
    %select_n3A = arith.select %and3A, %broadcast_in_dim3A, %broadcast_in_dim3A_5 : vector<1x512xi1>, vector<1x512xf32>
    %get3A = arith.constant 0 : index
    %get3A_6 = arith.constant 0 : index
    %get3A_7 = vector.load %arg5[%get3A, %get3A_6] : memref<256x64xf32, #tpu.memory_space<vmem>>, vector<256x64xf32>
    %get3A_8 = arith.constant 0 : index
    %get3A_9 = arith.constant 0 : index
    %get3A_10 = vector.load %arg6[%get3A_8, %get3A_9] : memref<64x512xf32, #tpu.memory_space<vmem>>, vector<64x512xf32>
    %dot_general3A = arith.constant dense<0.000000e+00> : vector<256x512xf32>
    %dot_general3A_11 = tpu.matmul %get3A_7, %get3A_10, %dot_general3A {dimension_numbers = #tpu.dot_dimension_numbers<[1], [0], [0], [1], [0, 0, 1, 1], [], []>, precision = #tpu.contract_precision<fp32>, transpose_lhs_hint = false} : vector<256x64xf32>, vector<64x512xf32>, vector<256x512xf32> -> vector<256x512xf32>
    %get3A_12 = arith.constant 0 : index
    %get3A_13 = arith.constant 0 : index
    %get3A_14 = vector.load %arg8[%get3A_12, %get3A_13] : memref<256x512xf32, #tpu.memory_space<vmem>>, vector<256x512xf32>
    %add3A = arith.addf %dot_general3A_11, %get3A_14 : vector<256x512xf32>
    %slice3A = vector.extract_strided_slice %add3A {offsets = [0, 0], sizes = [128, 512], strides = [1, 1]} : vector<256x512xf32> to vector<128x512xf32>
    %get3A_15 = arith.constant 0 : index
    %get3A_16 = arith.constant 0 : index
    %get3A_17 = vector.load %arg7[%get3A_15, %get3A_16] : memref<128x512xf32, #tpu.memory_space<vmem>>, vector<128x512xf32>
    %slice3A_18 = vector.extract_strided_slice %add3A {offsets = [128, 0], sizes = [128, 512], strides = [1, 1]} : vector<256x512xf32> to vector<128x512xf32>
    %concatenate3A = tpu.concatenate %slice3A, %get3A_17, %slice3A_18 in 0 : vector<128x512xf32>, vector<128x512xf32>, vector<128x512xf32> -> vector<384x512xf32>
    %mul3A = vector.broadcast %select_n3A : vector<1x512xf32> to vector<384x512xf32>
    %mul3A_19 = arith.mulf %concatenate3A, %mul3A : vector<384x512xf32>
    %convert_element_type3A = arith.truncf %mul3A_19 : vector<384x512xf32> to vector<384x512xbf16>
    %get3A_20 = arith.constant 0 : index
    %get3A_21 = arith.constant 0 : index
    %get3A_22 = vector.load %arg1[%get3A_20, %get3A_21] : memref<1024x16xi32, #tpu.memory_space<vmem>>, vector<1024x16xi32>
    %iota3A_23 = tpu.iota {dimensions = array<i32: 1>} : vector<256x128xi32>
    %slice3A_24 = vector.extract_strided_slice %get3A_22 {offsets = [0, 0], sizes = [256, 16], strides = [1, 1]} : vector<1024x16xi32> to vector<256x16xi32>
    %broadcast_in_dim3A_25 = arith.constant 0.000000e+00 : f32
    %broadcast_in_dim3A_26 = vector.broadcast %broadcast_in_dim3A_25 : f32 to vector<256x128xf32>
    %broadcast_in_dim3A_27 = arith.constant 0.000000e+00 : f32
    %broadcast_in_dim3A_28 = vector.broadcast %broadcast_in_dim3A_27 : f32 to vector<256x128xf32>
    %slice3A_29 = vector.extract_strided_slice %get3A_22 {offsets = [256, 0], sizes = [256, 16], strides = [1, 1]} : vector<1024x16xi32> to vector<256x16xi32>
    %broadcast_in_dim3A_30 = arith.constant 0.000000e+00 : f32
    %broadcast_in_dim3A_31 = vector.broadcast %broadcast_in_dim3A_30 : f32 to vector<256x128xf32>
    %broadcast_in_dim3A_32 = arith.constant 0.000000e+00 : f32
    %broadcast_in_dim3A_33 = vector.broadcast %broadcast_in_dim3A_32 : f32 to vector<256x128xf32>
    %slice3A_34 = vector.extract_strided_slice %get3A_22 {offsets = [512, 0], sizes = [256, 16], strides = [1, 1]} : vector<1024x16xi32> to vector<256x16xi32>
    %broadcast_in_dim3A_35 = arith.constant 0.000000e+00 : f32
    %broadcast_in_dim3A_36 = vector.broadcast %broadcast_in_dim3A_35 : f32 to vector<256x128xf32>
    %broadcast_in_dim3A_37 = arith.constant 0.000000e+00 : f32
    %broadcast_in_dim3A_38 = vector.broadcast %broadcast_in_dim3A_37 : f32 to vector<256x128xf32>
    %slice3A_39 = vector.extract_strided_slice %get3A_22 {offsets = [768, 0], sizes = [256, 16], strides = [1, 1]} : vector<1024x16xi32> to vector<256x16xi32>
    %broadcast_in_dim3A_40 = arith.constant 0.000000e+00 : f32
    %broadcast_in_dim3A_41 = vector.broadcast %broadcast_in_dim3A_40 : f32 to vector<256x128xf32>
    %broadcast_in_dim3A_42 = arith.constant 0.000000e+00 : f32
    %broadcast_in_dim3A_43 = vector.broadcast %broadcast_in_dim3A_42 : f32 to vector<256x128xf32>
    %slice3A_44 = vector.extract_strided_slice %slice3A_24 {offsets = [0, 0], sizes = [256, 1], strides = [1, 1]} : vector<256x16xi32> to vector<256x1xi32>
    %eq3A = vector.broadcast %slice3A_44 : vector<256x1xi32> to vector<256x128xi32>
    %eq3A_45 = arith.cmpi eq, %iota3A_23, %eq3A : vector<256x128xi32>
    %convert_element_type3A_46 = arith.extui %eq3A_45 : vector<256x128xi1> to vector<256x128xi32>
    %convert_element_type3A_47 = arith.sitofp %convert_element_type3A_46 : vector<256x128xi32> to vector<256x128xf32>
    %convert_element_type3A_48 = arith.truncf %convert_element_type3A_47 : vector<256x128xf32> to vector<256x128xbf16>
    %convert_element_type3A_49 = arith.truncf %broadcast_in_dim3A_26 : vector<256x128xf32> to vector<256x128xbf16>
    %slice3A_50 = vector.extract_strided_slice %slice3A_24 {offsets = [0, 15], sizes = [256, 1], strides = [1, 1]} : vector<256x16xi32> to vector<256x1xi32>
    %eq3A_51 = vector.broadcast %slice3A_50 : vector<256x1xi32> to vector<256x128xi32>
    %eq3A_52 = arith.cmpi eq, %iota3A_23, %eq3A_51 : vector<256x128xi32>
    %convert_element_type3A_53 = arith.extui %eq3A_52 : vector<256x128xi1> to vector<256x128xi32>
    %convert_element_type3A_54 = arith.sitofp %convert_element_type3A_53 : vector<256x128xi32> to vector<256x128xf32>
    %convert_element_type3A_55 = arith.truncf %convert_element_type3A_54 : vector<256x128xf32> to vector<256x128xbf16>
    %concatenate3A_56 = tpu.concatenate %convert_element_type3A_48, %convert_element_type3A_49, %convert_element_type3A_55 in 1 : vector<256x128xbf16>, vector<256x128xbf16>, vector<256x128xbf16> -> vector<256x384xbf16>
    %slice3A_57 = vector.extract_strided_slice %slice3A_29 {offsets = [0, 0], sizes = [256, 1], strides = [1, 1]} : vector<256x16xi32> to vector<256x1xi32>
    %eq3A_58 = vector.broadcast %slice3A_57 : vector<256x1xi32> to vector<256x128xi32>
    %eq3A_59 = arith.cmpi eq, %iota3A_23, %eq3A_58 : vector<256x128xi32>
    %convert_element_type3A_60 = arith.extui %eq3A_59 : vector<256x128xi1> to vector<256x128xi32>
    %convert_element_type3A_61 = arith.sitofp %convert_element_type3A_60 : vector<256x128xi32> to vector<256x128xf32>
    %convert_element_type3A_62 = arith.truncf %convert_element_type3A_61 : vector<256x128xf32> to vector<256x128xbf16>
    %convert_element_type3A_63 = arith.truncf %broadcast_in_dim3A_31 : vector<256x128xf32> to vector<256x128xbf16>
    %slice3A_64 = vector.extract_strided_slice %slice3A_29 {offsets = [0, 15], sizes = [256, 1], strides = [1, 1]} : vector<256x16xi32> to vector<256x1xi32>
    %eq3A_65 = vector.broadcast %slice3A_64 : vector<256x1xi32> to vector<256x128xi32>
    %eq3A_66 = arith.cmpi eq, %iota3A_23, %eq3A_65 : vector<256x128xi32>
    %convert_element_type3A_67 = arith.extui %eq3A_66 : vector<256x128xi1> to vector<256x128xi32>
    %convert_element_type3A_68 = arith.sitofp %convert_element_type3A_67 : vector<256x128xi32> to vector<256x128xf32>
    %convert_element_type3A_69 = arith.truncf %convert_element_type3A_68 : vector<256x128xf32> to vector<256x128xbf16>
    %concatenate3A_70 = tpu.concatenate %convert_element_type3A_62, %convert_element_type3A_63, %convert_element_type3A_69 in 1 : vector<256x128xbf16>, vector<256x128xbf16>, vector<256x128xbf16> -> vector<256x384xbf16>
    %slice3A_71 = vector.extract_strided_slice %slice3A_34 {offsets = [0, 0], sizes = [256, 1], strides = [1, 1]} : vector<256x16xi32> to vector<256x1xi32>
    %eq3A_72 = vector.broadcast %slice3A_71 : vector<256x1xi32> to vector<256x128xi32>
    %eq3A_73 = arith.cmpi eq, %iota3A_23, %eq3A_72 : vector<256x128xi32>
    %convert_element_type3A_74 = arith.extui %eq3A_73 : vector<256x128xi1> to vector<256x128xi32>
    %convert_element_type3A_75 = arith.sitofp %convert_element_type3A_74 : vector<256x128xi32> to vector<256x128xf32>
    %convert_element_type3A_76 = arith.truncf %convert_element_type3A_75 : vector<256x128xf32> to vector<256x128xbf16>
    %convert_element_type3A_77 = arith.truncf %broadcast_in_dim3A_36 : vector<256x128xf32> to vector<256x128xbf16>
    %slice3A_78 = vector.extract_strided_slice %slice3A_34 {offsets = [0, 15], sizes = [256, 1], strides = [1, 1]} : vector<256x16xi32> to vector<256x1xi32>
    %eq3A_79 = vector.broadcast %slice3A_78 : vector<256x1xi32> to vector<256x128xi32>
    %eq3A_80 = arith.cmpi eq, %iota3A_23, %eq3A_79 : vector<256x128xi32>
    %convert_element_type3A_81 = arith.extui %eq3A_80 : vector<256x128xi1> to vector<256x128xi32>
    %convert_element_type3A_82 = arith.sitofp %convert_element_type3A_81 : vector<256x128xi32> to vector<256x128xf32>
    %convert_element_type3A_83 = arith.truncf %convert_element_type3A_82 : vector<256x128xf32> to vector<256x128xbf16>
    %concatenate3A_84 = tpu.concatenate %convert_element_type3A_76, %convert_element_type3A_77, %convert_element_type3A_83 in 1 : vector<256x128xbf16>, vector<256x128xbf16>, vector<256x128xbf16> -> vector<256x384xbf16>
    %slice3A_85 = vector.extract_strided_slice %slice3A_39 {offsets = [0, 0], sizes = [256, 1], strides = [1, 1]} : vector<256x16xi32> to vector<256x1xi32>
    %eq3A_86 = vector.broadcast %slice3A_85 : vector<256x1xi32> to vector<256x128xi32>
    %eq3A_87 = arith.cmpi eq, %iota3A_23, %eq3A_86 : vector<256x128xi32>
    %convert_element_type3A_88 = arith.extui %eq3A_87 : vector<256x128xi1> to vector<256x128xi32>
    %convert_element_type3A_89 = arith.sitofp %convert_element_type3A_88 : vector<256x128xi32> to vector<256x128xf32>
    %convert_element_type3A_90 = arith.truncf %convert_element_type3A_89 : vector<256x128xf32> to vector<256x128xbf16>
    %convert_element_type3A_91 = arith.truncf %broadcast_in_dim3A_41 : vector<256x128xf32> to vector<256x128xbf16>
    %slice3A_92 = vector.extract_strided_slice %slice3A_39 {offsets = [0, 15], sizes = [256, 1], strides = [1, 1]} : vector<256x16xi32> to vector<256x1xi32>
    %eq3A_93 = vector.broadcast %slice3A_92 : vector<256x1xi32> to vector<256x128xi32>
    %eq3A_94 = arith.cmpi eq, %iota3A_23, %eq3A_93 : vector<256x128xi32>
    %convert_element_type3A_95 = arith.extui %eq3A_94 : vector<256x128xi1> to vector<256x128xi32>
    %convert_element_type3A_96 = arith.sitofp %convert_element_type3A_95 : vector<256x128xi32> to vector<256x128xf32>
    %convert_element_type3A_97 = arith.truncf %convert_element_type3A_96 : vector<256x128xf32> to vector<256x128xbf16>
    %concatenate3A_98 = tpu.concatenate %convert_element_type3A_90, %convert_element_type3A_91, %convert_element_type3A_97 in 1 : vector<256x128xbf16>, vector<256x128xbf16>, vector<256x128xbf16> -> vector<256x384xbf16>
    %dot_general3A_99 = arith.constant dense<0.000000e+00> : vector<256x512xf32>
    %dot_general3A_100 = tpu.matmul %concatenate3A_56, %convert_element_type3A, %dot_general3A_99 {dimension_numbers = #tpu.dot_dimension_numbers<[1], [0], [0], [1], [0, 0, 1, 1], [], []>, transpose_lhs_hint = false} : vector<256x384xbf16>, vector<384x512xbf16>, vector<256x512xf32> -> vector<256x512xf32>
    %tanh3A = math.tanh %dot_general3A_100 : vector<256x512xf32>
    %dot_general3A_101 = arith.constant dense<0.000000e+00> : vector<256x512xf32>
    %dot_general3A_102 = tpu.matmul %concatenate3A_70, %convert_element_type3A, %dot_general3A_101 {dimension_numbers = #tpu.dot_dimension_numbers<[1], [0], [0], [1], [0, 0, 1, 1], [], []>, transpose_lhs_hint = false} : vector<256x384xbf16>, vector<384x512xbf16>, vector<256x512xf32> -> vector<256x512xf32>
    %tanh3A_103 = math.tanh %dot_general3A_102 : vector<256x512xf32>
    %dot_general3A_104 = arith.constant dense<0.000000e+00> : vector<256x512xf32>
    %dot_general3A_105 = tpu.matmul %concatenate3A_84, %convert_element_type3A, %dot_general3A_104 {dimension_numbers = #tpu.dot_dimension_numbers<[1], [0], [0], [1], [0, 0, 1, 1], [], []>, transpose_lhs_hint = false} : vector<256x384xbf16>, vector<384x512xbf16>, vector<256x512xf32> -> vector<256x512xf32>
    %tanh3A_106 = math.tanh %dot_general3A_105 : vector<256x512xf32>
    %dot_general3A_107 = arith.constant dense<0.000000e+00> : vector<256x512xf32>
    %dot_general3A_108 = tpu.matmul %concatenate3A_98, %convert_element_type3A, %dot_general3A_107 {dimension_numbers = #tpu.dot_dimension_numbers<[1], [0], [0], [1], [0, 0, 1, 1], [], []>, transpose_lhs_hint = false} : vector<256x384xbf16>, vector<384x512xbf16>, vector<256x512xf32> -> vector<256x512xf32>
    %tanh3A_109 = math.tanh %dot_general3A_108 : vector<256x512xf32>
    %slice3A_110 = vector.extract_strided_slice %tanh3A {offsets = [0, 0], sizes = [256, 128], strides = [1, 1]} : vector<256x512xf32> to vector<256x128xf32>
    %mul3A_111 = arith.constant 5.000000e-01 : f32
    %mul3A_112 = vector.broadcast %mul3A_111 : f32 to vector<256x128xf32>
    %mul3A_113 = arith.mulf %mul3A_112, %slice3A_110 : vector<256x128xf32>
    %add3A_114 = arith.constant 5.000000e-01 : f32
    %add3A_115 = vector.broadcast %add3A_114 : f32 to vector<256x128xf32>
    %add3A_116 = arith.addf %add3A_115, %mul3A_113 : vector<256x128xf32>
    %slice3A_117 = vector.extract_strided_slice %tanh3A {offsets = [0, 128], sizes = [256, 128], strides = [1, 1]} : vector<256x512xf32> to vector<256x128xf32>
    %mul3A_118 = arith.constant 5.000000e-01 : f32
    %mul3A_119 = vector.broadcast %mul3A_118 : f32 to vector<256x128xf32>
    %mul3A_120 = arith.mulf %mul3A_119, %slice3A_117 : vector<256x128xf32>
    %add3A_121 = arith.constant 5.000000e-01 : f32
    %add3A_122 = vector.broadcast %add3A_121 : f32 to vector<256x128xf32>
    %add3A_123 = arith.addf %add3A_122, %mul3A_120 : vector<256x128xf32>
    %slice3A_124 = vector.extract_strided_slice %tanh3A {offsets = [0, 256], sizes = [256, 128], strides = [1, 1]} : vector<256x512xf32> to vector<256x128xf32>
    %slice3A_125 = vector.extract_strided_slice %tanh3A {offsets = [0, 384], sizes = [256, 128], strides = [1, 1]} : vector<256x512xf32> to vector<256x128xf32>
    %mul3A_126 = arith.constant 5.000000e-01 : f32
    %mul3A_127 = vector.broadcast %mul3A_126 : f32 to vector<256x128xf32>
    %mul3A_128 = arith.mulf %mul3A_127, %slice3A_125 : vector<256x128xf32>
    %add3A_129 = arith.constant 5.000000e-01 : f32
    %add3A_130 = vector.broadcast %add3A_129 : f32 to vector<256x128xf32>
    %add3A_131 = arith.addf %add3A_130, %mul3A_128 : vector<256x128xf32>
    %mul3A_132 = arith.mulf %add3A_123, %broadcast_in_dim3A_28 : vector<256x128xf32>
    %mul3A_133 = arith.mulf %add3A_116, %slice3A_124 : vector<256x128xf32>
    %add3A_134 = arith.addf %mul3A_132, %mul3A_133 : vector<256x128xf32>
    %tanh3A_135 = math.tanh %add3A_134 : vector<256x128xf32>
    %mul3A_136 = arith.mulf %add3A_131, %tanh3A_135 : vector<256x128xf32>
    %slice3A_137 = vector.extract_strided_slice %tanh3A_103 {offsets = [0, 0], sizes = [256, 128], strides = [1, 1]} : vector<256x512xf32> to vector<256x128xf32>
    %mul3A_138 = arith.constant 5.000000e-01 : f32
    %mul3A_139 = vector.broadcast %mul3A_138 : f32 to vector<256x128xf32>
    %mul3A_140 = arith.mulf %mul3A_139, %slice3A_137 : vector<256x128xf32>
    %add3A_141 = arith.constant 5.000000e-01 : f32
    %add3A_142 = vector.broadcast %add3A_141 : f32 to vector<256x128xf32>
    %add3A_143 = arith.addf %add3A_142, %mul3A_140 : vector<256x128xf32>
    %slice3A_144 = vector.extract_strided_slice %tanh3A_103 {offsets = [0, 128], sizes = [256, 128], strides = [1, 1]} : vector<256x512xf32> to vector<256x128xf32>
    %mul3A_145 = arith.constant 5.000000e-01 : f32
    %mul3A_146 = vector.broadcast %mul3A_145 : f32 to vector<256x128xf32>
    %mul3A_147 = arith.mulf %mul3A_146, %slice3A_144 : vector<256x128xf32>
    %add3A_148 = arith.constant 5.000000e-01 : f32
    %add3A_149 = vector.broadcast %add3A_148 : f32 to vector<256x128xf32>
    %add3A_150 = arith.addf %add3A_149, %mul3A_147 : vector<256x128xf32>
    %slice3A_151 = vector.extract_strided_slice %tanh3A_103 {offsets = [0, 256], sizes = [256, 128], strides = [1, 1]} : vector<256x512xf32> to vector<256x128xf32>
    %slice3A_152 = vector.extract_strided_slice %tanh3A_103 {offsets = [0, 384], sizes = [256, 128], strides = [1, 1]} : vector<256x512xf32> to vector<256x128xf32>
    %mul3A_153 = arith.constant 5.000000e-01 : f32
    %mul3A_154 = vector.broadcast %mul3A_153 : f32 to vector<256x128xf32>
    %mul3A_155 = arith.mulf %mul3A_154, %slice3A_152 : vector<256x128xf32>
    %add3A_156 = arith.constant 5.000000e-01 : f32
    %add3A_157 = vector.broadcast %add3A_156 : f32 to vector<256x128xf32>
    %add3A_158 = arith.addf %add3A_157, %mul3A_155 : vector<256x128xf32>
    %mul3A_159 = arith.mulf %add3A_150, %broadcast_in_dim3A_33 : vector<256x128xf32>
    %mul3A_160 = arith.mulf %add3A_143, %slice3A_151 : vector<256x128xf32>
    %add3A_161 = arith.addf %mul3A_159, %mul3A_160 : vector<256x128xf32>
    %tanh3A_162 = math.tanh %add3A_161 : vector<256x128xf32>
    %mul3A_163 = arith.mulf %add3A_158, %tanh3A_162 : vector<256x128xf32>
    %slice3A_164 = vector.extract_strided_slice %tanh3A_106 {offsets = [0, 0], sizes = [256, 128], strides = [1, 1]} : vector<256x512xf32> to vector<256x128xf32>
    %mul3A_165 = arith.constant 5.000000e-01 : f32
    %mul3A_166 = vector.broadcast %mul3A_165 : f32 to vector<256x128xf32>
    %mul3A_167 = arith.mulf %mul3A_166, %slice3A_164 : vector<256x128xf32>
    %add3A_168 = arith.constant 5.000000e-01 : f32
    %add3A_169 = vector.broadcast %add3A_168 : f32 to vector<256x128xf32>
    %add3A_170 = arith.addf %add3A_169, %mul3A_167 : vector<256x128xf32>
    %slice3A_171 = vector.extract_strided_slice %tanh3A_106 {offsets = [0, 128], sizes = [256, 128], strides = [1, 1]} : vector<256x512xf32> to vector<256x128xf32>
    %mul3A_172 = arith.constant 5.000000e-01 : f32
    %mul3A_173 = vector.broadcast %mul3A_172 : f32 to vector<256x128xf32>
    %mul3A_174 = arith.mulf %mul3A_173, %slice3A_171 : vector<256x128xf32>
    %add3A_175 = arith.constant 5.000000e-01 : f32
    %add3A_176 = vector.broadcast %add3A_175 : f32 to vector<256x128xf32>
    %add3A_177 = arith.addf %add3A_176, %mul3A_174 : vector<256x128xf32>
    %slice3A_178 = vector.extract_strided_slice %tanh3A_106 {offsets = [0, 256], sizes = [256, 128], strides = [1, 1]} : vector<256x512xf32> to vector<256x128xf32>
    %slice3A_179 = vector.extract_strided_slice %tanh3A_106 {offsets = [0, 384], sizes = [256, 128], strides = [1, 1]} : vector<256x512xf32> to vector<256x128xf32>
    %mul3A_180 = arith.constant 5.000000e-01 : f32
    %mul3A_181 = vector.broadcast %mul3A_180 : f32 to vector<256x128xf32>
    %mul3A_182 = arith.mulf %mul3A_181, %slice3A_179 : vector<256x128xf32>
    %add3A_183 = arith.constant 5.000000e-01 : f32
    %add3A_184 = vector.broadcast %add3A_183 : f32 to vector<256x128xf32>
    %add3A_185 = arith.addf %add3A_184, %mul3A_182 : vector<256x128xf32>
    %mul3A_186 = arith.mulf %add3A_177, %broadcast_in_dim3A_38 : vector<256x128xf32>
    %mul3A_187 = arith.mulf %add3A_170, %slice3A_178 : vector<256x128xf32>
    %add3A_188 = arith.addf %mul3A_186, %mul3A_187 : vector<256x128xf32>
    %tanh3A_189 = math.tanh %add3A_188 : vector<256x128xf32>
    %mul3A_190 = arith.mulf %add3A_185, %tanh3A_189 : vector<256x128xf32>
    %slice3A_191 = vector.extract_strided_slice %tanh3A_109 {offsets = [0, 0], sizes = [256, 128], strides = [1, 1]} : vector<256x512xf32> to vector<256x128xf32>
    %mul3A_192 = arith.constant 5.000000e-01 : f32
    %mul3A_193 = vector.broadcast %mul3A_192 : f32 to vector<256x128xf32>
    %mul3A_194 = arith.mulf %mul3A_193, %slice3A_191 : vector<256x128xf32>
    %add3A_195 = arith.constant 5.000000e-01 : f32
    %add3A_196 = vector.broadcast %add3A_195 : f32 to vector<256x128xf32>
    %add3A_197 = arith.addf %add3A_196, %mul3A_194 : vector<256x128xf32>
    %slice3A_198 = vector.extract_strided_slice %tanh3A_109 {offsets = [0, 128], sizes = [256, 128], strides = [1, 1]} : vector<256x512xf32> to vector<256x128xf32>
    %mul3A_199 = arith.constant 5.000000e-01 : f32
    %mul3A_200 = vector.broadcast %mul3A_199 : f32 to vector<256x128xf32>
    %mul3A_201 = arith.mulf %mul3A_200, %slice3A_198 : vector<256x128xf32>
    %add3A_202 = arith.constant 5.000000e-01 : f32
    %add3A_203 = vector.broadcast %add3A_202 : f32 to vector<256x128xf32>
    %add3A_204 = arith.addf %add3A_203, %mul3A_201 : vector<256x128xf32>
    %slice3A_205 = vector.extract_strided_slice %tanh3A_109 {offsets = [0, 256], sizes = [256, 128], strides = [1, 1]} : vector<256x512xf32> to vector<256x128xf32>
    %slice3A_206 = vector.extract_strided_slice %tanh3A_109 {offsets = [0, 384], sizes = [256, 128], strides = [1, 1]} : vector<256x512xf32> to vector<256x128xf32>
    %mul3A_207 = arith.constant 5.000000e-01 : f32
    %mul3A_208 = vector.broadcast %mul3A_207 : f32 to vector<256x128xf32>
    %mul3A_209 = arith.mulf %mul3A_208, %slice3A_206 : vector<256x128xf32>
    %add3A_210 = arith.constant 5.000000e-01 : f32
    %add3A_211 = vector.broadcast %add3A_210 : f32 to vector<256x128xf32>
    %add3A_212 = arith.addf %add3A_211, %mul3A_209 : vector<256x128xf32>
    %mul3A_213 = arith.mulf %add3A_204, %broadcast_in_dim3A_43 : vector<256x128xf32>
    %mul3A_214 = arith.mulf %add3A_197, %slice3A_205 : vector<256x128xf32>
    %add3A_215 = arith.addf %mul3A_213, %mul3A_214 : vector<256x128xf32>
    %tanh3A_216 = math.tanh %add3A_215 : vector<256x128xf32>
    %mul3A_217 = arith.mulf %add3A_212, %tanh3A_216 : vector<256x128xf32>
    %slice3A_218 = vector.extract_strided_slice %slice3A_24 {offsets = [0, 1], sizes = [256, 1], strides = [1, 1]} : vector<256x16xi32> to vector<256x1xi32>
    %eq3A_219 = vector.broadcast %slice3A_218 : vector<256x1xi32> to vector<256x128xi32>
    %eq3A_220 = arith.cmpi eq, %iota3A_23, %eq3A_219 : vector<256x128xi32>
    %convert_element_type3A_221 = arith.extui %eq3A_220 : vector<256x128xi1> to vector<256x128xi32>
    %convert_element_type3A_222 = arith.sitofp %convert_element_type3A_221 : vector<256x128xi32> to vector<256x128xf32>
    %convert_element_type3A_223 = arith.truncf %convert_element_type3A_222 : vector<256x128xf32> to vector<256x128xbf16>
    %convert_element_type3A_224 = arith.truncf %mul3A_136 : vector<256x128xf32> to vector<256x128xbf16>
    %slice3A_225 = vector.extract_strided_slice %slice3A_24 {offsets = [0, 14], sizes = [256, 1], strides = [1, 1]} : vector<256x16xi32> to vector<256x1xi32>
    %eq3A_226 = vector.broadcast %slice3A_225 : vector<256x1xi32> to vector<256x128xi32>
    %eq3A_227 = arith.cmpi eq, %iota3A_23, %eq3A_226 : vector<256x128xi32>
    %convert_element_type3A_228 = arith.extui %eq3A_227 : vector<256x128xi1> to vector<256x128xi32>
    %convert_element_type3A_229 = arith.sitofp %convert_element_type3A_228 : vector<256x128xi32> to vector<256x128xf32>
    %convert_element_type3A_230 = arith.truncf %convert_element_type3A_229 : vector<256x128xf32> to vector<256x128xbf16>
    %concatenate3A_231 = tpu.concatenate %convert_element_type3A_223, %convert_element_type3A_224, %convert_element_type3A_230 in 1 : vector<256x128xbf16>, vector<256x128xbf16>, vector<256x128xbf16> -> vector<256x384xbf16>
    %slice3A_232 = vector.extract_strided_slice %slice3A_29 {offsets = [0, 1], sizes = [256, 1], strides = [1, 1]} : vector<256x16xi32> to vector<256x1xi32>
    %eq3A_233 = vector.broadcast %slice3A_232 : vector<256x1xi32> to vector<256x128xi32>
    %eq3A_234 = arith.cmpi eq, %iota3A_23, %eq3A_233 : vector<256x128xi32>
    %convert_element_type3A_235 = arith.extui %eq3A_234 : vector<256x128xi1> to vector<256x128xi32>
    %convert_element_type3A_236 = arith.sitofp %convert_element_type3A_235 : vector<256x128xi32> to vector<256x128xf32>
    %convert_element_type3A_237 = arith.truncf %convert_element_type3A_236 : vector<256x128xf32> to vector<256x128xbf16>
    %convert_element_type3A_238 = arith.truncf %mul3A_163 : vector<256x128xf32> to vector<256x128xbf16>
    %slice3A_239 = vector.extract_strided_slice %slice3A_29 {offsets = [0, 14], sizes = [256, 1], strides = [1, 1]} : vector<256x16xi32> to vector<256x1xi32>
    %eq3A_240 = vector.broadcast %slice3A_239 : vector<256x1xi32> to vector<256x128xi32>
    %eq3A_241 = arith.cmpi eq, %iota3A_23, %eq3A_240 : vector<256x128xi32>
    %convert_element_type3A_242 = arith.extui %eq3A_241 : vector<256x128xi1> to vector<256x128xi32>
    %convert_element_type3A_243 = arith.sitofp %convert_element_type3A_242 : vector<256x128xi32> to vector<256x128xf32>
    %convert_element_type3A_244 = arith.truncf %convert_element_type3A_243 : vector<256x128xf32> to vector<256x128xbf16>
    %concatenate3A_245 = tpu.concatenate %convert_element_type3A_237, %convert_element_type3A_238, %convert_element_type3A_244 in 1 : vector<256x128xbf16>, vector<256x128xbf16>, vector<256x128xbf16> -> vector<256x384xbf16>
    %slice3A_246 = vector.extract_strided_slice %slice3A_34 {offsets = [0, 1], sizes = [256, 1], strides = [1, 1]} : vector<256x16xi32> to vector<256x1xi32>
    %eq3A_247 = vector.broadcast %slice3A_246 : vector<256x1xi32> to vector<256x128xi32>
    %eq3A_248 = arith.cmpi eq, %iota3A_23, %eq3A_247 : vector<256x128xi32>
    %convert_element_type3A_249 = arith.extui %eq3A_248 : vector<256x128xi1> to vector<256x128xi32>
    %convert_element_type3A_250 = arith.sitofp %convert_element_type3A_249 : vector<256x128xi32> to vector<256x128xf32>
    %convert_element_type3A_251 = arith.truncf %convert_element_type3A_250 : vector<256x128xf32> to vector<256x128xbf16>
    %convert_element_type3A_252 = arith.truncf %mul3A_190 : vector<256x128xf32> to vector<256x128xbf16>
    %slice3A_253 = vector.extract_strided_slice %slice3A_34 {offsets = [0, 14], sizes = [256, 1], strides = [1, 1]} : vector<256x16xi32> to vector<256x1xi32>
    %eq3A_254 = vector.broadcast %slice3A_253 : vector<256x1xi32> to vector<256x128xi32>
    %eq3A_255 = arith.cmpi eq, %iota3A_23, %eq3A_254 : vector<256x128xi32>
    %convert_element_type3A_256 = arith.extui %eq3A_255 : vector<256x128xi1> to vector<256x128xi32>
    %convert_element_type3A_257 = arith.sitofp %convert_element_type3A_256 : vector<256x128xi32> to vector<256x128xf32>
    %convert_element_type3A_258 = arith.truncf %convert_element_type3A_257 : vector<256x128xf32> to vector<256x128xbf16>
    %concatenate3A_259 = tpu.concatenate %convert_element_type3A_251, %convert_element_type3A_252, %convert_element_type3A_258 in 1 : vector<256x128xbf16>, vector<256x128xbf16>, vector<256x128xbf16> -> vector<256x384xbf16>
    %slice3A_260 = vector.extract_strided_slice %slice3A_39 {offsets = [0, 1], sizes = [256, 1], strides = [1, 1]} : vector<256x16xi32> to vector<256x1xi32>
    %eq3A_261 = vector.broadcast %slice3A_260 : vector<256x1xi32> to vector<256x128xi32>
    %eq3A_262 = arith.cmpi eq, %iota3A_23, %eq3A_261 : vector<256x128xi32>
    %convert_element_type3A_263 = arith.extui %eq3A_262 : vector<256x128xi1> to vector<256x128xi32>
    %convert_element_type3A_264 = arith.sitofp %convert_element_type3A_263 : vector<256x128xi32> to vector<256x128xf32>
    %convert_element_type3A_265 = arith.truncf %convert_element_type3A_264 : vector<256x128xf32> to vector<256x128xbf16>
    %convert_element_type3A_266 = arith.truncf %mul3A_217 : vector<256x128xf32> to vector<256x128xbf16>
    %slice3A_267 = vector.extract_strided_slice %slice3A_39 {offsets = [0, 14], sizes = [256, 1], strides = [1, 1]} : vector<256x16xi32> to vector<256x1xi32>
    %eq3A_268 = vector.broadcast %slice3A_267 : vector<256x1xi32> to vector<256x128xi32>
    %eq3A_269 = arith.cmpi eq, %iota3A_23, %eq3A_268 : vector<256x128xi32>
    %convert_element_type3A_270 = arith.extui %eq3A_269 : vector<256x128xi1> to vector<256x128xi32>
    %convert_element_type3A_271 = arith.sitofp %convert_element_type3A_270 : vector<256x128xi32> to vector<256x128xf32>
    %convert_element_type3A_272 = arith.truncf %convert_element_type3A_271 : vector<256x128xf32> to vector<256x128xbf16>
    %concatenate3A_273 = tpu.concatenate %convert_element_type3A_265, %convert_element_type3A_266, %convert_element_type3A_272 in 1 : vector<256x128xbf16>, vector<256x128xbf16>, vector<256x128xbf16> -> vector<256x384xbf16>
    %dot_general3A_274 = arith.constant dense<0.000000e+00> : vector<256x512xf32>
    %dot_general3A_275 = tpu.matmul %concatenate3A_231, %convert_element_type3A, %dot_general3A_274 {dimension_numbers = #tpu.dot_dimension_numbers<[1], [0], [0], [1], [0, 0, 1, 1], [], []>, transpose_lhs_hint = false} : vector<256x384xbf16>, vector<384x512xbf16>, vector<256x512xf32> -> vector<256x512xf32>
    %tanh3A_276 = math.tanh %dot_general3A_275 : vector<256x512xf32>
    %dot_general3A_277 = arith.constant dense<0.000000e+00> : vector<256x512xf32>
    %dot_general3A_278 = tpu.matmul %concatenate3A_245, %convert_element_type3A, %dot_general3A_277 {dimension_numbers = #tpu.dot_dimension_numbers<[1], [0], [0], [1], [0, 0, 1, 1], [], []>, transpose_lhs_hint = false} : vector<256x384xbf16>, vector<384x512xbf16>, vector<256x512xf32> -> vector<256x512xf32>
    %tanh3A_279 = math.tanh %dot_general3A_278 : vector<256x512xf32>
    %dot_general3A_280 = arith.constant dense<0.000000e+00> : vector<256x512xf32>
    %dot_general3A_281 = tpu.matmul %concatenate3A_259, %convert_element_type3A, %dot_general3A_280 {dimension_numbers = #tpu.dot_dimension_numbers<[1], [0], [0], [1], [0, 0, 1, 1], [], []>, transpose_lhs_hint = false} : vector<256x384xbf16>, vector<384x512xbf16>, vector<256x512xf32> -> vector<256x512xf32>
    %tanh3A_282 = math.tanh %dot_general3A_281 : vector<256x512xf32>
    %dot_general3A_283 = arith.constant dense<0.000000e+00> : vector<256x512xf32>
    %dot_general3A_284 = tpu.matmul %concatenate3A_273, %convert_element_type3A, %dot_general3A_283 {dimension_numbers = #tpu.dot_dimension_numbers<[1], [0], [0], [1], [0, 0, 1, 1], [], []>, transpose_lhs_hint = false} : vector<256x384xbf16>, vector<384x512xbf16>, vector<256x512xf32> -> vector<256x512xf32>
    %tanh3A_285 = math.tanh %dot_general3A_284 : vector<256x512xf32>
    %slice3A_286 = vector.extract_strided_slice %tanh3A_276 {offsets = [0, 0], sizes = [256, 128], strides = [1, 1]} : vector<256x512xf32> to vector<256x128xf32>
    %mul3A_287 = arith.constant 5.000000e-01 : f32
    %mul3A_288 = vector.broadcast %mul3A_287 : f32 to vector<256x128xf32>
    %mul3A_289 = arith.mulf %mul3A_288, %slice3A_286 : vector<256x128xf32>
    %add3A_290 = arith.constant 5.000000e-01 : f32
    %add3A_291 = vector.broadcast %add3A_290 : f32 to vector<256x128xf32>
    %add3A_292 = arith.addf %add3A_291, %mul3A_289 : vector<256x128xf32>
    %slice3A_293 = vector.extract_strided_slice %tanh3A_276 {offsets = [0, 128], sizes = [256, 128], strides = [1, 1]} : vector<256x512xf32> to vector<256x128xf32>
    %mul3A_294 = arith.constant 5.000000e-01 : f32
    %mul3A_295 = vector.broadcast %mul3A_294 : f32 to vector<256x128xf32>
    %mul3A_296 = arith.mulf %mul3A_295, %slice3A_293 : vector<256x128xf32>
    %add3A_297 = arith.constant 5.000000e-01 : f32
    %add3A_298 = vector.broadcast %add3A_297 : f32 to vector<256x128xf32>
    %add3A_299 = arith.addf %add3A_298, %mul3A_296 : vector<256x128xf32>
    %slice3A_300 = vector.extract_strided_slice %tanh3A_276 {offsets = [0, 256], sizes = [256, 128], strides = [1, 1]} : vector<256x512xf32> to vector<256x128xf32>
    %slice3A_301 = vector.extract_strided_slice %tanh3A_276 {offsets = [0, 384], sizes = [256, 128], strides = [1, 1]} : vector<256x512xf32> to vector<256x128xf32>
    %mul3A_302 = arith.constant 5.000000e-01 : f32
    %mul3A_303 = vector.broadcast %mul3A_302 : f32 to vector<256x128xf32>
    %mul3A_304 = arith.mulf %mul3A_303, %slice3A_301 : vector<256x128xf32>
    %add3A_305 = arith.constant 5.000000e-01 : f32
    %add3A_306 = vector.broadcast %add3A_305 : f32 to vector<256x128xf32>
    %add3A_307 = arith.addf %add3A_306, %mul3A_304 : vector<256x128xf32>
    %mul3A_308 = arith.mulf %add3A_299, %add3A_134 : vector<256x128xf32>
    %mul3A_309 = arith.mulf %add3A_292, %slice3A_300 : vector<256x128xf32>
    %add3A_310 = arith.addf %mul3A_308, %mul3A_309 : vector<256x128xf32>
    %tanh3A_311 = math.tanh %add3A_310 : vector<256x128xf32>
    %mul3A_312 = arith.mulf %add3A_307, %tanh3A_311 : vector<256x128xf32>
    %slice3A_313 = vector.extract_strided_slice %tanh3A_279 {offsets = [0, 0], sizes = [256, 128], strides = [1, 1]} : vector<256x512xf32> to vector<256x128xf32>
    %mul3A_314 = arith.constant 5.000000e-01 : f32
    %mul3A_315 = vector.broadcast %mul3A_314 : f32 to vector<256x128xf32>
    %mul3A_316 = arith.mulf %mul3A_315, %slice3A_313 : vector<256x128xf32>
    %add3A_317 = arith.constant 5.000000e-01 : f32
    %add3A_318 = vector.broadcast %add3A_317 : f32 to vector<256x128xf32>
    %add3A_319 = arith.addf %add3A_318, %mul3A_316 : vector<256x128xf32>
    %slice3A_320 = vector.extract_strided_slice %tanh3A_279 {offsets = [0, 128], sizes = [256, 128], strides = [1, 1]} : vector<256x512xf32> to vector<256x128xf32>
    %mul3A_321 = arith.constant 5.000000e-01 : f32
    %mul3A_322 = vector.broadcast %mul3A_321 : f32 to vector<256x128xf32>
    %mul3A_323 = arith.mulf %mul3A_322, %slice3A_320 : vector<256x128xf32>
    %add3A_324 = arith.constant 5.000000e-01 : f32
    %add3A_325 = vector.broadcast %add3A_324 : f32 to vector<256x128xf32>
    %add3A_326 = arith.addf %add3A_325, %mul3A_323 : vector<256x128xf32>
    %slice3A_327 = vector.extract_strided_slice %tanh3A_279 {offsets = [0, 256], sizes = [256, 128], strides = [1, 1]} : vector<256x512xf32> to vector<256x128xf32>
    %slice3A_328 = vector.extract_strided_slice %tanh3A_279 {offsets = [0, 384], sizes = [256, 128], strides = [1, 1]} : vector<256x512xf32> to vector<256x128xf32>
    %mul3A_329 = arith.constant 5.000000e-01 : f32
    %mul3A_330 = vector.broadcast %mul3A_329 : f32 to vector<256x128xf32>
    %mul3A_331 = arith.mulf %mul3A_330, %slice3A_328 : vector<256x128xf32>
    %add3A_332 = arith.constant 5.000000e-01 : f32
    %add3A_333 = vector.broadcast %add3A_332 : f32 to vector<256x128xf32>
    %add3A_334 = arith.addf %add3A_333, %mul3A_331 : vector<256x128xf32>
    %mul3A_335 = arith.mulf %add3A_326, %add3A_161 : vector<256x128xf32>
    %mul3A_336 = arith.mulf %add3A_319, %slice3A_327 : vector<256x128xf32>
    %add3A_337 = arith.addf %mul3A_335, %mul3A_336 : vector<256x128xf32>
    %tanh3A_338 = math.tanh %add3A_337 : vector<256x128xf32>
    %mul3A_339 = arith.mulf %add3A_334, %tanh3A_338 : vector<256x128xf32>
    %slice3A_340 = vector.extract_strided_slice %tanh3A_282 {offsets = [0, 0], sizes = [256, 128], strides = [1, 1]} : vector<256x512xf32> to vector<256x128xf32>
    %mul3A_341 = arith.constant 5.000000e-01 : f32
    %mul3A_342 = vector.broadcast %mul3A_341 : f32 to vector<256x128xf32>
    %mul3A_343 = arith.mulf %mul3A_342, %slice3A_340 : vector<256x128xf32>
    %add3A_344 = arith.constant 5.000000e-01 : f32
    %add3A_345 = vector.broadcast %add3A_344 : f32 to vector<256x128xf32>
    %add3A_346 = arith.addf %add3A_345, %mul3A_343 : vector<256x128xf32>
    %slice3A_347 = vector.extract_strided_slice %tanh3A_282 {offsets = [0, 128], sizes = [256, 128], strides = [1, 1]} : vector<256x512xf32> to vector<256x128xf32>
    %mul3A_348 = arith.constant 5.000000e-01 : f32
    %mul3A_349 = vector.broadcast %mul3A_348 : f32 to vector<256x128xf32>
    %mul3A_350 = arith.mulf %mul3A_349, %slice3A_347 : vector<256x128xf32>
    %add3A_351 = arith.constant 5.000000e-01 : f32
    %add3A_352 = vector.broadcast %add3A_351 : f32 to vector<256x128xf32>
    %add3A_353 = arith.addf %add3A_352, %mul3A_350 : vector<256x128xf32>
    %slice3A_354 = vector.extract_strided_slice %tanh3A_282 {offsets = [0, 256], sizes = [256, 128], strides = [1, 1]} : vector<256x512xf32> to vector<256x128xf32>
    %slice3A_355 = vector.extract_strided_slice %tanh3A_282 {offsets = [0, 384], sizes = [256, 128], strides = [1, 1]} : vector<256x512xf32> to vector<256x128xf32>
    %mul3A_356 = arith.constant 5.000000e-01 : f32
    %mul3A_357 = vector.broadcast %mul3A_356 : f32 to vector<256x128xf32>
    %mul3A_358 = arith.mulf %mul3A_357, %slice3A_355 : vector<256x128xf32>
    %add3A_359 = arith.constant 5.000000e-01 : f32
    %add3A_360 = vector.broadcast %add3A_359 : f32 to vector<256x128xf32>
    %add3A_361 = arith.addf %add3A_360, %mul3A_358 : vector<256x128xf32>
    %mul3A_362 = arith.mulf %add3A_353, %add3A_188 : vector<256x128xf32>
    %mul3A_363 = arith.mulf %add3A_346, %slice3A_354 : vector<256x128xf32>
    %add3A_364 = arith.addf %mul3A_362, %mul3A_363 : vector<256x128xf32>
    %tanh3A_365 = math.tanh %add3A_364 : vector<256x128xf32>
    %mul3A_366 = arith.mulf %add3A_361, %tanh3A_365 : vector<256x128xf32>
    %slice3A_367 = vector.extract_strided_slice %tanh3A_285 {offsets = [0, 0], sizes = [256, 128], strides = [1, 1]} : vector<256x512xf32> to vector<256x128xf32>
    %mul3A_368 = arith.constant 5.000000e-01 : f32
    %mul3A_369 = vector.broadcast %mul3A_368 : f32 to vector<256x128xf32>
    %mul3A_370 = arith.mulf %mul3A_369, %slice3A_367 : vector<256x128xf32>
    %add3A_371 = arith.constant 5.000000e-01 : f32
    %add3A_372 = vector.broadcast %add3A_371 : f32 to vector<256x128xf32>
    %add3A_373 = arith.addf %add3A_372, %mul3A_370 : vector<256x128xf32>
    %slice3A_374 = vector.extract_strided_slice %tanh3A_285 {offsets = [0, 128], sizes = [256, 128], strides = [1, 1]} : vector<256x512xf32> to vector<256x128xf32>
    %mul3A_375 = arith.constant 5.000000e-01 : f32
    %mul3A_376 = vector.broadcast %mul3A_375 : f32 to vector<256x128xf32>
    %mul3A_377 = arith.mulf %mul3A_376, %slice3A_374 : vector<256x128xf32>
    %add3A_378 = arith.constant 5.000000e-01 : f32
    %add3A_379 = vector.broadcast %add3A_378 : f32 to vector<256x128xf32>
    %add3A_380 = arith.addf %add3A_379, %mul3A_377 : vector<256x128xf32>
    %slice3A_381 = vector.extract_strided_slice %tanh3A_285 {offsets = [0, 256], sizes = [256, 128], strides = [1, 1]} : vector<256x512xf32> to vector<256x128xf32>
    %slice3A_382 = vector.extract_strided_slice %tanh3A_285 {offsets = [0, 384], sizes = [256, 128], strides = [1, 1]} : vector<256x512xf32> to vector<256x128xf32>
    %mul3A_383 = arith.constant 5.000000e-01 : f32
    %mul3A_384 = vector.broadcast %mul3A_383 : f32 to vector<256x128xf32>
    %mul3A_385 = arith.mulf %mul3A_384, %slice3A_382 : vector<256x128xf32>
    %add3A_386 = arith.constant 5.000000e-01 : f32
    %add3A_387 = vector.broadcast %add3A_386 : f32 to vector<256x128xf32>
    %add3A_388 = arith.addf %add3A_387, %mul3A_385 : vector<256x128xf32>
    %mul3A_389 = arith.mulf %add3A_380, %add3A_215 : vector<256x128xf32>
    %mul3A_390 = arith.mulf %add3A_373, %slice3A_381 : vector<256x128xf32>
    %add3A_391 = arith.addf %mul3A_389, %mul3A_390 : vector<256x128xf32>
    %tanh3A_392 = math.tanh %add3A_391 : vector<256x128xf32>
    %mul3A_393 = arith.mulf %add3A_388, %tanh3A_392 : vector<256x128xf32>
    %slice3A_394 = vector.extract_strided_slice %slice3A_24 {offsets = [0, 2], sizes = [256, 1], strides = [1, 1]} : vector<256x16xi32> to vector<256x1xi32>
    %eq3A_395 = vector.broadcast %slice3A_394 : vector<256x1xi32> to vector<256x128xi32>
    %eq3A_396 = arith.cmpi eq, %iota3A_23, %eq3A_395 : vector<256x128xi32>
    %convert_element_type3A_397 = arith.extui %eq3A_396 : vector<256x128xi1> to vector<256x128xi32>
    %convert_element_type3A_398 = arith.sitofp %convert_element_type3A_397 : vector<256x128xi32> to vector<256x128xf32>
    %convert_element_type3A_399 = arith.truncf %convert_element_type3A_398 : vector<256x128xf32> to vector<256x128xbf16>
    %convert_element_type3A_400 = arith.truncf %mul3A_312 : vector<256x128xf32> to vector<256x128xbf16>
    %slice3A_401 = vector.extract_strided_slice %slice3A_24 {offsets = [0, 13], sizes = [256, 1], strides = [1, 1]} : vector<256x16xi32> to vector<256x1xi32>
    %eq3A_402 = vector.broadcast %slice3A_401 : vector<256x1xi32> to vector<256x128xi32>
    %eq3A_403 = arith.cmpi eq, %iota3A_23, %eq3A_402 : vector<256x128xi32>
    %convert_element_type3A_404 = arith.extui %eq3A_403 : vector<256x128xi1> to vector<256x128xi32>
    %convert_element_type3A_405 = arith.sitofp %convert_element_type3A_404 : vector<256x128xi32> to vector<256x128xf32>
    %convert_element_type3A_406 = arith.truncf %convert_element_type3A_405 : vector<256x128xf32> to vector<256x128xbf16>
    %concatenate3A_407 = tpu.concatenate %convert_element_type3A_399, %convert_element_type3A_400, %convert_element_type3A_406 in 1 : vector<256x128xbf16>, vector<256x128xbf16>, vector<256x128xbf16> -> vector<256x384xbf16>
    %slice3A_408 = vector.extract_strided_slice %slice3A_29 {offsets = [0, 2], sizes = [256, 1], strides = [1, 1]} : vector<256x16xi32> to vector<256x1xi32>
    %eq3A_409 = vector.broadcast %slice3A_408 : vector<256x1xi32> to vector<256x128xi32>
    %eq3A_410 = arith.cmpi eq, %iota3A_23, %eq3A_409 : vector<256x128xi32>
    %convert_element_type3A_411 = arith.extui %eq3A_410 : vector<256x128xi1> to vector<256x128xi32>
    %convert_element_type3A_412 = arith.sitofp %convert_element_type3A_411 : vector<256x128xi32> to vector<256x128xf32>
    %convert_element_type3A_413 = arith.truncf %convert_element_type3A_412 : vector<256x128xf32> to vector<256x128xbf16>
    %convert_element_type3A_414 = arith.truncf %mul3A_339 : vector<256x128xf32> to vector<256x128xbf16>
    %slice3A_415 = vector.extract_strided_slice %slice3A_29 {offsets = [0, 13], sizes = [256, 1], strides = [1, 1]} : vector<256x16xi32> to vector<256x1xi32>
    %eq3A_416 = vector.broadcast %slice3A_415 : vector<256x1xi32> to vector<256x128xi32>
    %eq3A_417 = arith.cmpi eq, %iota3A_23, %eq3A_416 : vector<256x128xi32>
    %convert_element_type3A_418 = arith.extui %eq3A_417 : vector<256x128xi1> to vector<256x128xi32>
    %convert_element_type3A_419 = arith.sitofp %convert_element_type3A_418 : vector<256x128xi32> to vector<256x128xf32>
    %convert_element_type3A_420 = arith.truncf %convert_element_type3A_419 : vector<256x128xf32> to vector<256x128xbf16>
    %concatenate3A_421 = tpu.concatenate %convert_element_type3A_413, %convert_element_type3A_414, %convert_element_type3A_420 in 1 : vector<256x128xbf16>, vector<256x128xbf16>, vector<256x128xbf16> -> vector<256x384xbf16>
    %slice3A_422 = vector.extract_strided_slice %slice3A_34 {offsets = [0, 2], sizes = [256, 1], strides = [1, 1]} : vector<256x16xi32> to vector<256x1xi32>
    %eq3A_423 = vector.broadcast %slice3A_422 : vector<256x1xi32> to vector<256x128xi32>
    %eq3A_424 = arith.cmpi eq, %iota3A_23, %eq3A_423 : vector<256x128xi32>
    %convert_element_type3A_425 = arith.extui %eq3A_424 : vector<256x128xi1> to vector<256x128xi32>
    %convert_element_type3A_426 = arith.sitofp %convert_element_type3A_425 : vector<256x128xi32> to vector<256x128xf32>
    %convert_element_type3A_427 = arith.truncf %convert_element_type3A_426 : vector<256x128xf32> to vector<256x128xbf16>
    %convert_element_type3A_428 = arith.truncf %mul3A_366 : vector<256x128xf32> to vector<256x128xbf16>
    %slice3A_429 = vector.extract_strided_slice %slice3A_34 {offsets = [0, 13], sizes = [256, 1], strides = [1, 1]} : vector<256x16xi32> to vector<256x1xi32>
    %eq3A_430 = vector.broadcast %slice3A_429 : vector<256x1xi32> to vector<256x128xi32>
    %eq3A_431 = arith.cmpi eq, %iota3A_23, %eq3A_430 : vector<256x128xi32>
    %convert_element_type3A_432 = arith.extui %eq3A_431 : vector<256x128xi1> to vector<256x128xi32>
    %convert_element_type3A_433 = arith.sitofp %convert_element_type3A_432 : vector<256x128xi32> to vector<256x128xf32>
    %convert_element_type3A_434 = arith.truncf %convert_element_type3A_433 : vector<256x128xf32> to vector<256x128xbf16>
    %concatenate3A_435 = tpu.concatenate %convert_element_type3A_427, %convert_element_type3A_428, %convert_element_type3A_434 in 1 : vector<256x128xbf16>, vector<256x128xbf16>, vector<256x128xbf16> -> vector<256x384xbf16>
    %slice3A_436 = vector.extract_strided_slice %slice3A_39 {offsets = [0, 2], sizes = [256, 1], strides = [1, 1]} : vector<256x16xi32> to vector<256x1xi32>
    %eq3A_437 = vector.broadcast %slice3A_436 : vector<256x1xi32> to vector<256x128xi32>
    %eq3A_438 = arith.cmpi eq, %iota3A_23, %eq3A_437 : vector<256x128xi32>
    %convert_element_type3A_439 = arith.extui %eq3A_438 : vector<256x128xi1> to vector<256x128xi32>
    %convert_element_type3A_440 = arith.sitofp %convert_element_type3A_439 : vector<256x128xi32> to vector<256x128xf32>
    %convert_element_type3A_441 = arith.truncf %convert_element_type3A_440 : vector<256x128xf32> to vector<256x128xbf16>
    %convert_element_type3A_442 = arith.truncf %mul3A_393 : vector<256x128xf32> to vector<256x128xbf16>
    %slice3A_443 = vector.extract_strided_slice %slice3A_39 {offsets = [0, 13], sizes = [256, 1], strides = [1, 1]} : vector<256x16xi32> to vector<256x1xi32>
    %eq3A_444 = vector.broadcast %slice3A_443 : vector<256x1xi32> to vector<256x128xi32>
    %eq3A_445 = arith.cmpi eq, %iota3A_23, %eq3A_444 : vector<256x128xi32>
    %convert_element_type3A_446 = arith.extui %eq3A_445 : vector<256x128xi1> to vector<256x128xi32>
    %convert_element_type3A_447 = arith.sitofp %convert_element_type3A_446 : vector<256x128xi32> to vector<256x128xf32>
    %convert_element_type3A_448 = arith.truncf %convert_element_type3A_447 : vector<256x128xf32> to vector<256x128xbf16>
    %concatenate3A_449 = tpu.concatenate %convert_element_type3A_441, %convert_element_type3A_442, %convert_element_type3A_448 in 1 : vector<256x128xbf16>, vector<256x128xbf16>, vector<256x128xbf16> -> vector<256x384xbf16>
    %dot_general3A_450 = arith.constant dense<0.000000e+00> : vector<256x512xf32>
    %dot_general3A_451 = tpu.matmul %concatenate3A_407, %convert_element_type3A, %dot_general3A_450 {dimension_numbers = #tpu.dot_dimension_numbers<[1], [0], [0], [1], [0, 0, 1, 1], [], []>, transpose_lhs_hint = false} : vector<256x384xbf16>, vector<384x512xbf16>, vector<256x512xf32> -> vector<256x512xf32>
    %tanh3A_452 = math.tanh %dot_general3A_451 : vector<256x512xf32>
    %dot_general3A_453 = arith.constant dense<0.000000e+00> : vector<256x512xf32>
    %dot_general3A_454 = tpu.matmul %concatenate3A_421, %convert_element_type3A, %dot_general3A_453 {dimension_numbers = #tpu.dot_dimension_numbers<[1], [0], [0], [1], [0, 0, 1, 1], [], []>, transpose_lhs_hint = false} : vector<256x384xbf16>, vector<384x512xbf16>, vector<256x512xf32> -> vector<256x512xf32>
    %tanh3A_455 = math.tanh %dot_general3A_454 : vector<256x512xf32>
    %dot_general3A_456 = arith.constant dense<0.000000e+00> : vector<256x512xf32>
    %dot_general3A_457 = tpu.matmul %concatenate3A_435, %convert_element_type3A, %dot_general3A_456 {dimension_numbers = #tpu.dot_dimension_numbers<[1], [0], [0], [1], [0, 0, 1, 1], [], []>, transpose_lhs_hint = false} : vector<256x384xbf16>, vector<384x512xbf16>, vector<256x512xf32> -> vector<256x512xf32>
    %tanh3A_458 = math.tanh %dot_general3A_457 : vector<256x512xf32>
    %dot_general3A_459 = arith.constant dense<0.000000e+00> : vector<256x512xf32>
    %dot_general3A_460 = tpu.matmul %concatenate3A_449, %convert_element_type3A, %dot_general3A_459 {dimension_numbers = #tpu.dot_dimension_numbers<[1], [0], [0], [1], [0, 0, 1, 1], [], []>, transpose_lhs_hint = false} : vector<256x384xbf16>, vector<384x512xbf16>, vector<256x512xf32> -> vector<256x512xf32>
    %tanh3A_461 = math.tanh %dot_general3A_460 : vector<256x512xf32>
    %slice3A_462 = vector.extract_strided_slice %tanh3A_452 {offsets = [0, 0], sizes = [256, 128], strides = [1, 1]} : vector<256x512xf32> to vector<256x128xf32>
    %mul3A_463 = arith.constant 5.000000e-01 : f32
    %mul3A_464 = vector.broadcast %mul3A_463 : f32 to vector<256x128xf32>
    %mul3A_465 = arith.mulf %mul3A_464, %slice3A_462 : vector<256x128xf32>
    %add3A_466 = arith.constant 5.000000e-01 : f32
    %add3A_467 = vector.broadcast %add3A_466 : f32 to vector<256x128xf32>
    %add3A_468 = arith.addf %add3A_467, %mul3A_465 : vector<256x128xf32>
    %slice3A_469 = vector.extract_strided_slice %tanh3A_452 {offsets = [0, 128], sizes = [256, 128], strides = [1, 1]} : vector<256x512xf32> to vector<256x128xf32>
    %mul3A_470 = arith.constant 5.000000e-01 : f32
    %mul3A_471 = vector.broadcast %mul3A_470 : f32 to vector<256x128xf32>
    %mul3A_472 = arith.mulf %mul3A_471, %slice3A_469 : vector<256x128xf32>
    %add3A_473 = arith.constant 5.000000e-01 : f32
    %add3A_474 = vector.broadcast %add3A_473 : f32 to vector<256x128xf32>
    %add3A_475 = arith.addf %add3A_474, %mul3A_472 : vector<256x128xf32>
    %slice3A_476 = vector.extract_strided_slice %tanh3A_452 {offsets = [0, 256], sizes = [256, 128], strides = [1, 1]} : vector<256x512xf32> to vector<256x128xf32>
    %slice3A_477 = vector.extract_strided_slice %tanh3A_452 {offsets = [0, 384], sizes = [256, 128], strides = [1, 1]} : vector<256x512xf32> to vector<256x128xf32>
    %mul3A_478 = arith.constant 5.000000e-01 : f32
    %mul3A_479 = vector.broadcast %mul3A_478 : f32 to vector<256x128xf32>
    %mul3A_480 = arith.mulf %mul3A_479, %slice3A_477 : vector<256x128xf32>
    %add3A_481 = arith.constant 5.000000e-01 : f32
    %add3A_482 = vector.broadcast %add3A_481 : f32 to vector<256x128xf32>
    %add3A_483 = arith.addf %add3A_482, %mul3A_480 : vector<256x128xf32>
    %mul3A_484 = arith.mulf %add3A_475, %add3A_310 : vector<256x128xf32>
    %mul3A_485 = arith.mulf %add3A_468, %slice3A_476 : vector<256x128xf32>
    %add3A_486 = arith.addf %mul3A_484, %mul3A_485 : vector<256x128xf32>
    %tanh3A_487 = math.tanh %add3A_486 : vector<256x128xf32>
    %mul3A_488 = arith.mulf %add3A_483, %tanh3A_487 : vector<256x128xf32>
    %slice3A_489 = vector.extract_strided_slice %tanh3A_455 {offsets = [0, 0], sizes = [256, 128], strides = [1, 1]} : vector<256x512xf32> to vector<256x128xf32>
    %mul3A_490 = arith.constant 5.000000e-01 : f32
    %mul3A_491 = vector.broadcast %mul3A_490 : f32 to vector<256x128xf32>
    %mul3A_492 = arith.mulf %mul3A_491, %slice3A_489 : vector<256x128xf32>
    %add3A_493 = arith.constant 5.000000e-01 : f32
    %add3A_494 = vector.broadcast %add3A_493 : f32 to vector<256x128xf32>
    %add3A_495 = arith.addf %add3A_494, %mul3A_492 : vector<256x128xf32>
    %slice3A_496 = vector.extract_strided_slice %tanh3A_455 {offsets = [0, 128], sizes = [256, 128], strides = [1, 1]} : vector<256x512xf32> to vector<256x128xf32>
    %mul3A_497 = arith.constant 5.000000e-01 : f32
    %mul3A_498 = vector.broadcast %mul3A_497 : f32 to vector<256x128xf32>
    %mul3A_499 = arith.mulf %mul3A_498, %slice3A_496 : vector<256x128xf32>
    %add3A_500 = arith.constant 5.000000e-01 : f32
    %add3A_501 = vector.broadcast %add3A_500 : f32 to vector<256x128xf32>
    %add3A_502 = arith.addf %add3A_501, %mul3A_499 : vector<256x128xf32>
    %slice3A_503 = vector.extract_strided_slice %tanh3A_455 {offsets = [0, 256], sizes = [256, 128], strides = [1, 1]} : vector<256x512xf32> to vector<256x128xf32>
    %slice3A_504 = vector.extract_strided_slice %tanh3A_455 {offsets = [0, 384], sizes = [256, 128], strides = [1, 1]} : vector<256x512xf32> to vector<256x128xf32>
    %mul3A_505 = arith.constant 5.000000e-01 : f32
    %mul3A_506 = vector.broadcast %mul3A_505 : f32 to vector<256x128xf32>
    %mul3A_507 = arith.mulf %mul3A_506, %slice3A_504 : vector<256x128xf32>
    %add3A_508 = arith.constant 5.000000e-01 : f32
    %add3A_509 = vector.broadcast %add3A_508 : f32 to vector<256x128xf32>
    %add3A_510 = arith.addf %add3A_509, %mul3A_507 : vector<256x128xf32>
    %mul3A_511 = arith.mulf %add3A_502, %add3A_337 : vector<256x128xf32>
    %mul3A_512 = arith.mulf %add3A_495, %slice3A_503 : vector<256x128xf32>
    %add3A_513 = arith.addf %mul3A_511, %mul3A_512 : vector<256x128xf32>
    %tanh3A_514 = math.tanh %add3A_513 : vector<256x128xf32>
    %mul3A_515 = arith.mulf %add3A_510, %tanh3A_514 : vector<256x128xf32>
    %slice3A_516 = vector.extract_strided_slice %tanh3A_458 {offsets = [0, 0], sizes = [256, 128], strides = [1, 1]} : vector<256x512xf32> to vector<256x128xf32>
    %mul3A_517 = arith.constant 5.000000e-01 : f32
    %mul3A_518 = vector.broadcast %mul3A_517 : f32 to vector<256x128xf32>
    %mul3A_519 = arith.mulf %mul3A_518, %slice3A_516 : vector<256x128xf32>
    %add3A_520 = arith.constant 5.000000e-01 : f32
    %add3A_521 = vector.broadcast %add3A_520 : f32 to vector<256x128xf32>
    %add3A_522 = arith.addf %add3A_521, %mul3A_519 : vector<256x128xf32>
    %slice3A_523 = vector.extract_strided_slice %tanh3A_458 {offsets = [0, 128], sizes = [256, 128], strides = [1, 1]} : vector<256x512xf32> to vector<256x128xf32>
    %mul3A_524 = arith.constant 5.000000e-01 : f32
    %mul3A_525 = vector.broadcast %mul3A_524 : f32 to vector<256x128xf32>
    %mul3A_526 = arith.mulf %mul3A_525, %slice3A_523 : vector<256x128xf32>
    %add3A_527 = arith.constant 5.000000e-01 : f32
    %add3A_528 = vector.broadcast %add3A_527 : f32 to vector<256x128xf32>
    %add3A_529 = arith.addf %add3A_528, %mul3A_526 : vector<256x128xf32>
    %slice3A_530 = vector.extract_strided_slice %tanh3A_458 {offsets = [0, 256], sizes = [256, 128], strides = [1, 1]} : vector<256x512xf32> to vector<256x128xf32>
    %slice3A_531 = vector.extract_strided_slice %tanh3A_458 {offsets = [0, 384], sizes = [256, 128], strides = [1, 1]} : vector<256x512xf32> to vector<256x128xf32>
    %mul3A_532 = arith.constant 5.000000e-01 : f32
    %mul3A_533 = vector.broadcast %mul3A_532 : f32 to vector<256x128xf32>
    %mul3A_534 = arith.mulf %mul3A_533, %slice3A_531 : vector<256x128xf32>
    %add3A_535 = arith.constant 5.000000e-01 : f32
    %add3A_536 = vector.broadcast %add3A_535 : f32 to vector<256x128xf32>
    %add3A_537 = arith.addf %add3A_536, %mul3A_534 : vector<256x128xf32>
    %mul3A_538 = arith.mulf %add3A_529, %add3A_364 : vector<256x128xf32>
    %mul3A_539 = arith.mulf %add3A_522, %slice3A_530 : vector<256x128xf32>
    %add3A_540 = arith.addf %mul3A_538, %mul3A_539 : vector<256x128xf32>
    %tanh3A_541 = math.tanh %add3A_540 : vector<256x128xf32>
    %mul3A_542 = arith.mulf %add3A_537, %tanh3A_541 : vector<256x128xf32>
    %slice3A_543 = vector.extract_strided_slice %tanh3A_461 {offsets = [0, 0], sizes = [256, 128], strides = [1, 1]} : vector<256x512xf32> to vector<256x128xf32>
    %mul3A_544 = arith.constant 5.000000e-01 : f32
    %mul3A_545 = vector.broadcast %mul3A_544 : f32 to vector<256x128xf32>
    %mul3A_546 = arith.mulf %mul3A_545, %slice3A_543 : vector<256x128xf32>
    %add3A_547 = arith.constant 5.000000e-01 : f32
    %add3A_548 = vector.broadcast %add3A_547 : f32 to vector<256x128xf32>
    %add3A_549 = arith.addf %add3A_548, %mul3A_546 : vector<256x128xf32>
    %slice3A_550 = vector.extract_strided_slice %tanh3A_461 {offsets = [0, 128], sizes = [256, 128], strides = [1, 1]} : vector<256x512xf32> to vector<256x128xf32>
    %mul3A_551 = arith.constant 5.000000e-01 : f32
    %mul3A_552 = vector.broadcast %mul3A_551 : f32 to vector<256x128xf32>
    %mul3A_553 = arith.mulf %mul3A_552, %slice3A_550 : vector<256x128xf32>
    %add3A_554 = arith.constant 5.000000e-01 : f32
    %add3A_555 = vector.broadcast %add3A_554 : f32 to vector<256x128xf32>
    %add3A_556 = arith.addf %add3A_555, %mul3A_553 : vector<256x128xf32>
    %slice3A_557 = vector.extract_strided_slice %tanh3A_461 {offsets = [0, 256], sizes = [256, 128], strides = [1, 1]} : vector<256x512xf32> to vector<256x128xf32>
    %slice3A_558 = vector.extract_strided_slice %tanh3A_461 {offsets = [0, 384], sizes = [256, 128], strides = [1, 1]} : vector<256x512xf32> to vector<256x128xf32>
    %mul3A_559 = arith.constant 5.000000e-01 : f32
    %mul3A_560 = vector.broadcast %mul3A_559 : f32 to vector<256x128xf32>
    %mul3A_561 = arith.mulf %mul3A_560, %slice3A_558 : vector<256x128xf32>
    %add3A_562 = arith.constant 5.000000e-01 : f32
    %add3A_563 = vector.broadcast %add3A_562 : f32 to vector<256x128xf32>
    %add3A_564 = arith.addf %add3A_563, %mul3A_561 : vector<256x128xf32>
    %mul3A_565 = arith.mulf %add3A_556, %add3A_391 : vector<256x128xf32>
    %mul3A_566 = arith.mulf %add3A_549, %slice3A_557 : vector<256x128xf32>
    %add3A_567 = arith.addf %mul3A_565, %mul3A_566 : vector<256x128xf32>
    %tanh3A_568 = math.tanh %add3A_567 : vector<256x128xf32>
    %mul3A_569 = arith.mulf %add3A_564, %tanh3A_568 : vector<256x128xf32>
    %slice3A_570 = vector.extract_strided_slice %slice3A_24 {offsets = [0, 3], sizes = [256, 1], strides = [1, 1]} : vector<256x16xi32> to vector<256x1xi32>
    %eq3A_571 = vector.broadcast %slice3A_570 : vector<256x1xi32> to vector<256x128xi32>
    %eq3A_572 = arith.cmpi eq, %iota3A_23, %eq3A_571 : vector<256x128xi32>
    %convert_element_type3A_573 = arith.extui %eq3A_572 : vector<256x128xi1> to vector<256x128xi32>
    %convert_element_type3A_574 = arith.sitofp %convert_element_type3A_573 : vector<256x128xi32> to vector<256x128xf32>
    %convert_element_type3A_575 = arith.truncf %convert_element_type3A_574 : vector<256x128xf32> to vector<256x128xbf16>
    %convert_element_type3A_576 = arith.truncf %mul3A_488 : vector<256x128xf32> to vector<256x128xbf16>
    %slice3A_577 = vector.extract_strided_slice %slice3A_24 {offsets = [0, 12], sizes = [256, 1], strides = [1, 1]} : vector<256x16xi32> to vector<256x1xi32>
    %eq3A_578 = vector.broadcast %slice3A_577 : vector<256x1xi32> to vector<256x128xi32>
    %eq3A_579 = arith.cmpi eq, %iota3A_23, %eq3A_578 : vector<256x128xi32>
    %convert_element_type3A_580 = arith.extui %eq3A_579 : vector<256x128xi1> to vector<256x128xi32>
    %convert_element_type3A_581 = arith.sitofp %convert_element_type3A_580 : vector<256x128xi32> to vector<256x128xf32>
    %convert_element_type3A_582 = arith.truncf %convert_element_type3A_581 : vector<256x128xf32> to vector<256x128xbf16>
    %concatenate3A_583 = tpu.concatenate %convert_element_type3A_575, %convert_element_type3A_576, %convert_element_type3A_582 in 1 : vector<256x128xbf16>, vector<256x128xbf16>, vector<256x128xbf16> -> vector<256x384xbf16>
    %slice3A_584 = vector.extract_strided_slice %slice3A_29 {offsets = [0, 3], sizes = [256, 1], strides = [1, 1]} : vector<256x16xi32> to vector<256x1xi32>
    %eq3A_585 = vector.broadcast %slice3A_584 : vector<256x1xi32> to vector<256x128xi32>
    %eq3A_586 = arith.cmpi eq, %iota3A_23, %eq3A_585 : vector<256x128xi32>
    %convert_element_type3A_587 = arith.extui %eq3A_586 : vector<256x128xi1> to vector<256x128xi32>
    %convert_element_type3A_588 = arith.sitofp %convert_element_type3A_587 : vector<256x128xi32> to vector<256x128xf32>
    %convert_element_type3A_589 = arith.truncf %convert_element_type3A_588 : vector<256x128xf32> to vector<256x128xbf16>
    %convert_element_type3A_590 = arith.truncf %mul3A_515 : vector<256x128xf32> to vector<256x128xbf16>
    %slice3A_591 = vector.extract_strided_slice %slice3A_29 {offsets = [0, 12], sizes = [256, 1], strides = [1, 1]} : vector<256x16xi32> to vector<256x1xi32>
    %eq3A_592 = vector.broadcast %slice3A_591 : vector<256x1xi32> to vector<256x128xi32>
    %eq3A_593 = arith.cmpi eq, %iota3A_23, %eq3A_592 : vector<256x128xi32>
    %convert_element_type3A_594 = arith.extui %eq3A_593 : vector<256x128xi1> to vector<256x128xi32>
    %convert_element_type3A_595 = arith.sitofp %convert_element_type3A_594 : vector<256x128xi32> to vector<256x128xf32>
    %convert_element_type3A_596 = arith.truncf %convert_element_type3A_595 : vector<256x128xf32> to vector<256x128xbf16>
    %concatenate3A_597 = tpu.concatenate %convert_element_type3A_589, %convert_element_type3A_590, %convert_element_type3A_596 in 1 : vector<256x128xbf16>, vector<256x128xbf16>, vector<256x128xbf16> -> vector<256x384xbf16>
    %slice3A_598 = vector.extract_strided_slice %slice3A_34 {offsets = [0, 3], sizes = [256, 1], strides = [1, 1]} : vector<256x16xi32> to vector<256x1xi32>
    %eq3A_599 = vector.broadcast %slice3A_598 : vector<256x1xi32> to vector<256x128xi32>
    %eq3A_600 = arith.cmpi eq, %iota3A_23, %eq3A_599 : vector<256x128xi32>
    %convert_element_type3A_601 = arith.extui %eq3A_600 : vector<256x128xi1> to vector<256x128xi32>
    %convert_element_type3A_602 = arith.sitofp %convert_element_type3A_601 : vector<256x128xi32> to vector<256x128xf32>
    %convert_element_type3A_603 = arith.truncf %convert_element_type3A_602 : vector<256x128xf32> to vector<256x128xbf16>
    %convert_element_type3A_604 = arith.truncf %mul3A_542 : vector<256x128xf32> to vector<256x128xbf16>
    %slice3A_605 = vector.extract_strided_slice %slice3A_34 {offsets = [0, 12], sizes = [256, 1], strides = [1, 1]} : vector<256x16xi32> to vector<256x1xi32>
    %eq3A_606 = vector.broadcast %slice3A_605 : vector<256x1xi32> to vector<256x128xi32>
    %eq3A_607 = arith.cmpi eq, %iota3A_23, %eq3A_606 : vector<256x128xi32>
    %convert_element_type3A_608 = arith.extui %eq3A_607 : vector<256x128xi1> to vector<256x128xi32>
    %convert_element_type3A_609 = arith.sitofp %convert_element_type3A_608 : vector<256x128xi32> to vector<256x128xf32>
    %convert_element_type3A_610 = arith.truncf %convert_element_type3A_609 : vector<256x128xf32> to vector<256x128xbf16>
    %concatenate3A_611 = tpu.concatenate %convert_element_type3A_603, %convert_element_type3A_604, %convert_element_type3A_610 in 1 : vector<256x128xbf16>, vector<256x128xbf16>, vector<256x128xbf16> -> vector<256x384xbf16>
    %slice3A_612 = vector.extract_strided_slice %slice3A_39 {offsets = [0, 3], sizes = [256, 1], strides = [1, 1]} : vector<256x16xi32> to vector<256x1xi32>
    %eq3A_613 = vector.broadcast %slice3A_612 : vector<256x1xi32> to vector<256x128xi32>
    %eq3A_614 = arith.cmpi eq, %iota3A_23, %eq3A_613 : vector<256x128xi32>
    %convert_element_type3A_615 = arith.extui %eq3A_614 : vector<256x128xi1> to vector<256x128xi32>
    %convert_element_type3A_616 = arith.sitofp %convert_element_type3A_615 : vector<256x128xi32> to vector<256x128xf32>
    %convert_element_type3A_617 = arith.truncf %convert_element_type3A_616 : vector<256x128xf32> to vector<256x128xbf16>
    %convert_element_type3A_618 = arith.truncf %mul3A_569 : vector<256x128xf32> to vector<256x128xbf16>
    %slice3A_619 = vector.extract_strided_slice %slice3A_39 {offsets = [0, 12], sizes = [256, 1], strides = [1, 1]} : vector<256x16xi32> to vector<256x1xi32>
    %eq3A_620 = vector.broadcast %slice3A_619 : vector<256x1xi32> to vector<256x128xi32>
    %eq3A_621 = arith.cmpi eq, %iota3A_23, %eq3A_620 : vector<256x128xi32>
    %convert_element_type3A_622 = arith.extui %eq3A_621 : vector<256x128xi1> to vector<256x128xi32>
    %convert_element_type3A_623 = arith.sitofp %convert_element_type3A_622 : vector<256x128xi32> to vector<256x128xf32>
    %convert_element_type3A_624 = arith.truncf %convert_element_type3A_623 : vector<256x128xf32> to vector<256x128xbf16>
    %concatenate3A_625 = tpu.concatenate %convert_element_type3A_617, %convert_element_type3A_618, %convert_element_type3A_624 in 1 : vector<256x128xbf16>, vector<256x128xbf16>, vector<256x128xbf16> -> vector<256x384xbf16>
    %dot_general3A_626 = arith.constant dense<0.000000e+00> : vector<256x512xf32>
    %dot_general3A_627 = tpu.matmul %concatenate3A_583, %convert_element_type3A, %dot_general3A_626 {dimension_numbers = #tpu.dot_dimension_numbers<[1], [0], [0], [1], [0, 0, 1, 1], [], []>, transpose_lhs_hint = false} : vector<256x384xbf16>, vector<384x512xbf16>, vector<256x512xf32> -> vector<256x512xf32>
    %tanh3A_628 = math.tanh %dot_general3A_627 : vector<256x512xf32>
    %dot_general3A_629 = arith.constant dense<0.000000e+00> : vector<256x512xf32>
    %dot_general3A_630 = tpu.matmul %concatenate3A_597, %convert_element_type3A, %dot_general3A_629 {dimension_numbers = #tpu.dot_dimension_numbers<[1], [0], [0], [1], [0, 0, 1, 1], [], []>, transpose_lhs_hint = false} : vector<256x384xbf16>, vector<384x512xbf16>, vector<256x512xf32> -> vector<256x512xf32>
    %tanh3A_631 = math.tanh %dot_general3A_630 : vector<256x512xf32>
    %dot_general3A_632 = arith.constant dense<0.000000e+00> : vector<256x512xf32>
    %dot_general3A_633 = tpu.matmul %concatenate3A_611, %convert_element_type3A, %dot_general3A_632 {dimension_numbers = #tpu.dot_dimension_numbers<[1], [0], [0], [1], [0, 0, 1, 1], [], []>, transpose_lhs_hint = false} : vector<256x384xbf16>, vector<384x512xbf16>, vector<256x512xf32> -> vector<256x512xf32>
    %tanh3A_634 = math.tanh %dot_general3A_633 : vector<256x512xf32>
    %dot_general3A_635 = arith.constant dense<0.000000e+00> : vector<256x512xf32>
    %dot_general3A_636 = tpu.matmul %concatenate3A_625, %convert_element_type3A, %dot_general3A_635 {dimension_numbers = #tpu.dot_dimension_numbers<[1], [0], [0], [1], [0, 0, 1, 1], [], []>, transpose_lhs_hint = false} : vector<256x384xbf16>, vector<384x512xbf16>, vector<256x512xf32> -> vector<256x512xf32>
    %tanh3A_637 = math.tanh %dot_general3A_636 : vector<256x512xf32>
    %slice3A_638 = vector.extract_strided_slice %tanh3A_628 {offsets = [0, 0], sizes = [256, 128], strides = [1, 1]} : vector<256x512xf32> to vector<256x128xf32>
    %mul3A_639 = arith.constant 5.000000e-01 : f32
    %mul3A_640 = vector.broadcast %mul3A_639 : f32 to vector<256x128xf32>
    %mul3A_641 = arith.mulf %mul3A_640, %slice3A_638 : vector<256x128xf32>
    %add3A_642 = arith.constant 5.000000e-01 : f32
    %add3A_643 = vector.broadcast %add3A_642 : f32 to vector<256x128xf32>
    %add3A_644 = arith.addf %add3A_643, %mul3A_641 : vector<256x128xf32>
    %slice3A_645 = vector.extract_strided_slice %tanh3A_628 {offsets = [0, 128], sizes = [256, 128], strides = [1, 1]} : vector<256x512xf32> to vector<256x128xf32>
    %mul3A_646 = arith.constant 5.000000e-01 : f32
    %mul3A_647 = vector.broadcast %mul3A_646 : f32 to vector<256x128xf32>
    %mul3A_648 = arith.mulf %mul3A_647, %slice3A_645 : vector<256x128xf32>
    %add3A_649 = arith.constant 5.000000e-01 : f32
    %add3A_650 = vector.broadcast %add3A_649 : f32 to vector<256x128xf32>
    %add3A_651 = arith.addf %add3A_650, %mul3A_648 : vector<256x128xf32>
    %slice3A_652 = vector.extract_strided_slice %tanh3A_628 {offsets = [0, 256], sizes = [256, 128], strides = [1, 1]} : vector<256x512xf32> to vector<256x128xf32>
    %slice3A_653 = vector.extract_strided_slice %tanh3A_628 {offsets = [0, 384], sizes = [256, 128], strides = [1, 1]} : vector<256x512xf32> to vector<256x128xf32>
    %mul3A_654 = arith.constant 5.000000e-01 : f32
    %mul3A_655 = vector.broadcast %mul3A_654 : f32 to vector<256x128xf32>
    %mul3A_656 = arith.mulf %mul3A_655, %slice3A_653 : vector<256x128xf32>
    %add3A_657 = arith.constant 5.000000e-01 : f32
    %add3A_658 = vector.broadcast %add3A_657 : f32 to vector<256x128xf32>
    %add3A_659 = arith.addf %add3A_658, %mul3A_656 : vector<256x128xf32>
    %mul3A_660 = arith.mulf %add3A_651, %add3A_486 : vector<256x128xf32>
    %mul3A_661 = arith.mulf %add3A_644, %slice3A_652 : vector<256x128xf32>
    %add3A_662 = arith.addf %mul3A_660, %mul3A_661 : vector<256x128xf32>
    %tanh3A_663 = math.tanh %add3A_662 : vector<256x128xf32>
    %mul3A_664 = arith.mulf %add3A_659, %tanh3A_663 : vector<256x128xf32>
    %slice3A_665 = vector.extract_strided_slice %tanh3A_631 {offsets = [0, 0], sizes = [256, 128], strides = [1, 1]} : vector<256x512xf32> to vector<256x128xf32>
    %mul3A_666 = arith.constant 5.000000e-01 : f32
    %mul3A_667 = vector.broadcast %mul3A_666 : f32 to vector<256x128xf32>
    %mul3A_668 = arith.mulf %mul3A_667, %slice3A_665 : vector<256x128xf32>
    %add3A_669 = arith.constant 5.000000e-01 : f32
    %add3A_670 = vector.broadcast %add3A_669 : f32 to vector<256x128xf32>
    %add3A_671 = arith.addf %add3A_670, %mul3A_668 : vector<256x128xf32>
    %slice3A_672 = vector.extract_strided_slice %tanh3A_631 {offsets = [0, 128], sizes = [256, 128], strides = [1, 1]} : vector<256x512xf32> to vector<256x128xf32>
    %mul3A_673 = arith.constant 5.000000e-01 : f32
    %mul3A_674 = vector.broadcast %mul3A_673 : f32 to vector<256x128xf32>
    %mul3A_675 = arith.mulf %mul3A_674, %slice3A_672 : vector<256x128xf32>
    %add3A_676 = arith.constant 5.000000e-01 : f32
    %add3A_677 = vector.broadcast %add3A_676 : f32 to vector<256x128xf32>
    %add3A_678 = arith.addf %add3A_677, %mul3A_675 : vector<256x128xf32>
    %slice3A_679 = vector.extract_strided_slice %tanh3A_631 {offsets = [0, 256], sizes = [256, 128], strides = [1, 1]} : vector<256x512xf32> to vector<256x128xf32>
    %slice3A_680 = vector.extract_strided_slice %tanh3A_631 {offsets = [0, 384], sizes = [256, 128], strides = [1, 1]} : vector<256x512xf32> to vector<256x128xf32>
    %mul3A_681 = arith.constant 5.000000e-01 : f32
    %mul3A_682 = vector.broadcast %mul3A_681 : f32 to vector<256x128xf32>
    %mul3A_683 = arith.mulf %mul3A_682, %slice3A_680 : vector<256x128xf32>
    %add3A_684 = arith.constant 5.000000e-01 : f32
    %add3A_685 = vector.broadcast %add3A_684 : f32 to vector<256x128xf32>
    %add3A_686 = arith.addf %add3A_685, %mul3A_683 : vector<256x128xf32>
    %mul3A_687 = arith.mulf %add3A_678, %add3A_513 : vector<256x128xf32>
    %mul3A_688 = arith.mulf %add3A_671, %slice3A_679 : vector<256x128xf32>
    %add3A_689 = arith.addf %mul3A_687, %mul3A_688 : vector<256x128xf32>
    %tanh3A_690 = math.tanh %add3A_689 : vector<256x128xf32>
    %mul3A_691 = arith.mulf %add3A_686, %tanh3A_690 : vector<256x128xf32>
    %slice3A_692 = vector.extract_strided_slice %tanh3A_634 {offsets = [0, 0], sizes = [256, 128], strides = [1, 1]} : vector<256x512xf32> to vector<256x128xf32>
    %mul3A_693 = arith.constant 5.000000e-01 : f32
    %mul3A_694 = vector.broadcast %mul3A_693 : f32 to vector<256x128xf32>
    %mul3A_695 = arith.mulf %mul3A_694, %slice3A_692 : vector<256x128xf32>
    %add3A_696 = arith.constant 5.000000e-01 : f32
    %add3A_697 = vector.broadcast %add3A_696 : f32 to vector<256x128xf32>
    %add3A_698 = arith.addf %add3A_697, %mul3A_695 : vector<256x128xf32>
    %slice3A_699 = vector.extract_strided_slice %tanh3A_634 {offsets = [0, 128], sizes = [256, 128], strides = [1, 1]} : vector<256x512xf32> to vector<256x128xf32>
    %mul3A_700 = arith.constant 5.000000e-01 : f32
    %mul3A_701 = vector.broadcast %mul3A_700 : f32 to vector<256x128xf32>
    %mul3A_702 = arith.mulf %mul3A_701, %slice3A_699 : vector<256x128xf32>
    %add3A_703 = arith.constant 5.000000e-01 : f32
    %add3A_704 = vector.broadcast %add3A_703 : f32 to vector<256x128xf32>
    %add3A_705 = arith.addf %add3A_704, %mul3A_702 : vector<256x128xf32>
    %slice3A_706 = vector.extract_strided_slice %tanh3A_634 {offsets = [0, 256], sizes = [256, 128], strides = [1, 1]} : vector<256x512xf32> to vector<256x128xf32>
    %slice3A_707 = vector.extract_strided_slice %tanh3A_634 {offsets = [0, 384], sizes = [256, 128], strides = [1, 1]} : vector<256x512xf32> to vector<256x128xf32>
    %mul3A_708 = arith.constant 5.000000e-01 : f32
    %mul3A_709 = vector.broadcast %mul3A_708 : f32 to vector<256x128xf32>
    %mul3A_710 = arith.mulf %mul3A_709, %slice3A_707 : vector<256x128xf32>
    %add3A_711 = arith.constant 5.000000e-01 : f32
    %add3A_712 = vector.broadcast %add3A_711 : f32 to vector<256x128xf32>
    %add3A_713 = arith.addf %add3A_712, %mul3A_710 : vector<256x128xf32>
    %mul3A_714 = arith.mulf %add3A_705, %add3A_540 : vector<256x128xf32>
    %mul3A_715 = arith.mulf %add3A_698, %slice3A_706 : vector<256x128xf32>
    %add3A_716 = arith.addf %mul3A_714, %mul3A_715 : vector<256x128xf32>
    %tanh3A_717 = math.tanh %add3A_716 : vector<256x128xf32>
    %mul3A_718 = arith.mulf %add3A_713, %tanh3A_717 : vector<256x128xf32>
    %slice3A_719 = vector.extract_strided_slice %tanh3A_637 {offsets = [0, 0], sizes = [256, 128], strides = [1, 1]} : vector<256x512xf32> to vector<256x128xf32>
    %mul3A_720 = arith.constant 5.000000e-01 : f32
    %mul3A_721 = vector.broadcast %mul3A_720 : f32 to vector<256x128xf32>
    %mul3A_722 = arith.mulf %mul3A_721, %slice3A_719 : vector<256x128xf32>
    %add3A_723 = arith.constant 5.000000e-01 : f32
    %add3A_724 = vector.broadcast %add3A_723 : f32 to vector<256x128xf32>
    %add3A_725 = arith.addf %add3A_724, %mul3A_722 : vector<256x128xf32>
    %slice3A_726 = vector.extract_strided_slice %tanh3A_637 {offsets = [0, 128], sizes = [256, 128], strides = [1, 1]} : vector<256x512xf32> to vector<256x128xf32>
    %mul3A_727 = arith.constant 5.000000e-01 : f32
    %mul3A_728 = vector.broadcast %mul3A_727 : f32 to vector<256x128xf32>
    %mul3A_729 = arith.mulf %mul3A_728, %slice3A_726 : vector<256x128xf32>
    %add3A_730 = arith.constant 5.000000e-01 : f32
    %add3A_731 = vector.broadcast %add3A_730 : f32 to vector<256x128xf32>
    %add3A_732 = arith.addf %add3A_731, %mul3A_729 : vector<256x128xf32>
    %slice3A_733 = vector.extract_strided_slice %tanh3A_637 {offsets = [0, 256], sizes = [256, 128], strides = [1, 1]} : vector<256x512xf32> to vector<256x128xf32>
    %slice3A_734 = vector.extract_strided_slice %tanh3A_637 {offsets = [0, 384], sizes = [256, 128], strides = [1, 1]} : vector<256x512xf32> to vector<256x128xf32>
    %mul3A_735 = arith.constant 5.000000e-01 : f32
    %mul3A_736 = vector.broadcast %mul3A_735 : f32 to vector<256x128xf32>
    %mul3A_737 = arith.mulf %mul3A_736, %slice3A_734 : vector<256x128xf32>
    %add3A_738 = arith.constant 5.000000e-01 : f32
    %add3A_739 = vector.broadcast %add3A_738 : f32 to vector<256x128xf32>
    %add3A_740 = arith.addf %add3A_739, %mul3A_737 : vector<256x128xf32>
    %mul3A_741 = arith.mulf %add3A_732, %add3A_567 : vector<256x128xf32>
    %mul3A_742 = arith.mulf %add3A_725, %slice3A_733 : vector<256x128xf32>
    %add3A_743 = arith.addf %mul3A_741, %mul3A_742 : vector<256x128xf32>
    %tanh3A_744 = math.tanh %add3A_743 : vector<256x128xf32>
    %mul3A_745 = arith.mulf %add3A_740, %tanh3A_744 : vector<256x128xf32>
    %slice3A_746 = vector.extract_strided_slice %slice3A_24 {offsets = [0, 4], sizes = [256, 1], strides = [1, 1]} : vector<256x16xi32> to vector<256x1xi32>
    %eq3A_747 = vector.broadcast %slice3A_746 : vector<256x1xi32> to vector<256x128xi32>
    %eq3A_748 = arith.cmpi eq, %iota3A_23, %eq3A_747 : vector<256x128xi32>
    %convert_element_type3A_749 = arith.extui %eq3A_748 : vector<256x128xi1> to vector<256x128xi32>
    %convert_element_type3A_750 = arith.sitofp %convert_element_type3A_749 : vector<256x128xi32> to vector<256x128xf32>
    %convert_element_type3A_751 = arith.truncf %convert_element_type3A_750 : vector<256x128xf32> to vector<256x128xbf16>
    %convert_element_type3A_752 = arith.truncf %mul3A_664 : vector<256x128xf32> to vector<256x128xbf16>
    %slice3A_753 = vector.extract_strided_slice %slice3A_24 {offsets = [0, 11], sizes = [256, 1], strides = [1, 1]} : vector<256x16xi32> to vector<256x1xi32>
    %eq3A_754 = vector.broadcast %slice3A_753 : vector<256x1xi32> to vector<256x128xi32>
    %eq3A_755 = arith.cmpi eq, %iota3A_23, %eq3A_754 : vector<256x128xi32>
    %convert_element_type3A_756 = arith.extui %eq3A_755 : vector<256x128xi1> to vector<256x128xi32>
    %convert_element_type3A_757 = arith.sitofp %convert_element_type3A_756 : vector<256x128xi32> to vector<256x128xf32>
    %convert_element_type3A_758 = arith.truncf %convert_element_type3A_757 : vector<256x128xf32> to vector<256x128xbf16>
    %concatenate3A_759 = tpu.concatenate %convert_element_type3A_751, %convert_element_type3A_752, %convert_element_type3A_758 in 1 : vector<256x128xbf16>, vector<256x128xbf16>, vector<256x128xbf16> -> vector<256x384xbf16>
    %slice3A_760 = vector.extract_strided_slice %slice3A_29 {offsets = [0, 4], sizes = [256, 1], strides = [1, 1]} : vector<256x16xi32> to vector<256x1xi32>
    %eq3A_761 = vector.broadcast %slice3A_760 : vector<256x1xi32> to vector<256x128xi32>
    %eq3A_762 = arith.cmpi eq, %iota3A_23, %eq3A_761 : vector<256x128xi32>
    %convert_element_type3A_763 = arith.extui %eq3A_762 : vector<256x128xi1> to vector<256x128xi32>
    %convert_element_type3A_764 = arith.sitofp %convert_element_type3A_763 : vector<256x128xi32> to vector<256x128xf32>
    %convert_element_type3A_765 = arith.truncf %convert_element_type3A_764 : vector<256x128xf32> to vector<256x128xbf16>
    %convert_element_type3A_766 = arith.truncf %mul3A_691 : vector<256x128xf32> to vector<256x128xbf16>
    %slice3A_767 = vector.extract_strided_slice %slice3A_29 {offsets = [0, 11], sizes = [256, 1], strides = [1, 1]} : vector<256x16xi32> to vector<256x1xi32>
    %eq3A_768 = vector.broadcast %slice3A_767 : vector<256x1xi32> to vector<256x128xi32>
    %eq3A_769 = arith.cmpi eq, %iota3A_23, %eq3A_768 : vector<256x128xi32>
    %convert_element_type3A_770 = arith.extui %eq3A_769 : vector<256x128xi1> to vector<256x128xi32>
    %convert_element_type3A_771 = arith.sitofp %convert_element_type3A_770 : vector<256x128xi32> to vector<256x128xf32>
    %convert_element_type3A_772 = arith.truncf %convert_element_type3A_771 : vector<256x128xf32> to vector<256x128xbf16>
    %concatenate3A_773 = tpu.concatenate %convert_element_type3A_765, %convert_element_type3A_766, %convert_element_type3A_772 in 1 : vector<256x128xbf16>, vector<256x128xbf16>, vector<256x128xbf16> -> vector<256x384xbf16>
    %slice3A_774 = vector.extract_strided_slice %slice3A_34 {offsets = [0, 4], sizes = [256, 1], strides = [1, 1]} : vector<256x16xi32> to vector<256x1xi32>
    %eq3A_775 = vector.broadcast %slice3A_774 : vector<256x1xi32> to vector<256x128xi32>
    %eq3A_776 = arith.cmpi eq, %iota3A_23, %eq3A_775 : vector<256x128xi32>
    %convert_element_type3A_777 = arith.extui %eq3A_776 : vector<256x128xi1> to vector<256x128xi32>
    %convert_element_type3A_778 = arith.sitofp %convert_element_type3A_777 : vector<256x128xi32> to vector<256x128xf32>
    %convert_element_type3A_779 = arith.truncf %convert_element_type3A_778 : vector<256x128xf32> to vector<256x128xbf16>
    %convert_element_type3A_780 = arith.truncf %mul3A_718 : vector<256x128xf32> to vector<256x128xbf16>
    %slice3A_781 = vector.extract_strided_slice %slice3A_34 {offsets = [0, 11], sizes = [256, 1], strides = [1, 1]} : vector<256x16xi32> to vector<256x1xi32>
    %eq3A_782 = vector.broadcast %slice3A_781 : vector<256x1xi32> to vector<256x128xi32>
    %eq3A_783 = arith.cmpi eq, %iota3A_23, %eq3A_782 : vector<256x128xi32>
    %convert_element_type3A_784 = arith.extui %eq3A_783 : vector<256x128xi1> to vector<256x128xi32>
    %convert_element_type3A_785 = arith.sitofp %convert_element_type3A_784 : vector<256x128xi32> to vector<256x128xf32>
    %convert_element_type3A_786 = arith.truncf %convert_element_type3A_785 : vector<256x128xf32> to vector<256x128xbf16>
    %concatenate3A_787 = tpu.concatenate %convert_element_type3A_779, %convert_element_type3A_780, %convert_element_type3A_786 in 1 : vector<256x128xbf16>, vector<256x128xbf16>, vector<256x128xbf16> -> vector<256x384xbf16>
    %slice3A_788 = vector.extract_strided_slice %slice3A_39 {offsets = [0, 4], sizes = [256, 1], strides = [1, 1]} : vector<256x16xi32> to vector<256x1xi32>
    %eq3A_789 = vector.broadcast %slice3A_788 : vector<256x1xi32> to vector<256x128xi32>
    %eq3A_790 = arith.cmpi eq, %iota3A_23, %eq3A_789 : vector<256x128xi32>
    %convert_element_type3A_791 = arith.extui %eq3A_790 : vector<256x128xi1> to vector<256x128xi32>
    %convert_element_type3A_792 = arith.sitofp %convert_element_type3A_791 : vector<256x128xi32> to vector<256x128xf32>
    %convert_element_type3A_793 = arith.truncf %convert_element_type3A_792 : vector<256x128xf32> to vector<256x128xbf16>
    %convert_element_type3A_794 = arith.truncf %mul3A_745 : vector<256x128xf32> to vector<256x128xbf16>
    %slice3A_795 = vector.extract_strided_slice %slice3A_39 {offsets = [0, 11], sizes = [256, 1], strides = [1, 1]} : vector<256x16xi32> to vector<256x1xi32>
    %eq3A_796 = vector.broadcast %slice3A_795 : vector<256x1xi32> to vector<256x128xi32>
    %eq3A_797 = arith.cmpi eq, %iota3A_23, %eq3A_796 : vector<256x128xi32>
    %convert_element_type3A_798 = arith.extui %eq3A_797 : vector<256x128xi1> to vector<256x128xi32>
    %convert_element_type3A_799 = arith.sitofp %convert_element_type3A_798 : vector<256x128xi32> to vector<256x128xf32>
    %convert_element_type3A_800 = arith.truncf %convert_element_type3A_799 : vector<256x128xf32> to vector<256x128xbf16>
    %concatenate3A_801 = tpu.concatenate %convert_element_type3A_793, %convert_element_type3A_794, %convert_element_type3A_800 in 1 : vector<256x128xbf16>, vector<256x128xbf16>, vector<256x128xbf16> -> vector<256x384xbf16>
    %dot_general3A_802 = arith.constant dense<0.000000e+00> : vector<256x512xf32>
    %dot_general3A_803 = tpu.matmul %concatenate3A_759, %convert_element_type3A, %dot_general3A_802 {dimension_numbers = #tpu.dot_dimension_numbers<[1], [0], [0], [1], [0, 0, 1, 1], [], []>, transpose_lhs_hint = false} : vector<256x384xbf16>, vector<384x512xbf16>, vector<256x512xf32> -> vector<256x512xf32>
    %tanh3A_804 = math.tanh %dot_general3A_803 : vector<256x512xf32>
    %dot_general3A_805 = arith.constant dense<0.000000e+00> : vector<256x512xf32>
    %dot_general3A_806 = tpu.matmul %concatenate3A_773, %convert_element_type3A, %dot_general3A_805 {dimension_numbers = #tpu.dot_dimension_numbers<[1], [0], [0], [1], [0, 0, 1, 1], [], []>, transpose_lhs_hint = false} : vector<256x384xbf16>, vector<384x512xbf16>, vector<256x512xf32> -> vector<256x512xf32>
    %tanh3A_807 = math.tanh %dot_general3A_806 : vector<256x512xf32>
    %dot_general3A_808 = arith.constant dense<0.000000e+00> : vector<256x512xf32>
    %dot_general3A_809 = tpu.matmul %concatenate3A_787, %convert_element_type3A, %dot_general3A_808 {dimension_numbers = #tpu.dot_dimension_numbers<[1], [0], [0], [1], [0, 0, 1, 1], [], []>, transpose_lhs_hint = false} : vector<256x384xbf16>, vector<384x512xbf16>, vector<256x512xf32> -> vector<256x512xf32>
    %tanh3A_810 = math.tanh %dot_general3A_809 : vector<256x512xf32>
    %dot_general3A_811 = arith.constant dense<0.000000e+00> : vector<256x512xf32>
    %dot_general3A_812 = tpu.matmul %concatenate3A_801, %convert_element_type3A, %dot_general3A_811 {dimension_numbers = #tpu.dot_dimension_numbers<[1], [0], [0], [1], [0, 0, 1, 1], [], []>, transpose_lhs_hint = false} : vector<256x384xbf16>, vector<384x512xbf16>, vector<256x512xf32> -> vector<256x512xf32>
    %tanh3A_813 = math.tanh %dot_general3A_812 : vector<256x512xf32>
    %slice3A_814 = vector.extract_strided_slice %tanh3A_804 {offsets = [0, 0], sizes = [256, 128], strides = [1, 1]} : vector<256x512xf32> to vector<256x128xf32>
    %mul3A_815 = arith.constant 5.000000e-01 : f32
    %mul3A_816 = vector.broadcast %mul3A_815 : f32 to vector<256x128xf32>
    %mul3A_817 = arith.mulf %mul3A_816, %slice3A_814 : vector<256x128xf32>
    %add3A_818 = arith.constant 5.000000e-01 : f32
    %add3A_819 = vector.broadcast %add3A_818 : f32 to vector<256x128xf32>
    %add3A_820 = arith.addf %add3A_819, %mul3A_817 : vector<256x128xf32>
    %slice3A_821 = vector.extract_strided_slice %tanh3A_804 {offsets = [0, 128], sizes = [256, 128], strides = [1, 1]} : vector<256x512xf32> to vector<256x128xf32>
    %mul3A_822 = arith.constant 5.000000e-01 : f32
    %mul3A_823 = vector.broadcast %mul3A_822 : f32 to vector<256x128xf32>
    %mul3A_824 = arith.mulf %mul3A_823, %slice3A_821 : vector<256x128xf32>
    %add3A_825 = arith.constant 5.000000e-01 : f32
    %add3A_826 = vector.broadcast %add3A_825 : f32 to vector<256x128xf32>
    %add3A_827 = arith.addf %add3A_826, %mul3A_824 : vector<256x128xf32>
    %slice3A_828 = vector.extract_strided_slice %tanh3A_804 {offsets = [0, 256], sizes = [256, 128], strides = [1, 1]} : vector<256x512xf32> to vector<256x128xf32>
    %slice3A_829 = vector.extract_strided_slice %tanh3A_804 {offsets = [0, 384], sizes = [256, 128], strides = [1, 1]} : vector<256x512xf32> to vector<256x128xf32>
    %mul3A_830 = arith.constant 5.000000e-01 : f32
    %mul3A_831 = vector.broadcast %mul3A_830 : f32 to vector<256x128xf32>
    %mul3A_832 = arith.mulf %mul3A_831, %slice3A_829 : vector<256x128xf32>
    %add3A_833 = arith.constant 5.000000e-01 : f32
    %add3A_834 = vector.broadcast %add3A_833 : f32 to vector<256x128xf32>
    %add3A_835 = arith.addf %add3A_834, %mul3A_832 : vector<256x128xf32>
    %mul3A_836 = arith.mulf %add3A_827, %add3A_662 : vector<256x128xf32>
    %mul3A_837 = arith.mulf %add3A_820, %slice3A_828 : vector<256x128xf32>
    %add3A_838 = arith.addf %mul3A_836, %mul3A_837 : vector<256x128xf32>
    %tanh3A_839 = math.tanh %add3A_838 : vector<256x128xf32>
    %mul3A_840 = arith.mulf %add3A_835, %tanh3A_839 : vector<256x128xf32>
    %slice3A_841 = vector.extract_strided_slice %tanh3A_807 {offsets = [0, 0], sizes = [256, 128], strides = [1, 1]} : vector<256x512xf32> to vector<256x128xf32>
    %mul3A_842 = arith.constant 5.000000e-01 : f32
    %mul3A_843 = vector.broadcast %mul3A_842 : f32 to vector<256x128xf32>
    %mul3A_844 = arith.mulf %mul3A_843, %slice3A_841 : vector<256x128xf32>
    %add3A_845 = arith.constant 5.000000e-01 : f32
    %add3A_846 = vector.broadcast %add3A_845 : f32 to vector<256x128xf32>
    %add3A_847 = arith.addf %add3A_846, %mul3A_844 : vector<256x128xf32>
    %slice3A_848 = vector.extract_strided_slice %tanh3A_807 {offsets = [0, 128], sizes = [256, 128], strides = [1, 1]} : vector<256x512xf32> to vector<256x128xf32>
    %mul3A_849 = arith.constant 5.000000e-01 : f32
    %mul3A_850 = vector.broadcast %mul3A_849 : f32 to vector<256x128xf32>
    %mul3A_851 = arith.mulf %mul3A_850, %slice3A_848 : vector<256x128xf32>
    %add3A_852 = arith.constant 5.000000e-01 : f32
    %add3A_853 = vector.broadcast %add3A_852 : f32 to vector<256x128xf32>
    %add3A_854 = arith.addf %add3A_853, %mul3A_851 : vector<256x128xf32>
    %slice3A_855 = vector.extract_strided_slice %tanh3A_807 {offsets = [0, 256], sizes = [256, 128], strides = [1, 1]} : vector<256x512xf32> to vector<256x128xf32>
    %slice3A_856 = vector.extract_strided_slice %tanh3A_807 {offsets = [0, 384], sizes = [256, 128], strides = [1, 1]} : vector<256x512xf32> to vector<256x128xf32>
    %mul3A_857 = arith.constant 5.000000e-01 : f32
    %mul3A_858 = vector.broadcast %mul3A_857 : f32 to vector<256x128xf32>
    %mul3A_859 = arith.mulf %mul3A_858, %slice3A_856 : vector<256x128xf32>
    %add3A_860 = arith.constant 5.000000e-01 : f32
    %add3A_861 = vector.broadcast %add3A_860 : f32 to vector<256x128xf32>
    %add3A_862 = arith.addf %add3A_861, %mul3A_859 : vector<256x128xf32>
    %mul3A_863 = arith.mulf %add3A_854, %add3A_689 : vector<256x128xf32>
    %mul3A_864 = arith.mulf %add3A_847, %slice3A_855 : vector<256x128xf32>
    %add3A_865 = arith.addf %mul3A_863, %mul3A_864 : vector<256x128xf32>
    %tanh3A_866 = math.tanh %add3A_865 : vector<256x128xf32>
    %mul3A_867 = arith.mulf %add3A_862, %tanh3A_866 : vector<256x128xf32>
    %slice3A_868 = vector.extract_strided_slice %tanh3A_810 {offsets = [0, 0], sizes = [256, 128], strides = [1, 1]} : vector<256x512xf32> to vector<256x128xf32>
    %mul3A_869 = arith.constant 5.000000e-01 : f32
    %mul3A_870 = vector.broadcast %mul3A_869 : f32 to vector<256x128xf32>
    %mul3A_871 = arith.mulf %mul3A_870, %slice3A_868 : vector<256x128xf32>
    %add3A_872 = arith.constant 5.000000e-01 : f32
    %add3A_873 = vector.broadcast %add3A_872 : f32 to vector<256x128xf32>
    %add3A_874 = arith.addf %add3A_873, %mul3A_871 : vector<256x128xf32>
    %slice3A_875 = vector.extract_strided_slice %tanh3A_810 {offsets = [0, 128], sizes = [256, 128], strides = [1, 1]} : vector<256x512xf32> to vector<256x128xf32>
    %mul3A_876 = arith.constant 5.000000e-01 : f32
    %mul3A_877 = vector.broadcast %mul3A_876 : f32 to vector<256x128xf32>
    %mul3A_878 = arith.mulf %mul3A_877, %slice3A_875 : vector<256x128xf32>
    %add3A_879 = arith.constant 5.000000e-01 : f32
    %add3A_880 = vector.broadcast %add3A_879 : f32 to vector<256x128xf32>
    %add3A_881 = arith.addf %add3A_880, %mul3A_878 : vector<256x128xf32>
    %slice3A_882 = vector.extract_strided_slice %tanh3A_810 {offsets = [0, 256], sizes = [256, 128], strides = [1, 1]} : vector<256x512xf32> to vector<256x128xf32>
    %slice3A_883 = vector.extract_strided_slice %tanh3A_810 {offsets = [0, 384], sizes = [256, 128], strides = [1, 1]} : vector<256x512xf32> to vector<256x128xf32>
    %mul3A_884 = arith.constant 5.000000e-01 : f32
    %mul3A_885 = vector.broadcast %mul3A_884 : f32 to vector<256x128xf32>
    %mul3A_886 = arith.mulf %mul3A_885, %slice3A_883 : vector<256x128xf32>
    %add3A_887 = arith.constant 5.000000e-01 : f32
    %add3A_888 = vector.broadcast %add3A_887 : f32 to vector<256x128xf32>
    %add3A_889 = arith.addf %add3A_888, %mul3A_886 : vector<256x128xf32>
    %mul3A_890 = arith.mulf %add3A_881, %add3A_716 : vector<256x128xf32>
    %mul3A_891 = arith.mulf %add3A_874, %slice3A_882 : vector<256x128xf32>
    %add3A_892 = arith.addf %mul3A_890, %mul3A_891 : vector<256x128xf32>
    %tanh3A_893 = math.tanh %add3A_892 : vector<256x128xf32>
    %mul3A_894 = arith.mulf %add3A_889, %tanh3A_893 : vector<256x128xf32>
    %slice3A_895 = vector.extract_strided_slice %tanh3A_813 {offsets = [0, 0], sizes = [256, 128], strides = [1, 1]} : vector<256x512xf32> to vector<256x128xf32>
    %mul3A_896 = arith.constant 5.000000e-01 : f32
    %mul3A_897 = vector.broadcast %mul3A_896 : f32 to vector<256x128xf32>
    %mul3A_898 = arith.mulf %mul3A_897, %slice3A_895 : vector<256x128xf32>
    %add3A_899 = arith.constant 5.000000e-01 : f32
    %add3A_900 = vector.broadcast %add3A_899 : f32 to vector<256x128xf32>
    %add3A_901 = arith.addf %add3A_900, %mul3A_898 : vector<256x128xf32>
    %slice3A_902 = vector.extract_strided_slice %tanh3A_813 {offsets = [0, 128], sizes = [256, 128], strides = [1, 1]} : vector<256x512xf32> to vector<256x128xf32>
    %mul3A_903 = arith.constant 5.000000e-01 : f32
    %mul3A_904 = vector.broadcast %mul3A_903 : f32 to vector<256x128xf32>
    %mul3A_905 = arith.mulf %mul3A_904, %slice3A_902 : vector<256x128xf32>
    %add3A_906 = arith.constant 5.000000e-01 : f32
    %add3A_907 = vector.broadcast %add3A_906 : f32 to vector<256x128xf32>
    %add3A_908 = arith.addf %add3A_907, %mul3A_905 : vector<256x128xf32>
    %slice3A_909 = vector.extract_strided_slice %tanh3A_813 {offsets = [0, 256], sizes = [256, 128], strides = [1, 1]} : vector<256x512xf32> to vector<256x128xf32>
    %slice3A_910 = vector.extract_strided_slice %tanh3A_813 {offsets = [0, 384], sizes = [256, 128], strides = [1, 1]} : vector<256x512xf32> to vector<256x128xf32>
    %mul3A_911 = arith.constant 5.000000e-01 : f32
    %mul3A_912 = vector.broadcast %mul3A_911 : f32 to vector<256x128xf32>
    %mul3A_913 = arith.mulf %mul3A_912, %slice3A_910 : vector<256x128xf32>
    %add3A_914 = arith.constant 5.000000e-01 : f32
    %add3A_915 = vector.broadcast %add3A_914 : f32 to vector<256x128xf32>
    %add3A_916 = arith.addf %add3A_915, %mul3A_913 : vector<256x128xf32>
    %mul3A_917 = arith.mulf %add3A_908, %add3A_743 : vector<256x128xf32>
    %mul3A_918 = arith.mulf %add3A_901, %slice3A_909 : vector<256x128xf32>
    %add3A_919 = arith.addf %mul3A_917, %mul3A_918 : vector<256x128xf32>
    %tanh3A_920 = math.tanh %add3A_919 : vector<256x128xf32>
    %mul3A_921 = arith.mulf %add3A_916, %tanh3A_920 : vector<256x128xf32>
    %slice3A_922 = vector.extract_strided_slice %slice3A_24 {offsets = [0, 5], sizes = [256, 1], strides = [1, 1]} : vector<256x16xi32> to vector<256x1xi32>
    %eq3A_923 = vector.broadcast %slice3A_922 : vector<256x1xi32> to vector<256x128xi32>
    %eq3A_924 = arith.cmpi eq, %iota3A_23, %eq3A_923 : vector<256x128xi32>
    %convert_element_type3A_925 = arith.extui %eq3A_924 : vector<256x128xi1> to vector<256x128xi32>
    %convert_element_type3A_926 = arith.sitofp %convert_element_type3A_925 : vector<256x128xi32> to vector<256x128xf32>
    %convert_element_type3A_927 = arith.truncf %convert_element_type3A_926 : vector<256x128xf32> to vector<256x128xbf16>
    %convert_element_type3A_928 = arith.truncf %mul3A_840 : vector<256x128xf32> to vector<256x128xbf16>
    %slice3A_929 = vector.extract_strided_slice %slice3A_24 {offsets = [0, 10], sizes = [256, 1], strides = [1, 1]} : vector<256x16xi32> to vector<256x1xi32>
    %eq3A_930 = vector.broadcast %slice3A_929 : vector<256x1xi32> to vector<256x128xi32>
    %eq3A_931 = arith.cmpi eq, %iota3A_23, %eq3A_930 : vector<256x128xi32>
    %convert_element_type3A_932 = arith.extui %eq3A_931 : vector<256x128xi1> to vector<256x128xi32>
    %convert_element_type3A_933 = arith.sitofp %convert_element_type3A_932 : vector<256x128xi32> to vector<256x128xf32>
    %convert_element_type3A_934 = arith.truncf %convert_element_type3A_933 : vector<256x128xf32> to vector<256x128xbf16>
    %concatenate3A_935 = tpu.concatenate %convert_element_type3A_927, %convert_element_type3A_928, %convert_element_type3A_934 in 1 : vector<256x128xbf16>, vector<256x128xbf16>, vector<256x128xbf16> -> vector<256x384xbf16>
    %slice3A_936 = vector.extract_strided_slice %slice3A_29 {offsets = [0, 5], sizes = [256, 1], strides = [1, 1]} : vector<256x16xi32> to vector<256x1xi32>
    %eq3A_937 = vector.broadcast %slice3A_936 : vector<256x1xi32> to vector<256x128xi32>
    %eq3A_938 = arith.cmpi eq, %iota3A_23, %eq3A_937 : vector<256x128xi32>
    %convert_element_type3A_939 = arith.extui %eq3A_938 : vector<256x128xi1> to vector<256x128xi32>
    %convert_element_type3A_940 = arith.sitofp %convert_element_type3A_939 : vector<256x128xi32> to vector<256x128xf32>
    %convert_element_type3A_941 = arith.truncf %convert_element_type3A_940 : vector<256x128xf32> to vector<256x128xbf16>
    %convert_element_type3A_942 = arith.truncf %mul3A_867 : vector<256x128xf32> to vector<256x128xbf16>
    %slice3A_943 = vector.extract_strided_slice %slice3A_29 {offsets = [0, 10], sizes = [256, 1], strides = [1, 1]} : vector<256x16xi32> to vector<256x1xi32>
    %eq3A_944 = vector.broadcast %slice3A_943 : vector<256x1xi32> to vector<256x128xi32>
    %eq3A_945 = arith.cmpi eq, %iota3A_23, %eq3A_944 : vector<256x128xi32>
    %convert_element_type3A_946 = arith.extui %eq3A_945 : vector<256x128xi1> to vector<256x128xi32>
    %convert_element_type3A_947 = arith.sitofp %convert_element_type3A_946 : vector<256x128xi32> to vector<256x128xf32>
    %convert_element_type3A_948 = arith.truncf %convert_element_type3A_947 : vector<256x128xf32> to vector<256x128xbf16>
    %concatenate3A_949 = tpu.concatenate %convert_element_type3A_941, %convert_element_type3A_942, %convert_element_type3A_948 in 1 : vector<256x128xbf16>, vector<256x128xbf16>, vector<256x128xbf16> -> vector<256x384xbf16>
    %slice3A_950 = vector.extract_strided_slice %slice3A_34 {offsets = [0, 5], sizes = [256, 1], strides = [1, 1]} : vector<256x16xi32> to vector<256x1xi32>
    %eq3A_951 = vector.broadcast %slice3A_950 : vector<256x1xi32> to vector<256x128xi32>
    %eq3A_952 = arith.cmpi eq, %iota3A_23, %eq3A_951 : vector<256x128xi32>
    %convert_element_type3A_953 = arith.extui %eq3A_952 : vector<256x128xi1> to vector<256x128xi32>
    %convert_element_type3A_954 = arith.sitofp %convert_element_type3A_953 : vector<256x128xi32> to vector<256x128xf32>
    %convert_element_type3A_955 = arith.truncf %convert_element_type3A_954 : vector<256x128xf32> to vector<256x128xbf16>
    %convert_element_type3A_956 = arith.truncf %mul3A_894 : vector<256x128xf32> to vector<256x128xbf16>
    %slice3A_957 = vector.extract_strided_slice %slice3A_34 {offsets = [0, 10], sizes = [256, 1], strides = [1, 1]} : vector<256x16xi32> to vector<256x1xi32>
    %eq3A_958 = vector.broadcast %slice3A_957 : vector<256x1xi32> to vector<256x128xi32>
    %eq3A_959 = arith.cmpi eq, %iota3A_23, %eq3A_958 : vector<256x128xi32>
    %convert_element_type3A_960 = arith.extui %eq3A_959 : vector<256x128xi1> to vector<256x128xi32>
    %convert_element_type3A_961 = arith.sitofp %convert_element_type3A_960 : vector<256x128xi32> to vector<256x128xf32>
    %convert_element_type3A_962 = arith.truncf %convert_element_type3A_961 : vector<256x128xf32> to vector<256x128xbf16>
    %concatenate3A_963 = tpu.concatenate %convert_element_type3A_955, %convert_element_type3A_956, %convert_element_type3A_962 in 1 : vector<256x128xbf16>, vector<256x128xbf16>, vector<256x128xbf16> -> vector<256x384xbf16>
    %slice3A_964 = vector.extract_strided_slice %slice3A_39 {offsets = [0, 5], sizes = [256, 1], strides = [1, 1]} : vector<256x16xi32> to vector<256x1xi32>
    %eq3A_965 = vector.broadcast %slice3A_964 : vector<256x1xi32> to vector<256x128xi32>
    %eq3A_966 = arith.cmpi eq, %iota3A_23, %eq3A_965 : vector<256x128xi32>
    %convert_element_type3A_967 = arith.extui %eq3A_966 : vector<256x128xi1> to vector<256x128xi32>
    %convert_element_type3A_968 = arith.sitofp %convert_element_type3A_967 : vector<256x128xi32> to vector<256x128xf32>
    %convert_element_type3A_969 = arith.truncf %convert_element_type3A_968 : vector<256x128xf32> to vector<256x128xbf16>
    %convert_element_type3A_970 = arith.truncf %mul3A_921 : vector<256x128xf32> to vector<256x128xbf16>
    %slice3A_971 = vector.extract_strided_slice %slice3A_39 {offsets = [0, 10], sizes = [256, 1], strides = [1, 1]} : vector<256x16xi32> to vector<256x1xi32>
    %eq3A_972 = vector.broadcast %slice3A_971 : vector<256x1xi32> to vector<256x128xi32>
    %eq3A_973 = arith.cmpi eq, %iota3A_23, %eq3A_972 : vector<256x128xi32>
    %convert_element_type3A_974 = arith.extui %eq3A_973 : vector<256x128xi1> to vector<256x128xi32>
    %convert_element_type3A_975 = arith.sitofp %convert_element_type3A_974 : vector<256x128xi32> to vector<256x128xf32>
    %convert_element_type3A_976 = arith.truncf %convert_element_type3A_975 : vector<256x128xf32> to vector<256x128xbf16>
    %concatenate3A_977 = tpu.concatenate %convert_element_type3A_969, %convert_element_type3A_970, %convert_element_type3A_976 in 1 : vector<256x128xbf16>, vector<256x128xbf16>, vector<256x128xbf16> -> vector<256x384xbf16>
    %dot_general3A_978 = arith.constant dense<0.000000e+00> : vector<256x512xf32>
    %dot_general3A_979 = tpu.matmul %concatenate3A_935, %convert_element_type3A, %dot_general3A_978 {dimension_numbers = #tpu.dot_dimension_numbers<[1], [0], [0], [1], [0, 0, 1, 1], [], []>, transpose_lhs_hint = false} : vector<256x384xbf16>, vector<384x512xbf16>, vector<256x512xf32> -> vector<256x512xf32>
    %tanh3A_980 = math.tanh %dot_general3A_979 : vector<256x512xf32>
    %dot_general3A_981 = arith.constant dense<0.000000e+00> : vector<256x512xf32>
    %dot_general3A_982 = tpu.matmul %concatenate3A_949, %convert_element_type3A, %dot_general3A_981 {dimension_numbers = #tpu.dot_dimension_numbers<[1], [0], [0], [1], [0, 0, 1, 1], [], []>, transpose_lhs_hint = false} : vector<256x384xbf16>, vector<384x512xbf16>, vector<256x512xf32> -> vector<256x512xf32>
    %tanh3A_983 = math.tanh %dot_general3A_982 : vector<256x512xf32>
    %dot_general3A_984 = arith.constant dense<0.000000e+00> : vector<256x512xf32>
    %dot_general3A_985 = tpu.matmul %concatenate3A_963, %convert_element_type3A, %dot_general3A_984 {dimension_numbers = #tpu.dot_dimension_numbers<[1], [0], [0], [1], [0, 0, 1, 1], [], []>, transpose_lhs_hint = false} : vector<256x384xbf16>, vector<384x512xbf16>, vector<256x512xf32> -> vector<256x512xf32>
    %tanh3A_986 = math.tanh %dot_general3A_985 : vector<256x512xf32>
    %dot_general3A_987 = arith.constant dense<0.000000e+00> : vector<256x512xf32>
    %dot_general3A_988 = tpu.matmul %concatenate3A_977, %convert_element_type3A, %dot_general3A_987 {dimension_numbers = #tpu.dot_dimension_numbers<[1], [0], [0], [1], [0, 0, 1, 1], [], []>, transpose_lhs_hint = false} : vector<256x384xbf16>, vector<384x512xbf16>, vector<256x512xf32> -> vector<256x512xf32>
    %tanh3A_989 = math.tanh %dot_general3A_988 : vector<256x512xf32>
    %slice3A_990 = vector.extract_strided_slice %tanh3A_980 {offsets = [0, 0], sizes = [256, 128], strides = [1, 1]} : vector<256x512xf32> to vector<256x128xf32>
    %mul3A_991 = arith.constant 5.000000e-01 : f32
    %mul3A_992 = vector.broadcast %mul3A_991 : f32 to vector<256x128xf32>
    %mul3A_993 = arith.mulf %mul3A_992, %slice3A_990 : vector<256x128xf32>
    %add3A_994 = arith.constant 5.000000e-01 : f32
    %add3A_995 = vector.broadcast %add3A_994 : f32 to vector<256x128xf32>
    %add3A_996 = arith.addf %add3A_995, %mul3A_993 : vector<256x128xf32>
    %slice3A_997 = vector.extract_strided_slice %tanh3A_980 {offsets = [0, 128], sizes = [256, 128], strides = [1, 1]} : vector<256x512xf32> to vector<256x128xf32>
    %mul3A_998 = arith.constant 5.000000e-01 : f32
    %mul3A_999 = vector.broadcast %mul3A_998 : f32 to vector<256x128xf32>
    %mul3A_1000 = arith.mulf %mul3A_999, %slice3A_997 : vector<256x128xf32>
    %add3A_1001 = arith.constant 5.000000e-01 : f32
    %add3A_1002 = vector.broadcast %add3A_1001 : f32 to vector<256x128xf32>
    %add3A_1003 = arith.addf %add3A_1002, %mul3A_1000 : vector<256x128xf32>
    %slice3A_1004 = vector.extract_strided_slice %tanh3A_980 {offsets = [0, 256], sizes = [256, 128], strides = [1, 1]} : vector<256x512xf32> to vector<256x128xf32>
    %slice3A_1005 = vector.extract_strided_slice %tanh3A_980 {offsets = [0, 384], sizes = [256, 128], strides = [1, 1]} : vector<256x512xf32> to vector<256x128xf32>
    %mul3A_1006 = arith.constant 5.000000e-01 : f32
    %mul3A_1007 = vector.broadcast %mul3A_1006 : f32 to vector<256x128xf32>
    %mul3A_1008 = arith.mulf %mul3A_1007, %slice3A_1005 : vector<256x128xf32>
    %add3A_1009 = arith.constant 5.000000e-01 : f32
    %add3A_1010 = vector.broadcast %add3A_1009 : f32 to vector<256x128xf32>
    %add3A_1011 = arith.addf %add3A_1010, %mul3A_1008 : vector<256x128xf32>
    %mul3A_1012 = arith.mulf %add3A_1003, %add3A_838 : vector<256x128xf32>
    %mul3A_1013 = arith.mulf %add3A_996, %slice3A_1004 : vector<256x128xf32>
    %add3A_1014 = arith.addf %mul3A_1012, %mul3A_1013 : vector<256x128xf32>
    %tanh3A_1015 = math.tanh %add3A_1014 : vector<256x128xf32>
    %mul3A_1016 = arith.mulf %add3A_1011, %tanh3A_1015 : vector<256x128xf32>
    %slice3A_1017 = vector.extract_strided_slice %tanh3A_983 {offsets = [0, 0], sizes = [256, 128], strides = [1, 1]} : vector<256x512xf32> to vector<256x128xf32>
    %mul3A_1018 = arith.constant 5.000000e-01 : f32
    %mul3A_1019 = vector.broadcast %mul3A_1018 : f32 to vector<256x128xf32>
    %mul3A_1020 = arith.mulf %mul3A_1019, %slice3A_1017 : vector<256x128xf32>
    %add3A_1021 = arith.constant 5.000000e-01 : f32
    %add3A_1022 = vector.broadcast %add3A_1021 : f32 to vector<256x128xf32>
    %add3A_1023 = arith.addf %add3A_1022, %mul3A_1020 : vector<256x128xf32>
    %slice3A_1024 = vector.extract_strided_slice %tanh3A_983 {offsets = [0, 128], sizes = [256, 128], strides = [1, 1]} : vector<256x512xf32> to vector<256x128xf32>
    %mul3A_1025 = arith.constant 5.000000e-01 : f32
    %mul3A_1026 = vector.broadcast %mul3A_1025 : f32 to vector<256x128xf32>
    %mul3A_1027 = arith.mulf %mul3A_1026, %slice3A_1024 : vector<256x128xf32>
    %add3A_1028 = arith.constant 5.000000e-01 : f32
    %add3A_1029 = vector.broadcast %add3A_1028 : f32 to vector<256x128xf32>
    %add3A_1030 = arith.addf %add3A_1029, %mul3A_1027 : vector<256x128xf32>
    %slice3A_1031 = vector.extract_strided_slice %tanh3A_983 {offsets = [0, 256], sizes = [256, 128], strides = [1, 1]} : vector<256x512xf32> to vector<256x128xf32>
    %slice3A_1032 = vector.extract_strided_slice %tanh3A_983 {offsets = [0, 384], sizes = [256, 128], strides = [1, 1]} : vector<256x512xf32> to vector<256x128xf32>
    %mul3A_1033 = arith.constant 5.000000e-01 : f32
    %mul3A_1034 = vector.broadcast %mul3A_1033 : f32 to vector<256x128xf32>
    %mul3A_1035 = arith.mulf %mul3A_1034, %slice3A_1032 : vector<256x128xf32>
    %add3A_1036 = arith.constant 5.000000e-01 : f32
    %add3A_1037 = vector.broadcast %add3A_1036 : f32 to vector<256x128xf32>
    %add3A_1038 = arith.addf %add3A_1037, %mul3A_1035 : vector<256x128xf32>
    %mul3A_1039 = arith.mulf %add3A_1030, %add3A_865 : vector<256x128xf32>
    %mul3A_1040 = arith.mulf %add3A_1023, %slice3A_1031 : vector<256x128xf32>
    %add3A_1041 = arith.addf %mul3A_1039, %mul3A_1040 : vector<256x128xf32>
    %tanh3A_1042 = math.tanh %add3A_1041 : vector<256x128xf32>
    %mul3A_1043 = arith.mulf %add3A_1038, %tanh3A_1042 : vector<256x128xf32>
    %slice3A_1044 = vector.extract_strided_slice %tanh3A_986 {offsets = [0, 0], sizes = [256, 128], strides = [1, 1]} : vector<256x512xf32> to vector<256x128xf32>
    %mul3A_1045 = arith.constant 5.000000e-01 : f32
    %mul3A_1046 = vector.broadcast %mul3A_1045 : f32 to vector<256x128xf32>
    %mul3A_1047 = arith.mulf %mul3A_1046, %slice3A_1044 : vector<256x128xf32>
    %add3A_1048 = arith.constant 5.000000e-01 : f32
    %add3A_1049 = vector.broadcast %add3A_1048 : f32 to vector<256x128xf32>
    %add3A_1050 = arith.addf %add3A_1049, %mul3A_1047 : vector<256x128xf32>
    %slice3A_1051 = vector.extract_strided_slice %tanh3A_986 {offsets = [0, 128], sizes = [256, 128], strides = [1, 1]} : vector<256x512xf32> to vector<256x128xf32>
    %mul3A_1052 = arith.constant 5.000000e-01 : f32
    %mul3A_1053 = vector.broadcast %mul3A_1052 : f32 to vector<256x128xf32>
    %mul3A_1054 = arith.mulf %mul3A_1053, %slice3A_1051 : vector<256x128xf32>
    %add3A_1055 = arith.constant 5.000000e-01 : f32
    %add3A_1056 = vector.broadcast %add3A_1055 : f32 to vector<256x128xf32>
    %add3A_1057 = arith.addf %add3A_1056, %mul3A_1054 : vector<256x128xf32>
    %slice3A_1058 = vector.extract_strided_slice %tanh3A_986 {offsets = [0, 256], sizes = [256, 128], strides = [1, 1]} : vector<256x512xf32> to vector<256x128xf32>
    %slice3A_1059 = vector.extract_strided_slice %tanh3A_986 {offsets = [0, 384], sizes = [256, 128], strides = [1, 1]} : vector<256x512xf32> to vector<256x128xf32>
    %mul3A_1060 = arith.constant 5.000000e-01 : f32
    %mul3A_1061 = vector.broadcast %mul3A_1060 : f32 to vector<256x128xf32>
    %mul3A_1062 = arith.mulf %mul3A_1061, %slice3A_1059 : vector<256x128xf32>
    %add3A_1063 = arith.constant 5.000000e-01 : f32
    %add3A_1064 = vector.broadcast %add3A_1063 : f32 to vector<256x128xf32>
    %add3A_1065 = arith.addf %add3A_1064, %mul3A_1062 : vector<256x128xf32>
    %mul3A_1066 = arith.mulf %add3A_1057, %add3A_892 : vector<256x128xf32>
    %mul3A_1067 = arith.mulf %add3A_1050, %slice3A_1058 : vector<256x128xf32>
    %add3A_1068 = arith.addf %mul3A_1066, %mul3A_1067 : vector<256x128xf32>
    %tanh3A_1069 = math.tanh %add3A_1068 : vector<256x128xf32>
    %mul3A_1070 = arith.mulf %add3A_1065, %tanh3A_1069 : vector<256x128xf32>
    %slice3A_1071 = vector.extract_strided_slice %tanh3A_989 {offsets = [0, 0], sizes = [256, 128], strides = [1, 1]} : vector<256x512xf32> to vector<256x128xf32>
    %mul3A_1072 = arith.constant 5.000000e-01 : f32
    %mul3A_1073 = vector.broadcast %mul3A_1072 : f32 to vector<256x128xf32>
    %mul3A_1074 = arith.mulf %mul3A_1073, %slice3A_1071 : vector<256x128xf32>
    %add3A_1075 = arith.constant 5.000000e-01 : f32
    %add3A_1076 = vector.broadcast %add3A_1075 : f32 to vector<256x128xf32>
    %add3A_1077 = arith.addf %add3A_1076, %mul3A_1074 : vector<256x128xf32>
    %slice3A_1078 = vector.extract_strided_slice %tanh3A_989 {offsets = [0, 128], sizes = [256, 128], strides = [1, 1]} : vector<256x512xf32> to vector<256x128xf32>
    %mul3A_1079 = arith.constant 5.000000e-01 : f32
    %mul3A_1080 = vector.broadcast %mul3A_1079 : f32 to vector<256x128xf32>
    %mul3A_1081 = arith.mulf %mul3A_1080, %slice3A_1078 : vector<256x128xf32>
    %add3A_1082 = arith.constant 5.000000e-01 : f32
    %add3A_1083 = vector.broadcast %add3A_1082 : f32 to vector<256x128xf32>
    %add3A_1084 = arith.addf %add3A_1083, %mul3A_1081 : vector<256x128xf32>
    %slice3A_1085 = vector.extract_strided_slice %tanh3A_989 {offsets = [0, 256], sizes = [256, 128], strides = [1, 1]} : vector<256x512xf32> to vector<256x128xf32>
    %slice3A_1086 = vector.extract_strided_slice %tanh3A_989 {offsets = [0, 384], sizes = [256, 128], strides = [1, 1]} : vector<256x512xf32> to vector<256x128xf32>
    %mul3A_1087 = arith.constant 5.000000e-01 : f32
    %mul3A_1088 = vector.broadcast %mul3A_1087 : f32 to vector<256x128xf32>
    %mul3A_1089 = arith.mulf %mul3A_1088, %slice3A_1086 : vector<256x128xf32>
    %add3A_1090 = arith.constant 5.000000e-01 : f32
    %add3A_1091 = vector.broadcast %add3A_1090 : f32 to vector<256x128xf32>
    %add3A_1092 = arith.addf %add3A_1091, %mul3A_1089 : vector<256x128xf32>
    %mul3A_1093 = arith.mulf %add3A_1084, %add3A_919 : vector<256x128xf32>
    %mul3A_1094 = arith.mulf %add3A_1077, %slice3A_1085 : vector<256x128xf32>
    %add3A_1095 = arith.addf %mul3A_1093, %mul3A_1094 : vector<256x128xf32>
    %tanh3A_1096 = math.tanh %add3A_1095 : vector<256x128xf32>
    %mul3A_1097 = arith.mulf %add3A_1092, %tanh3A_1096 : vector<256x128xf32>
    %slice3A_1098 = vector.extract_strided_slice %slice3A_24 {offsets = [0, 6], sizes = [256, 1], strides = [1, 1]} : vector<256x16xi32> to vector<256x1xi32>
    %eq3A_1099 = vector.broadcast %slice3A_1098 : vector<256x1xi32> to vector<256x128xi32>
    %eq3A_1100 = arith.cmpi eq, %iota3A_23, %eq3A_1099 : vector<256x128xi32>
    %convert_element_type3A_1101 = arith.extui %eq3A_1100 : vector<256x128xi1> to vector<256x128xi32>
    %convert_element_type3A_1102 = arith.sitofp %convert_element_type3A_1101 : vector<256x128xi32> to vector<256x128xf32>
    %convert_element_type3A_1103 = arith.truncf %convert_element_type3A_1102 : vector<256x128xf32> to vector<256x128xbf16>
    %convert_element_type3A_1104 = arith.truncf %mul3A_1016 : vector<256x128xf32> to vector<256x128xbf16>
    %slice3A_1105 = vector.extract_strided_slice %slice3A_24 {offsets = [0, 9], sizes = [256, 1], strides = [1, 1]} : vector<256x16xi32> to vector<256x1xi32>
    %eq3A_1106 = vector.broadcast %slice3A_1105 : vector<256x1xi32> to vector<256x128xi32>
    %eq3A_1107 = arith.cmpi eq, %iota3A_23, %eq3A_1106 : vector<256x128xi32>
    %convert_element_type3A_1108 = arith.extui %eq3A_1107 : vector<256x128xi1> to vector<256x128xi32>
    %convert_element_type3A_1109 = arith.sitofp %convert_element_type3A_1108 : vector<256x128xi32> to vector<256x128xf32>
    %convert_element_type3A_1110 = arith.truncf %convert_element_type3A_1109 : vector<256x128xf32> to vector<256x128xbf16>
    %concatenate3A_1111 = tpu.concatenate %convert_element_type3A_1103, %convert_element_type3A_1104, %convert_element_type3A_1110 in 1 : vector<256x128xbf16>, vector<256x128xbf16>, vector<256x128xbf16> -> vector<256x384xbf16>
    %slice3A_1112 = vector.extract_strided_slice %slice3A_29 {offsets = [0, 6], sizes = [256, 1], strides = [1, 1]} : vector<256x16xi32> to vector<256x1xi32>
    %eq3A_1113 = vector.broadcast %slice3A_1112 : vector<256x1xi32> to vector<256x128xi32>
    %eq3A_1114 = arith.cmpi eq, %iota3A_23, %eq3A_1113 : vector<256x128xi32>
    %convert_element_type3A_1115 = arith.extui %eq3A_1114 : vector<256x128xi1> to vector<256x128xi32>
    %convert_element_type3A_1116 = arith.sitofp %convert_element_type3A_1115 : vector<256x128xi32> to vector<256x128xf32>
    %convert_element_type3A_1117 = arith.truncf %convert_element_type3A_1116 : vector<256x128xf32> to vector<256x128xbf16>
    %convert_element_type3A_1118 = arith.truncf %mul3A_1043 : vector<256x128xf32> to vector<256x128xbf16>
    %slice3A_1119 = vector.extract_strided_slice %slice3A_29 {offsets = [0, 9], sizes = [256, 1], strides = [1, 1]} : vector<256x16xi32> to vector<256x1xi32>
    %eq3A_1120 = vector.broadcast %slice3A_1119 : vector<256x1xi32> to vector<256x128xi32>
    %eq3A_1121 = arith.cmpi eq, %iota3A_23, %eq3A_1120 : vector<256x128xi32>
    %convert_element_type3A_1122 = arith.extui %eq3A_1121 : vector<256x128xi1> to vector<256x128xi32>
    %convert_element_type3A_1123 = arith.sitofp %convert_element_type3A_1122 : vector<256x128xi32> to vector<256x128xf32>
    %convert_element_type3A_1124 = arith.truncf %convert_element_type3A_1123 : vector<256x128xf32> to vector<256x128xbf16>
    %concatenate3A_1125 = tpu.concatenate %convert_element_type3A_1117, %convert_element_type3A_1118, %convert_element_type3A_1124 in 1 : vector<256x128xbf16>, vector<256x128xbf16>, vector<256x128xbf16> -> vector<256x384xbf16>
    %slice3A_1126 = vector.extract_strided_slice %slice3A_34 {offsets = [0, 6], sizes = [256, 1], strides = [1, 1]} : vector<256x16xi32> to vector<256x1xi32>
    %eq3A_1127 = vector.broadcast %slice3A_1126 : vector<256x1xi32> to vector<256x128xi32>
    %eq3A_1128 = arith.cmpi eq, %iota3A_23, %eq3A_1127 : vector<256x128xi32>
    %convert_element_type3A_1129 = arith.extui %eq3A_1128 : vector<256x128xi1> to vector<256x128xi32>
    %convert_element_type3A_1130 = arith.sitofp %convert_element_type3A_1129 : vector<256x128xi32> to vector<256x128xf32>
    %convert_element_type3A_1131 = arith.truncf %convert_element_type3A_1130 : vector<256x128xf32> to vector<256x128xbf16>
    %convert_element_type3A_1132 = arith.truncf %mul3A_1070 : vector<256x128xf32> to vector<256x128xbf16>
    %slice3A_1133 = vector.extract_strided_slice %slice3A_34 {offsets = [0, 9], sizes = [256, 1], strides = [1, 1]} : vector<256x16xi32> to vector<256x1xi32>
    %eq3A_1134 = vector.broadcast %slice3A_1133 : vector<256x1xi32> to vector<256x128xi32>
    %eq3A_1135 = arith.cmpi eq, %iota3A_23, %eq3A_1134 : vector<256x128xi32>
    %convert_element_type3A_1136 = arith.extui %eq3A_1135 : vector<256x128xi1> to vector<256x128xi32>
    %convert_element_type3A_1137 = arith.sitofp %convert_element_type3A_1136 : vector<256x128xi32> to vector<256x128xf32>
    %convert_element_type3A_1138 = arith.truncf %convert_element_type3A_1137 : vector<256x128xf32> to vector<256x128xbf16>
    %concatenate3A_1139 = tpu.concatenate %convert_element_type3A_1131, %convert_element_type3A_1132, %convert_element_type3A_1138 in 1 : vector<256x128xbf16>, vector<256x128xbf16>, vector<256x128xbf16> -> vector<256x384xbf16>
    %slice3A_1140 = vector.extract_strided_slice %slice3A_39 {offsets = [0, 6], sizes = [256, 1], strides = [1, 1]} : vector<256x16xi32> to vector<256x1xi32>
    %eq3A_1141 = vector.broadcast %slice3A_1140 : vector<256x1xi32> to vector<256x128xi32>
    %eq3A_1142 = arith.cmpi eq, %iota3A_23, %eq3A_1141 : vector<256x128xi32>
    %convert_element_type3A_1143 = arith.extui %eq3A_1142 : vector<256x128xi1> to vector<256x128xi32>
    %convert_element_type3A_1144 = arith.sitofp %convert_element_type3A_1143 : vector<256x128xi32> to vector<256x128xf32>
    %convert_element_type3A_1145 = arith.truncf %convert_element_type3A_1144 : vector<256x128xf32> to vector<256x128xbf16>
    %convert_element_type3A_1146 = arith.truncf %mul3A_1097 : vector<256x128xf32> to vector<256x128xbf16>
    %slice3A_1147 = vector.extract_strided_slice %slice3A_39 {offsets = [0, 9], sizes = [256, 1], strides = [1, 1]} : vector<256x16xi32> to vector<256x1xi32>
    %eq3A_1148 = vector.broadcast %slice3A_1147 : vector<256x1xi32> to vector<256x128xi32>
    %eq3A_1149 = arith.cmpi eq, %iota3A_23, %eq3A_1148 : vector<256x128xi32>
    %convert_element_type3A_1150 = arith.extui %eq3A_1149 : vector<256x128xi1> to vector<256x128xi32>
    %convert_element_type3A_1151 = arith.sitofp %convert_element_type3A_1150 : vector<256x128xi32> to vector<256x128xf32>
    %convert_element_type3A_1152 = arith.truncf %convert_element_type3A_1151 : vector<256x128xf32> to vector<256x128xbf16>
    %concatenate3A_1153 = tpu.concatenate %convert_element_type3A_1145, %convert_element_type3A_1146, %convert_element_type3A_1152 in 1 : vector<256x128xbf16>, vector<256x128xbf16>, vector<256x128xbf16> -> vector<256x384xbf16>
    %dot_general3A_1154 = arith.constant dense<0.000000e+00> : vector<256x512xf32>
    %dot_general3A_1155 = tpu.matmul %concatenate3A_1111, %convert_element_type3A, %dot_general3A_1154 {dimension_numbers = #tpu.dot_dimension_numbers<[1], [0], [0], [1], [0, 0, 1, 1], [], []>, transpose_lhs_hint = false} : vector<256x384xbf16>, vector<384x512xbf16>, vector<256x512xf32> -> vector<256x512xf32>
    %tanh3A_1156 = math.tanh %dot_general3A_1155 : vector<256x512xf32>
    %dot_general3A_1157 = arith.constant dense<0.000000e+00> : vector<256x512xf32>
    %dot_general3A_1158 = tpu.matmul %concatenate3A_1125, %convert_element_type3A, %dot_general3A_1157 {dimension_numbers = #tpu.dot_dimension_numbers<[1], [0], [0], [1], [0, 0, 1, 1], [], []>, transpose_lhs_hint = false} : vector<256x384xbf16>, vector<384x512xbf16>, vector<256x512xf32> -> vector<256x512xf32>
    %tanh3A_1159 = math.tanh %dot_general3A_1158 : vector<256x512xf32>
    %dot_general3A_1160 = arith.constant dense<0.000000e+00> : vector<256x512xf32>
    %dot_general3A_1161 = tpu.matmul %concatenate3A_1139, %convert_element_type3A, %dot_general3A_1160 {dimension_numbers = #tpu.dot_dimension_numbers<[1], [0], [0], [1], [0, 0, 1, 1], [], []>, transpose_lhs_hint = false} : vector<256x384xbf16>, vector<384x512xbf16>, vector<256x512xf32> -> vector<256x512xf32>
    %tanh3A_1162 = math.tanh %dot_general3A_1161 : vector<256x512xf32>
    %dot_general3A_1163 = arith.constant dense<0.000000e+00> : vector<256x512xf32>
    %dot_general3A_1164 = tpu.matmul %concatenate3A_1153, %convert_element_type3A, %dot_general3A_1163 {dimension_numbers = #tpu.dot_dimension_numbers<[1], [0], [0], [1], [0, 0, 1, 1], [], []>, transpose_lhs_hint = false} : vector<256x384xbf16>, vector<384x512xbf16>, vector<256x512xf32> -> vector<256x512xf32>
    %tanh3A_1165 = math.tanh %dot_general3A_1164 : vector<256x512xf32>
    %slice3A_1166 = vector.extract_strided_slice %tanh3A_1156 {offsets = [0, 0], sizes = [256, 128], strides = [1, 1]} : vector<256x512xf32> to vector<256x128xf32>
    %mul3A_1167 = arith.constant 5.000000e-01 : f32
    %mul3A_1168 = vector.broadcast %mul3A_1167 : f32 to vector<256x128xf32>
    %mul3A_1169 = arith.mulf %mul3A_1168, %slice3A_1166 : vector<256x128xf32>
    %add3A_1170 = arith.constant 5.000000e-01 : f32
    %add3A_1171 = vector.broadcast %add3A_1170 : f32 to vector<256x128xf32>
    %add3A_1172 = arith.addf %add3A_1171, %mul3A_1169 : vector<256x128xf32>
    %slice3A_1173 = vector.extract_strided_slice %tanh3A_1156 {offsets = [0, 128], sizes = [256, 128], strides = [1, 1]} : vector<256x512xf32> to vector<256x128xf32>
    %mul3A_1174 = arith.constant 5.000000e-01 : f32
    %mul3A_1175 = vector.broadcast %mul3A_1174 : f32 to vector<256x128xf32>
    %mul3A_1176 = arith.mulf %mul3A_1175, %slice3A_1173 : vector<256x128xf32>
    %add3A_1177 = arith.constant 5.000000e-01 : f32
    %add3A_1178 = vector.broadcast %add3A_1177 : f32 to vector<256x128xf32>
    %add3A_1179 = arith.addf %add3A_1178, %mul3A_1176 : vector<256x128xf32>
    %slice3A_1180 = vector.extract_strided_slice %tanh3A_1156 {offsets = [0, 256], sizes = [256, 128], strides = [1, 1]} : vector<256x512xf32> to vector<256x128xf32>
    %slice3A_1181 = vector.extract_strided_slice %tanh3A_1156 {offsets = [0, 384], sizes = [256, 128], strides = [1, 1]} : vector<256x512xf32> to vector<256x128xf32>
    %mul3A_1182 = arith.constant 5.000000e-01 : f32
    %mul3A_1183 = vector.broadcast %mul3A_1182 : f32 to vector<256x128xf32>
    %mul3A_1184 = arith.mulf %mul3A_1183, %slice3A_1181 : vector<256x128xf32>
    %add3A_1185 = arith.constant 5.000000e-01 : f32
    %add3A_1186 = vector.broadcast %add3A_1185 : f32 to vector<256x128xf32>
    %add3A_1187 = arith.addf %add3A_1186, %mul3A_1184 : vector<256x128xf32>
    %mul3A_1188 = arith.mulf %add3A_1179, %add3A_1014 : vector<256x128xf32>
    %mul3A_1189 = arith.mulf %add3A_1172, %slice3A_1180 : vector<256x128xf32>
    %add3A_1190 = arith.addf %mul3A_1188, %mul3A_1189 : vector<256x128xf32>
    %tanh3A_1191 = math.tanh %add3A_1190 : vector<256x128xf32>
    %mul3A_1192 = arith.mulf %add3A_1187, %tanh3A_1191 : vector<256x128xf32>
    %slice3A_1193 = vector.extract_strided_slice %tanh3A_1159 {offsets = [0, 0], sizes = [256, 128], strides = [1, 1]} : vector<256x512xf32> to vector<256x128xf32>
    %mul3A_1194 = arith.constant 5.000000e-01 : f32
    %mul3A_1195 = vector.broadcast %mul3A_1194 : f32 to vector<256x128xf32>
    %mul3A_1196 = arith.mulf %mul3A_1195, %slice3A_1193 : vector<256x128xf32>
    %add3A_1197 = arith.constant 5.000000e-01 : f32
    %add3A_1198 = vector.broadcast %add3A_1197 : f32 to vector<256x128xf32>
    %add3A_1199 = arith.addf %add3A_1198, %mul3A_1196 : vector<256x128xf32>
    %slice3A_1200 = vector.extract_strided_slice %tanh3A_1159 {offsets = [0, 128], sizes = [256, 128], strides = [1, 1]} : vector<256x512xf32> to vector<256x128xf32>
    %mul3A_1201 = arith.constant 5.000000e-01 : f32
    %mul3A_1202 = vector.broadcast %mul3A_1201 : f32 to vector<256x128xf32>
    %mul3A_1203 = arith.mulf %mul3A_1202, %slice3A_1200 : vector<256x128xf32>
    %add3A_1204 = arith.constant 5.000000e-01 : f32
    %add3A_1205 = vector.broadcast %add3A_1204 : f32 to vector<256x128xf32>
    %add3A_1206 = arith.addf %add3A_1205, %mul3A_1203 : vector<256x128xf32>
    %slice3A_1207 = vector.extract_strided_slice %tanh3A_1159 {offsets = [0, 256], sizes = [256, 128], strides = [1, 1]} : vector<256x512xf32> to vector<256x128xf32>
    %slice3A_1208 = vector.extract_strided_slice %tanh3A_1159 {offsets = [0, 384], sizes = [256, 128], strides = [1, 1]} : vector<256x512xf32> to vector<256x128xf32>
    %mul3A_1209 = arith.constant 5.000000e-01 : f32
    %mul3A_1210 = vector.broadcast %mul3A_1209 : f32 to vector<256x128xf32>
    %mul3A_1211 = arith.mulf %mul3A_1210, %slice3A_1208 : vector<256x128xf32>
    %add3A_1212 = arith.constant 5.000000e-01 : f32
    %add3A_1213 = vector.broadcast %add3A_1212 : f32 to vector<256x128xf32>
    %add3A_1214 = arith.addf %add3A_1213, %mul3A_1211 : vector<256x128xf32>
    %mul3A_1215 = arith.mulf %add3A_1206, %add3A_1041 : vector<256x128xf32>
    %mul3A_1216 = arith.mulf %add3A_1199, %slice3A_1207 : vector<256x128xf32>
    %add3A_1217 = arith.addf %mul3A_1215, %mul3A_1216 : vector<256x128xf32>
    %tanh3A_1218 = math.tanh %add3A_1217 : vector<256x128xf32>
    %mul3A_1219 = arith.mulf %add3A_1214, %tanh3A_1218 : vector<256x128xf32>
    %slice3A_1220 = vector.extract_strided_slice %tanh3A_1162 {offsets = [0, 0], sizes = [256, 128], strides = [1, 1]} : vector<256x512xf32> to vector<256x128xf32>
    %mul3A_1221 = arith.constant 5.000000e-01 : f32
    %mul3A_1222 = vector.broadcast %mul3A_1221 : f32 to vector<256x128xf32>
    %mul3A_1223 = arith.mulf %mul3A_1222, %slice3A_1220 : vector<256x128xf32>
    %add3A_1224 = arith.constant 5.000000e-01 : f32
    %add3A_1225 = vector.broadcast %add3A_1224 : f32 to vector<256x128xf32>
    %add3A_1226 = arith.addf %add3A_1225, %mul3A_1223 : vector<256x128xf32>
    %slice3A_1227 = vector.extract_strided_slice %tanh3A_1162 {offsets = [0, 128], sizes = [256, 128], strides = [1, 1]} : vector<256x512xf32> to vector<256x128xf32>
    %mul3A_1228 = arith.constant 5.000000e-01 : f32
    %mul3A_1229 = vector.broadcast %mul3A_1228 : f32 to vector<256x128xf32>
    %mul3A_1230 = arith.mulf %mul3A_1229, %slice3A_1227 : vector<256x128xf32>
    %add3A_1231 = arith.constant 5.000000e-01 : f32
    %add3A_1232 = vector.broadcast %add3A_1231 : f32 to vector<256x128xf32>
    %add3A_1233 = arith.addf %add3A_1232, %mul3A_1230 : vector<256x128xf32>
    %slice3A_1234 = vector.extract_strided_slice %tanh3A_1162 {offsets = [0, 256], sizes = [256, 128], strides = [1, 1]} : vector<256x512xf32> to vector<256x128xf32>
    %slice3A_1235 = vector.extract_strided_slice %tanh3A_1162 {offsets = [0, 384], sizes = [256, 128], strides = [1, 1]} : vector<256x512xf32> to vector<256x128xf32>
    %mul3A_1236 = arith.constant 5.000000e-01 : f32
    %mul3A_1237 = vector.broadcast %mul3A_1236 : f32 to vector<256x128xf32>
    %mul3A_1238 = arith.mulf %mul3A_1237, %slice3A_1235 : vector<256x128xf32>
    %add3A_1239 = arith.constant 5.000000e-01 : f32
    %add3A_1240 = vector.broadcast %add3A_1239 : f32 to vector<256x128xf32>
    %add3A_1241 = arith.addf %add3A_1240, %mul3A_1238 : vector<256x128xf32>
    %mul3A_1242 = arith.mulf %add3A_1233, %add3A_1068 : vector<256x128xf32>
    %mul3A_1243 = arith.mulf %add3A_1226, %slice3A_1234 : vector<256x128xf32>
    %add3A_1244 = arith.addf %mul3A_1242, %mul3A_1243 : vector<256x128xf32>
    %tanh3A_1245 = math.tanh %add3A_1244 : vector<256x128xf32>
    %mul3A_1246 = arith.mulf %add3A_1241, %tanh3A_1245 : vector<256x128xf32>
    %slice3A_1247 = vector.extract_strided_slice %tanh3A_1165 {offsets = [0, 0], sizes = [256, 128], strides = [1, 1]} : vector<256x512xf32> to vector<256x128xf32>
    %mul3A_1248 = arith.constant 5.000000e-01 : f32
    %mul3A_1249 = vector.broadcast %mul3A_1248 : f32 to vector<256x128xf32>
    %mul3A_1250 = arith.mulf %mul3A_1249, %slice3A_1247 : vector<256x128xf32>
    %add3A_1251 = arith.constant 5.000000e-01 : f32
    %add3A_1252 = vector.broadcast %add3A_1251 : f32 to vector<256x128xf32>
    %add3A_1253 = arith.addf %add3A_1252, %mul3A_1250 : vector<256x128xf32>
    %slice3A_1254 = vector.extract_strided_slice %tanh3A_1165 {offsets = [0, 128], sizes = [256, 128], strides = [1, 1]} : vector<256x512xf32> to vector<256x128xf32>
    %mul3A_1255 = arith.constant 5.000000e-01 : f32
    %mul3A_1256 = vector.broadcast %mul3A_1255 : f32 to vector<256x128xf32>
    %mul3A_1257 = arith.mulf %mul3A_1256, %slice3A_1254 : vector<256x128xf32>
    %add3A_1258 = arith.constant 5.000000e-01 : f32
    %add3A_1259 = vector.broadcast %add3A_1258 : f32 to vector<256x128xf32>
    %add3A_1260 = arith.addf %add3A_1259, %mul3A_1257 : vector<256x128xf32>
    %slice3A_1261 = vector.extract_strided_slice %tanh3A_1165 {offsets = [0, 256], sizes = [256, 128], strides = [1, 1]} : vector<256x512xf32> to vector<256x128xf32>
    %slice3A_1262 = vector.extract_strided_slice %tanh3A_1165 {offsets = [0, 384], sizes = [256, 128], strides = [1, 1]} : vector<256x512xf32> to vector<256x128xf32>
    %mul3A_1263 = arith.constant 5.000000e-01 : f32
    %mul3A_1264 = vector.broadcast %mul3A_1263 : f32 to vector<256x128xf32>
    %mul3A_1265 = arith.mulf %mul3A_1264, %slice3A_1262 : vector<256x128xf32>
    %add3A_1266 = arith.constant 5.000000e-01 : f32
    %add3A_1267 = vector.broadcast %add3A_1266 : f32 to vector<256x128xf32>
    %add3A_1268 = arith.addf %add3A_1267, %mul3A_1265 : vector<256x128xf32>
    %mul3A_1269 = arith.mulf %add3A_1260, %add3A_1095 : vector<256x128xf32>
    %mul3A_1270 = arith.mulf %add3A_1253, %slice3A_1261 : vector<256x128xf32>
    %add3A_1271 = arith.addf %mul3A_1269, %mul3A_1270 : vector<256x128xf32>
    %tanh3A_1272 = math.tanh %add3A_1271 : vector<256x128xf32>
    %mul3A_1273 = arith.mulf %add3A_1268, %tanh3A_1272 : vector<256x128xf32>
    %slice3A_1274 = vector.extract_strided_slice %slice3A_24 {offsets = [0, 7], sizes = [256, 1], strides = [1, 1]} : vector<256x16xi32> to vector<256x1xi32>
    %eq3A_1275 = vector.broadcast %slice3A_1274 : vector<256x1xi32> to vector<256x128xi32>
    %eq3A_1276 = arith.cmpi eq, %iota3A_23, %eq3A_1275 : vector<256x128xi32>
    %convert_element_type3A_1277 = arith.extui %eq3A_1276 : vector<256x128xi1> to vector<256x128xi32>
    %convert_element_type3A_1278 = arith.sitofp %convert_element_type3A_1277 : vector<256x128xi32> to vector<256x128xf32>
    %convert_element_type3A_1279 = arith.truncf %convert_element_type3A_1278 : vector<256x128xf32> to vector<256x128xbf16>
    %convert_element_type3A_1280 = arith.truncf %mul3A_1192 : vector<256x128xf32> to vector<256x128xbf16>
    %slice3A_1281 = vector.extract_strided_slice %slice3A_24 {offsets = [0, 8], sizes = [256, 1], strides = [1, 1]} : vector<256x16xi32> to vector<256x1xi32>
    %eq3A_1282 = vector.broadcast %slice3A_1281 : vector<256x1xi32> to vector<256x128xi32>
    %eq3A_1283 = arith.cmpi eq, %iota3A_23, %eq3A_1282 : vector<256x128xi32>
    %convert_element_type3A_1284 = arith.extui %eq3A_1283 : vector<256x128xi1> to vector<256x128xi32>
    %convert_element_type3A_1285 = arith.sitofp %convert_element_type3A_1284 : vector<256x128xi32> to vector<256x128xf32>
    %convert_element_type3A_1286 = arith.truncf %convert_element_type3A_1285 : vector<256x128xf32> to vector<256x128xbf16>
    %concatenate3A_1287 = tpu.concatenate %convert_element_type3A_1279, %convert_element_type3A_1280, %convert_element_type3A_1286 in 1 : vector<256x128xbf16>, vector<256x128xbf16>, vector<256x128xbf16> -> vector<256x384xbf16>
    %slice3A_1288 = vector.extract_strided_slice %slice3A_29 {offsets = [0, 7], sizes = [256, 1], strides = [1, 1]} : vector<256x16xi32> to vector<256x1xi32>
    %eq3A_1289 = vector.broadcast %slice3A_1288 : vector<256x1xi32> to vector<256x128xi32>
    %eq3A_1290 = arith.cmpi eq, %iota3A_23, %eq3A_1289 : vector<256x128xi32>
    %convert_element_type3A_1291 = arith.extui %eq3A_1290 : vector<256x128xi1> to vector<256x128xi32>
    %convert_element_type3A_1292 = arith.sitofp %convert_element_type3A_1291 : vector<256x128xi32> to vector<256x128xf32>
    %convert_element_type3A_1293 = arith.truncf %convert_element_type3A_1292 : vector<256x128xf32> to vector<256x128xbf16>
    %convert_element_type3A_1294 = arith.truncf %mul3A_1219 : vector<256x128xf32> to vector<256x128xbf16>
    %slice3A_1295 = vector.extract_strided_slice %slice3A_29 {offsets = [0, 8], sizes = [256, 1], strides = [1, 1]} : vector<256x16xi32> to vector<256x1xi32>
    %eq3A_1296 = vector.broadcast %slice3A_1295 : vector<256x1xi32> to vector<256x128xi32>
    %eq3A_1297 = arith.cmpi eq, %iota3A_23, %eq3A_1296 : vector<256x128xi32>
    %convert_element_type3A_1298 = arith.extui %eq3A_1297 : vector<256x128xi1> to vector<256x128xi32>
    %convert_element_type3A_1299 = arith.sitofp %convert_element_type3A_1298 : vector<256x128xi32> to vector<256x128xf32>
    %convert_element_type3A_1300 = arith.truncf %convert_element_type3A_1299 : vector<256x128xf32> to vector<256x128xbf16>
    %concatenate3A_1301 = tpu.concatenate %convert_element_type3A_1293, %convert_element_type3A_1294, %convert_element_type3A_1300 in 1 : vector<256x128xbf16>, vector<256x128xbf16>, vector<256x128xbf16> -> vector<256x384xbf16>
    %slice3A_1302 = vector.extract_strided_slice %slice3A_34 {offsets = [0, 7], sizes = [256, 1], strides = [1, 1]} : vector<256x16xi32> to vector<256x1xi32>
    %eq3A_1303 = vector.broadcast %slice3A_1302 : vector<256x1xi32> to vector<256x128xi32>
    %eq3A_1304 = arith.cmpi eq, %iota3A_23, %eq3A_1303 : vector<256x128xi32>
    %convert_element_type3A_1305 = arith.extui %eq3A_1304 : vector<256x128xi1> to vector<256x128xi32>
    %convert_element_type3A_1306 = arith.sitofp %convert_element_type3A_1305 : vector<256x128xi32> to vector<256x128xf32>
    %convert_element_type3A_1307 = arith.truncf %convert_element_type3A_1306 : vector<256x128xf32> to vector<256x128xbf16>
    %convert_element_type3A_1308 = arith.truncf %mul3A_1246 : vector<256x128xf32> to vector<256x128xbf16>
    %slice3A_1309 = vector.extract_strided_slice %slice3A_34 {offsets = [0, 8], sizes = [256, 1], strides = [1, 1]} : vector<256x16xi32> to vector<256x1xi32>
    %eq3A_1310 = vector.broadcast %slice3A_1309 : vector<256x1xi32> to vector<256x128xi32>
    %eq3A_1311 = arith.cmpi eq, %iota3A_23, %eq3A_1310 : vector<256x128xi32>
    %convert_element_type3A_1312 = arith.extui %eq3A_1311 : vector<256x128xi1> to vector<256x128xi32>
    %convert_element_type3A_1313 = arith.sitofp %convert_element_type3A_1312 : vector<256x128xi32> to vector<256x128xf32>
    %convert_element_type3A_1314 = arith.truncf %convert_element_type3A_1313 : vector<256x128xf32> to vector<256x128xbf16>
    %concatenate3A_1315 = tpu.concatenate %convert_element_type3A_1307, %convert_element_type3A_1308, %convert_element_type3A_1314 in 1 : vector<256x128xbf16>, vector<256x128xbf16>, vector<256x128xbf16> -> vector<256x384xbf16>
    %slice3A_1316 = vector.extract_strided_slice %slice3A_39 {offsets = [0, 7], sizes = [256, 1], strides = [1, 1]} : vector<256x16xi32> to vector<256x1xi32>
    %eq3A_1317 = vector.broadcast %slice3A_1316 : vector<256x1xi32> to vector<256x128xi32>
    %eq3A_1318 = arith.cmpi eq, %iota3A_23, %eq3A_1317 : vector<256x128xi32>
    %convert_element_type3A_1319 = arith.extui %eq3A_1318 : vector<256x128xi1> to vector<256x128xi32>
    %convert_element_type3A_1320 = arith.sitofp %convert_element_type3A_1319 : vector<256x128xi32> to vector<256x128xf32>
    %convert_element_type3A_1321 = arith.truncf %convert_element_type3A_1320 : vector<256x128xf32> to vector<256x128xbf16>
    %convert_element_type3A_1322 = arith.truncf %mul3A_1273 : vector<256x128xf32> to vector<256x128xbf16>
    %slice3A_1323 = vector.extract_strided_slice %slice3A_39 {offsets = [0, 8], sizes = [256, 1], strides = [1, 1]} : vector<256x16xi32> to vector<256x1xi32>
    %eq3A_1324 = vector.broadcast %slice3A_1323 : vector<256x1xi32> to vector<256x128xi32>
    %eq3A_1325 = arith.cmpi eq, %iota3A_23, %eq3A_1324 : vector<256x128xi32>
    %convert_element_type3A_1326 = arith.extui %eq3A_1325 : vector<256x128xi1> to vector<256x128xi32>
    %convert_element_type3A_1327 = arith.sitofp %convert_element_type3A_1326 : vector<256x128xi32> to vector<256x128xf32>
    %convert_element_type3A_1328 = arith.truncf %convert_element_type3A_1327 : vector<256x128xf32> to vector<256x128xbf16>
    %concatenate3A_1329 = tpu.concatenate %convert_element_type3A_1321, %convert_element_type3A_1322, %convert_element_type3A_1328 in 1 : vector<256x128xbf16>, vector<256x128xbf16>, vector<256x128xbf16> -> vector<256x384xbf16>
    %dot_general3A_1330 = arith.constant dense<0.000000e+00> : vector<256x512xf32>
    %dot_general3A_1331 = tpu.matmul %concatenate3A_1287, %convert_element_type3A, %dot_general3A_1330 {dimension_numbers = #tpu.dot_dimension_numbers<[1], [0], [0], [1], [0, 0, 1, 1], [], []>, transpose_lhs_hint = false} : vector<256x384xbf16>, vector<384x512xbf16>, vector<256x512xf32> -> vector<256x512xf32>
    %tanh3A_1332 = math.tanh %dot_general3A_1331 : vector<256x512xf32>
    %dot_general3A_1333 = arith.constant dense<0.000000e+00> : vector<256x512xf32>
    %dot_general3A_1334 = tpu.matmul %concatenate3A_1301, %convert_element_type3A, %dot_general3A_1333 {dimension_numbers = #tpu.dot_dimension_numbers<[1], [0], [0], [1], [0, 0, 1, 1], [], []>, transpose_lhs_hint = false} : vector<256x384xbf16>, vector<384x512xbf16>, vector<256x512xf32> -> vector<256x512xf32>
    %tanh3A_1335 = math.tanh %dot_general3A_1334 : vector<256x512xf32>
    %dot_general3A_1336 = arith.constant dense<0.000000e+00> : vector<256x512xf32>
    %dot_general3A_1337 = tpu.matmul %concatenate3A_1315, %convert_element_type3A, %dot_general3A_1336 {dimension_numbers = #tpu.dot_dimension_numbers<[1], [0], [0], [1], [0, 0, 1, 1], [], []>, transpose_lhs_hint = false} : vector<256x384xbf16>, vector<384x512xbf16>, vector<256x512xf32> -> vector<256x512xf32>
    %tanh3A_1338 = math.tanh %dot_general3A_1337 : vector<256x512xf32>
    %dot_general3A_1339 = arith.constant dense<0.000000e+00> : vector<256x512xf32>
    %dot_general3A_1340 = tpu.matmul %concatenate3A_1329, %convert_element_type3A, %dot_general3A_1339 {dimension_numbers = #tpu.dot_dimension_numbers<[1], [0], [0], [1], [0, 0, 1, 1], [], []>, transpose_lhs_hint = false} : vector<256x384xbf16>, vector<384x512xbf16>, vector<256x512xf32> -> vector<256x512xf32>
    %tanh3A_1341 = math.tanh %dot_general3A_1340 : vector<256x512xf32>
    %slice3A_1342 = vector.extract_strided_slice %tanh3A_1332 {offsets = [0, 0], sizes = [256, 128], strides = [1, 1]} : vector<256x512xf32> to vector<256x128xf32>
    %mul3A_1343 = arith.constant 5.000000e-01 : f32
    %mul3A_1344 = vector.broadcast %mul3A_1343 : f32 to vector<256x128xf32>
    %mul3A_1345 = arith.mulf %mul3A_1344, %slice3A_1342 : vector<256x128xf32>
    %add3A_1346 = arith.constant 5.000000e-01 : f32
    %add3A_1347 = vector.broadcast %add3A_1346 : f32 to vector<256x128xf32>
    %add3A_1348 = arith.addf %add3A_1347, %mul3A_1345 : vector<256x128xf32>
    %slice3A_1349 = vector.extract_strided_slice %tanh3A_1332 {offsets = [0, 128], sizes = [256, 128], strides = [1, 1]} : vector<256x512xf32> to vector<256x128xf32>
    %mul3A_1350 = arith.constant 5.000000e-01 : f32
    %mul3A_1351 = vector.broadcast %mul3A_1350 : f32 to vector<256x128xf32>
    %mul3A_1352 = arith.mulf %mul3A_1351, %slice3A_1349 : vector<256x128xf32>
    %add3A_1353 = arith.constant 5.000000e-01 : f32
    %add3A_1354 = vector.broadcast %add3A_1353 : f32 to vector<256x128xf32>
    %add3A_1355 = arith.addf %add3A_1354, %mul3A_1352 : vector<256x128xf32>
    %slice3A_1356 = vector.extract_strided_slice %tanh3A_1332 {offsets = [0, 256], sizes = [256, 128], strides = [1, 1]} : vector<256x512xf32> to vector<256x128xf32>
    %slice3A_1357 = vector.extract_strided_slice %tanh3A_1332 {offsets = [0, 384], sizes = [256, 128], strides = [1, 1]} : vector<256x512xf32> to vector<256x128xf32>
    %mul3A_1358 = arith.constant 5.000000e-01 : f32
    %mul3A_1359 = vector.broadcast %mul3A_1358 : f32 to vector<256x128xf32>
    %mul3A_1360 = arith.mulf %mul3A_1359, %slice3A_1357 : vector<256x128xf32>
    %add3A_1361 = arith.constant 5.000000e-01 : f32
    %add3A_1362 = vector.broadcast %add3A_1361 : f32 to vector<256x128xf32>
    %add3A_1363 = arith.addf %add3A_1362, %mul3A_1360 : vector<256x128xf32>
    %mul3A_1364 = arith.mulf %add3A_1355, %add3A_1190 : vector<256x128xf32>
    %mul3A_1365 = arith.mulf %add3A_1348, %slice3A_1356 : vector<256x128xf32>
    %add3A_1366 = arith.addf %mul3A_1364, %mul3A_1365 : vector<256x128xf32>
    %tanh3A_1367 = math.tanh %add3A_1366 : vector<256x128xf32>
    %mul3A_1368 = arith.mulf %add3A_1363, %tanh3A_1367 : vector<256x128xf32>
    %slice3A_1369 = vector.extract_strided_slice %tanh3A_1335 {offsets = [0, 0], sizes = [256, 128], strides = [1, 1]} : vector<256x512xf32> to vector<256x128xf32>
    %mul3A_1370 = arith.constant 5.000000e-01 : f32
    %mul3A_1371 = vector.broadcast %mul3A_1370 : f32 to vector<256x128xf32>
    %mul3A_1372 = arith.mulf %mul3A_1371, %slice3A_1369 : vector<256x128xf32>
    %add3A_1373 = arith.constant 5.000000e-01 : f32
    %add3A_1374 = vector.broadcast %add3A_1373 : f32 to vector<256x128xf32>
    %add3A_1375 = arith.addf %add3A_1374, %mul3A_1372 : vector<256x128xf32>
    %slice3A_1376 = vector.extract_strided_slice %tanh3A_1335 {offsets = [0, 128], sizes = [256, 128], strides = [1, 1]} : vector<256x512xf32> to vector<256x128xf32>
    %mul3A_1377 = arith.constant 5.000000e-01 : f32
    %mul3A_1378 = vector.broadcast %mul3A_1377 : f32 to vector<256x128xf32>
    %mul3A_1379 = arith.mulf %mul3A_1378, %slice3A_1376 : vector<256x128xf32>
    %add3A_1380 = arith.constant 5.000000e-01 : f32
    %add3A_1381 = vector.broadcast %add3A_1380 : f32 to vector<256x128xf32>
    %add3A_1382 = arith.addf %add3A_1381, %mul3A_1379 : vector<256x128xf32>
    %slice3A_1383 = vector.extract_strided_slice %tanh3A_1335 {offsets = [0, 256], sizes = [256, 128], strides = [1, 1]} : vector<256x512xf32> to vector<256x128xf32>
    %slice3A_1384 = vector.extract_strided_slice %tanh3A_1335 {offsets = [0, 384], sizes = [256, 128], strides = [1, 1]} : vector<256x512xf32> to vector<256x128xf32>
    %mul3A_1385 = arith.constant 5.000000e-01 : f32
    %mul3A_1386 = vector.broadcast %mul3A_1385 : f32 to vector<256x128xf32>
    %mul3A_1387 = arith.mulf %mul3A_1386, %slice3A_1384 : vector<256x128xf32>
    %add3A_1388 = arith.constant 5.000000e-01 : f32
    %add3A_1389 = vector.broadcast %add3A_1388 : f32 to vector<256x128xf32>
    %add3A_1390 = arith.addf %add3A_1389, %mul3A_1387 : vector<256x128xf32>
    %mul3A_1391 = arith.mulf %add3A_1382, %add3A_1217 : vector<256x128xf32>
    %mul3A_1392 = arith.mulf %add3A_1375, %slice3A_1383 : vector<256x128xf32>
    %add3A_1393 = arith.addf %mul3A_1391, %mul3A_1392 : vector<256x128xf32>
    %tanh3A_1394 = math.tanh %add3A_1393 : vector<256x128xf32>
    %mul3A_1395 = arith.mulf %add3A_1390, %tanh3A_1394 : vector<256x128xf32>
    %slice3A_1396 = vector.extract_strided_slice %tanh3A_1338 {offsets = [0, 0], sizes = [256, 128], strides = [1, 1]} : vector<256x512xf32> to vector<256x128xf32>
    %mul3A_1397 = arith.constant 5.000000e-01 : f32
    %mul3A_1398 = vector.broadcast %mul3A_1397 : f32 to vector<256x128xf32>
    %mul3A_1399 = arith.mulf %mul3A_1398, %slice3A_1396 : vector<256x128xf32>
    %add3A_1400 = arith.constant 5.000000e-01 : f32
    %add3A_1401 = vector.broadcast %add3A_1400 : f32 to vector<256x128xf32>
    %add3A_1402 = arith.addf %add3A_1401, %mul3A_1399 : vector<256x128xf32>
    %slice3A_1403 = vector.extract_strided_slice %tanh3A_1338 {offsets = [0, 128], sizes = [256, 128], strides = [1, 1]} : vector<256x512xf32> to vector<256x128xf32>
    %mul3A_1404 = arith.constant 5.000000e-01 : f32
    %mul3A_1405 = vector.broadcast %mul3A_1404 : f32 to vector<256x128xf32>
    %mul3A_1406 = arith.mulf %mul3A_1405, %slice3A_1403 : vector<256x128xf32>
    %add3A_1407 = arith.constant 5.000000e-01 : f32
    %add3A_1408 = vector.broadcast %add3A_1407 : f32 to vector<256x128xf32>
    %add3A_1409 = arith.addf %add3A_1408, %mul3A_1406 : vector<256x128xf32>
    %slice3A_1410 = vector.extract_strided_slice %tanh3A_1338 {offsets = [0, 256], sizes = [256, 128], strides = [1, 1]} : vector<256x512xf32> to vector<256x128xf32>
    %slice3A_1411 = vector.extract_strided_slice %tanh3A_1338 {offsets = [0, 384], sizes = [256, 128], strides = [1, 1]} : vector<256x512xf32> to vector<256x128xf32>
    %mul3A_1412 = arith.constant 5.000000e-01 : f32
    %mul3A_1413 = vector.broadcast %mul3A_1412 : f32 to vector<256x128xf32>
    %mul3A_1414 = arith.mulf %mul3A_1413, %slice3A_1411 : vector<256x128xf32>
    %add3A_1415 = arith.constant 5.000000e-01 : f32
    %add3A_1416 = vector.broadcast %add3A_1415 : f32 to vector<256x128xf32>
    %add3A_1417 = arith.addf %add3A_1416, %mul3A_1414 : vector<256x128xf32>
    %mul3A_1418 = arith.mulf %add3A_1409, %add3A_1244 : vector<256x128xf32>
    %mul3A_1419 = arith.mulf %add3A_1402, %slice3A_1410 : vector<256x128xf32>
    %add3A_1420 = arith.addf %mul3A_1418, %mul3A_1419 : vector<256x128xf32>
    %tanh3A_1421 = math.tanh %add3A_1420 : vector<256x128xf32>
    %mul3A_1422 = arith.mulf %add3A_1417, %tanh3A_1421 : vector<256x128xf32>
    %slice3A_1423 = vector.extract_strided_slice %tanh3A_1341 {offsets = [0, 0], sizes = [256, 128], strides = [1, 1]} : vector<256x512xf32> to vector<256x128xf32>
    %mul3A_1424 = arith.constant 5.000000e-01 : f32
    %mul3A_1425 = vector.broadcast %mul3A_1424 : f32 to vector<256x128xf32>
    %mul3A_1426 = arith.mulf %mul3A_1425, %slice3A_1423 : vector<256x128xf32>
    %add3A_1427 = arith.constant 5.000000e-01 : f32
    %add3A_1428 = vector.broadcast %add3A_1427 : f32 to vector<256x128xf32>
    %add3A_1429 = arith.addf %add3A_1428, %mul3A_1426 : vector<256x128xf32>
    %slice3A_1430 = vector.extract_strided_slice %tanh3A_1341 {offsets = [0, 128], sizes = [256, 128], strides = [1, 1]} : vector<256x512xf32> to vector<256x128xf32>
    %mul3A_1431 = arith.constant 5.000000e-01 : f32
    %mul3A_1432 = vector.broadcast %mul3A_1431 : f32 to vector<256x128xf32>
    %mul3A_1433 = arith.mulf %mul3A_1432, %slice3A_1430 : vector<256x128xf32>
    %add3A_1434 = arith.constant 5.000000e-01 : f32
    %add3A_1435 = vector.broadcast %add3A_1434 : f32 to vector<256x128xf32>
    %add3A_1436 = arith.addf %add3A_1435, %mul3A_1433 : vector<256x128xf32>
    %slice3A_1437 = vector.extract_strided_slice %tanh3A_1341 {offsets = [0, 256], sizes = [256, 128], strides = [1, 1]} : vector<256x512xf32> to vector<256x128xf32>
    %slice3A_1438 = vector.extract_strided_slice %tanh3A_1341 {offsets = [0, 384], sizes = [256, 128], strides = [1, 1]} : vector<256x512xf32> to vector<256x128xf32>
    %mul3A_1439 = arith.constant 5.000000e-01 : f32
    %mul3A_1440 = vector.broadcast %mul3A_1439 : f32 to vector<256x128xf32>
    %mul3A_1441 = arith.mulf %mul3A_1440, %slice3A_1438 : vector<256x128xf32>
    %add3A_1442 = arith.constant 5.000000e-01 : f32
    %add3A_1443 = vector.broadcast %add3A_1442 : f32 to vector<256x128xf32>
    %add3A_1444 = arith.addf %add3A_1443, %mul3A_1441 : vector<256x128xf32>
    %mul3A_1445 = arith.mulf %add3A_1436, %add3A_1271 : vector<256x128xf32>
    %mul3A_1446 = arith.mulf %add3A_1429, %slice3A_1437 : vector<256x128xf32>
    %add3A_1447 = arith.addf %mul3A_1445, %mul3A_1446 : vector<256x128xf32>
    %tanh3A_1448 = math.tanh %add3A_1447 : vector<256x128xf32>
    %mul3A_1449 = arith.mulf %add3A_1444, %tanh3A_1448 : vector<256x128xf32>
    %slice3A_1450 = vector.extract_strided_slice %slice3A_24 {offsets = [0, 8], sizes = [256, 1], strides = [1, 1]} : vector<256x16xi32> to vector<256x1xi32>
    %eq3A_1451 = vector.broadcast %slice3A_1450 : vector<256x1xi32> to vector<256x128xi32>
    %eq3A_1452 = arith.cmpi eq, %iota3A_23, %eq3A_1451 : vector<256x128xi32>
    %convert_element_type3A_1453 = arith.extui %eq3A_1452 : vector<256x128xi1> to vector<256x128xi32>
    %convert_element_type3A_1454 = arith.sitofp %convert_element_type3A_1453 : vector<256x128xi32> to vector<256x128xf32>
    %convert_element_type3A_1455 = arith.truncf %convert_element_type3A_1454 : vector<256x128xf32> to vector<256x128xbf16>
    %convert_element_type3A_1456 = arith.truncf %mul3A_1368 : vector<256x128xf32> to vector<256x128xbf16>
    %slice3A_1457 = vector.extract_strided_slice %slice3A_24 {offsets = [0, 7], sizes = [256, 1], strides = [1, 1]} : vector<256x16xi32> to vector<256x1xi32>
    %eq3A_1458 = vector.broadcast %slice3A_1457 : vector<256x1xi32> to vector<256x128xi32>
    %eq3A_1459 = arith.cmpi eq, %iota3A_23, %eq3A_1458 : vector<256x128xi32>
    %convert_element_type3A_1460 = arith.extui %eq3A_1459 : vector<256x128xi1> to vector<256x128xi32>
    %convert_element_type3A_1461 = arith.sitofp %convert_element_type3A_1460 : vector<256x128xi32> to vector<256x128xf32>
    %convert_element_type3A_1462 = arith.truncf %convert_element_type3A_1461 : vector<256x128xf32> to vector<256x128xbf16>
    %concatenate3A_1463 = tpu.concatenate %convert_element_type3A_1455, %convert_element_type3A_1456, %convert_element_type3A_1462 in 1 : vector<256x128xbf16>, vector<256x128xbf16>, vector<256x128xbf16> -> vector<256x384xbf16>
    %slice3A_1464 = vector.extract_strided_slice %slice3A_29 {offsets = [0, 8], sizes = [256, 1], strides = [1, 1]} : vector<256x16xi32> to vector<256x1xi32>
    %eq3A_1465 = vector.broadcast %slice3A_1464 : vector<256x1xi32> to vector<256x128xi32>
    %eq3A_1466 = arith.cmpi eq, %iota3A_23, %eq3A_1465 : vector<256x128xi32>
    %convert_element_type3A_1467 = arith.extui %eq3A_1466 : vector<256x128xi1> to vector<256x128xi32>
    %convert_element_type3A_1468 = arith.sitofp %convert_element_type3A_1467 : vector<256x128xi32> to vector<256x128xf32>
    %convert_element_type3A_1469 = arith.truncf %convert_element_type3A_1468 : vector<256x128xf32> to vector<256x128xbf16>
    %convert_element_type3A_1470 = arith.truncf %mul3A_1395 : vector<256x128xf32> to vector<256x128xbf16>
    %slice3A_1471 = vector.extract_strided_slice %slice3A_29 {offsets = [0, 7], sizes = [256, 1], strides = [1, 1]} : vector<256x16xi32> to vector<256x1xi32>
    %eq3A_1472 = vector.broadcast %slice3A_1471 : vector<256x1xi32> to vector<256x128xi32>
    %eq3A_1473 = arith.cmpi eq, %iota3A_23, %eq3A_1472 : vector<256x128xi32>
    %convert_element_type3A_1474 = arith.extui %eq3A_1473 : vector<256x128xi1> to vector<256x128xi32>
    %convert_element_type3A_1475 = arith.sitofp %convert_element_type3A_1474 : vector<256x128xi32> to vector<256x128xf32>
    %convert_element_type3A_1476 = arith.truncf %convert_element_type3A_1475 : vector<256x128xf32> to vector<256x128xbf16>
    %concatenate3A_1477 = tpu.concatenate %convert_element_type3A_1469, %convert_element_type3A_1470, %convert_element_type3A_1476 in 1 : vector<256x128xbf16>, vector<256x128xbf16>, vector<256x128xbf16> -> vector<256x384xbf16>
    %slice3A_1478 = vector.extract_strided_slice %slice3A_34 {offsets = [0, 8], sizes = [256, 1], strides = [1, 1]} : vector<256x16xi32> to vector<256x1xi32>
    %eq3A_1479 = vector.broadcast %slice3A_1478 : vector<256x1xi32> to vector<256x128xi32>
    %eq3A_1480 = arith.cmpi eq, %iota3A_23, %eq3A_1479 : vector<256x128xi32>
    %convert_element_type3A_1481 = arith.extui %eq3A_1480 : vector<256x128xi1> to vector<256x128xi32>
    %convert_element_type3A_1482 = arith.sitofp %convert_element_type3A_1481 : vector<256x128xi32> to vector<256x128xf32>
    %convert_element_type3A_1483 = arith.truncf %convert_element_type3A_1482 : vector<256x128xf32> to vector<256x128xbf16>
    %convert_element_type3A_1484 = arith.truncf %mul3A_1422 : vector<256x128xf32> to vector<256x128xbf16>
    %slice3A_1485 = vector.extract_strided_slice %slice3A_34 {offsets = [0, 7], sizes = [256, 1], strides = [1, 1]} : vector<256x16xi32> to vector<256x1xi32>
    %eq3A_1486 = vector.broadcast %slice3A_1485 : vector<256x1xi32> to vector<256x128xi32>
    %eq3A_1487 = arith.cmpi eq, %iota3A_23, %eq3A_1486 : vector<256x128xi32>
    %convert_element_type3A_1488 = arith.extui %eq3A_1487 : vector<256x128xi1> to vector<256x128xi32>
    %convert_element_type3A_1489 = arith.sitofp %convert_element_type3A_1488 : vector<256x128xi32> to vector<256x128xf32>
    %convert_element_type3A_1490 = arith.truncf %convert_element_type3A_1489 : vector<256x128xf32> to vector<256x128xbf16>
    %concatenate3A_1491 = tpu.concatenate %convert_element_type3A_1483, %convert_element_type3A_1484, %convert_element_type3A_1490 in 1 : vector<256x128xbf16>, vector<256x128xbf16>, vector<256x128xbf16> -> vector<256x384xbf16>
    %slice3A_1492 = vector.extract_strided_slice %slice3A_39 {offsets = [0, 8], sizes = [256, 1], strides = [1, 1]} : vector<256x16xi32> to vector<256x1xi32>
    %eq3A_1493 = vector.broadcast %slice3A_1492 : vector<256x1xi32> to vector<256x128xi32>
    %eq3A_1494 = arith.cmpi eq, %iota3A_23, %eq3A_1493 : vector<256x128xi32>
    %convert_element_type3A_1495 = arith.extui %eq3A_1494 : vector<256x128xi1> to vector<256x128xi32>
    %convert_element_type3A_1496 = arith.sitofp %convert_element_type3A_1495 : vector<256x128xi32> to vector<256x128xf32>
    %convert_element_type3A_1497 = arith.truncf %convert_element_type3A_1496 : vector<256x128xf32> to vector<256x128xbf16>
    %convert_element_type3A_1498 = arith.truncf %mul3A_1449 : vector<256x128xf32> to vector<256x128xbf16>
    %slice3A_1499 = vector.extract_strided_slice %slice3A_39 {offsets = [0, 7], sizes = [256, 1], strides = [1, 1]} : vector<256x16xi32> to vector<256x1xi32>
    %eq3A_1500 = vector.broadcast %slice3A_1499 : vector<256x1xi32> to vector<256x128xi32>
    %eq3A_1501 = arith.cmpi eq, %iota3A_23, %eq3A_1500 : vector<256x128xi32>
    %convert_element_type3A_1502 = arith.extui %eq3A_1501 : vector<256x128xi1> to vector<256x128xi32>
    %convert_element_type3A_1503 = arith.sitofp %convert_element_type3A_1502 : vector<256x128xi32> to vector<256x128xf32>
    %convert_element_type3A_1504 = arith.truncf %convert_element_type3A_1503 : vector<256x128xf32> to vector<256x128xbf16>
    %concatenate3A_1505 = tpu.concatenate %convert_element_type3A_1497, %convert_element_type3A_1498, %convert_element_type3A_1504 in 1 : vector<256x128xbf16>, vector<256x128xbf16>, vector<256x128xbf16> -> vector<256x384xbf16>
    %dot_general3A_1506 = arith.constant dense<0.000000e+00> : vector<256x512xf32>
    %dot_general3A_1507 = tpu.matmul %concatenate3A_1463, %convert_element_type3A, %dot_general3A_1506 {dimension_numbers = #tpu.dot_dimension_numbers<[1], [0], [0], [1], [0, 0, 1, 1], [], []>, transpose_lhs_hint = false} : vector<256x384xbf16>, vector<384x512xbf16>, vector<256x512xf32> -> vector<256x512xf32>
    %tanh3A_1508 = math.tanh %dot_general3A_1507 : vector<256x512xf32>
    %dot_general3A_1509 = arith.constant dense<0.000000e+00> : vector<256x512xf32>
    %dot_general3A_1510 = tpu.matmul %concatenate3A_1477, %convert_element_type3A, %dot_general3A_1509 {dimension_numbers = #tpu.dot_dimension_numbers<[1], [0], [0], [1], [0, 0, 1, 1], [], []>, transpose_lhs_hint = false} : vector<256x384xbf16>, vector<384x512xbf16>, vector<256x512xf32> -> vector<256x512xf32>
    %tanh3A_1511 = math.tanh %dot_general3A_1510 : vector<256x512xf32>
    %dot_general3A_1512 = arith.constant dense<0.000000e+00> : vector<256x512xf32>
    %dot_general3A_1513 = tpu.matmul %concatenate3A_1491, %convert_element_type3A, %dot_general3A_1512 {dimension_numbers = #tpu.dot_dimension_numbers<[1], [0], [0], [1], [0, 0, 1, 1], [], []>, transpose_lhs_hint = false} : vector<256x384xbf16>, vector<384x512xbf16>, vector<256x512xf32> -> vector<256x512xf32>
    %tanh3A_1514 = math.tanh %dot_general3A_1513 : vector<256x512xf32>
    %dot_general3A_1515 = arith.constant dense<0.000000e+00> : vector<256x512xf32>
    %dot_general3A_1516 = tpu.matmul %concatenate3A_1505, %convert_element_type3A, %dot_general3A_1515 {dimension_numbers = #tpu.dot_dimension_numbers<[1], [0], [0], [1], [0, 0, 1, 1], [], []>, transpose_lhs_hint = false} : vector<256x384xbf16>, vector<384x512xbf16>, vector<256x512xf32> -> vector<256x512xf32>
    %tanh3A_1517 = math.tanh %dot_general3A_1516 : vector<256x512xf32>
    %slice3A_1518 = vector.extract_strided_slice %tanh3A_1508 {offsets = [0, 0], sizes = [256, 128], strides = [1, 1]} : vector<256x512xf32> to vector<256x128xf32>
    %mul3A_1519 = arith.constant 5.000000e-01 : f32
    %mul3A_1520 = vector.broadcast %mul3A_1519 : f32 to vector<256x128xf32>
    %mul3A_1521 = arith.mulf %mul3A_1520, %slice3A_1518 : vector<256x128xf32>
    %add3A_1522 = arith.constant 5.000000e-01 : f32
    %add3A_1523 = vector.broadcast %add3A_1522 : f32 to vector<256x128xf32>
    %add3A_1524 = arith.addf %add3A_1523, %mul3A_1521 : vector<256x128xf32>
    %slice3A_1525 = vector.extract_strided_slice %tanh3A_1508 {offsets = [0, 128], sizes = [256, 128], strides = [1, 1]} : vector<256x512xf32> to vector<256x128xf32>
    %mul3A_1526 = arith.constant 5.000000e-01 : f32
    %mul3A_1527 = vector.broadcast %mul3A_1526 : f32 to vector<256x128xf32>
    %mul3A_1528 = arith.mulf %mul3A_1527, %slice3A_1525 : vector<256x128xf32>
    %add3A_1529 = arith.constant 5.000000e-01 : f32
    %add3A_1530 = vector.broadcast %add3A_1529 : f32 to vector<256x128xf32>
    %add3A_1531 = arith.addf %add3A_1530, %mul3A_1528 : vector<256x128xf32>
    %slice3A_1532 = vector.extract_strided_slice %tanh3A_1508 {offsets = [0, 256], sizes = [256, 128], strides = [1, 1]} : vector<256x512xf32> to vector<256x128xf32>
    %slice3A_1533 = vector.extract_strided_slice %tanh3A_1508 {offsets = [0, 384], sizes = [256, 128], strides = [1, 1]} : vector<256x512xf32> to vector<256x128xf32>
    %mul3A_1534 = arith.constant 5.000000e-01 : f32
    %mul3A_1535 = vector.broadcast %mul3A_1534 : f32 to vector<256x128xf32>
    %mul3A_1536 = arith.mulf %mul3A_1535, %slice3A_1533 : vector<256x128xf32>
    %add3A_1537 = arith.constant 5.000000e-01 : f32
    %add3A_1538 = vector.broadcast %add3A_1537 : f32 to vector<256x128xf32>
    %add3A_1539 = arith.addf %add3A_1538, %mul3A_1536 : vector<256x128xf32>
    %mul3A_1540 = arith.mulf %add3A_1531, %add3A_1366 : vector<256x128xf32>
    %mul3A_1541 = arith.mulf %add3A_1524, %slice3A_1532 : vector<256x128xf32>
    %add3A_1542 = arith.addf %mul3A_1540, %mul3A_1541 : vector<256x128xf32>
    %tanh3A_1543 = math.tanh %add3A_1542 : vector<256x128xf32>
    %mul3A_1544 = arith.mulf %add3A_1539, %tanh3A_1543 : vector<256x128xf32>
    %slice3A_1545 = vector.extract_strided_slice %tanh3A_1511 {offsets = [0, 0], sizes = [256, 128], strides = [1, 1]} : vector<256x512xf32> to vector<256x128xf32>
    %mul3A_1546 = arith.constant 5.000000e-01 : f32
    %mul3A_1547 = vector.broadcast %mul3A_1546 : f32 to vector<256x128xf32>
    %mul3A_1548 = arith.mulf %mul3A_1547, %slice3A_1545 : vector<256x128xf32>
    %add3A_1549 = arith.constant 5.000000e-01 : f32
    %add3A_1550 = vector.broadcast %add3A_1549 : f32 to vector<256x128xf32>
    %add3A_1551 = arith.addf %add3A_1550, %mul3A_1548 : vector<256x128xf32>
    %slice3A_1552 = vector.extract_strided_slice %tanh3A_1511 {offsets = [0, 128], sizes = [256, 128], strides = [1, 1]} : vector<256x512xf32> to vector<256x128xf32>
    %mul3A_1553 = arith.constant 5.000000e-01 : f32
    %mul3A_1554 = vector.broadcast %mul3A_1553 : f32 to vector<256x128xf32>
    %mul3A_1555 = arith.mulf %mul3A_1554, %slice3A_1552 : vector<256x128xf32>
    %add3A_1556 = arith.constant 5.000000e-01 : f32
    %add3A_1557 = vector.broadcast %add3A_1556 : f32 to vector<256x128xf32>
    %add3A_1558 = arith.addf %add3A_1557, %mul3A_1555 : vector<256x128xf32>
    %slice3A_1559 = vector.extract_strided_slice %tanh3A_1511 {offsets = [0, 256], sizes = [256, 128], strides = [1, 1]} : vector<256x512xf32> to vector<256x128xf32>
    %slice3A_1560 = vector.extract_strided_slice %tanh3A_1511 {offsets = [0, 384], sizes = [256, 128], strides = [1, 1]} : vector<256x512xf32> to vector<256x128xf32>
    %mul3A_1561 = arith.constant 5.000000e-01 : f32
    %mul3A_1562 = vector.broadcast %mul3A_1561 : f32 to vector<256x128xf32>
    %mul3A_1563 = arith.mulf %mul3A_1562, %slice3A_1560 : vector<256x128xf32>
    %add3A_1564 = arith.constant 5.000000e-01 : f32
    %add3A_1565 = vector.broadcast %add3A_1564 : f32 to vector<256x128xf32>
    %add3A_1566 = arith.addf %add3A_1565, %mul3A_1563 : vector<256x128xf32>
    %mul3A_1567 = arith.mulf %add3A_1558, %add3A_1393 : vector<256x128xf32>
    %mul3A_1568 = arith.mulf %add3A_1551, %slice3A_1559 : vector<256x128xf32>
    %add3A_1569 = arith.addf %mul3A_1567, %mul3A_1568 : vector<256x128xf32>
    %tanh3A_1570 = math.tanh %add3A_1569 : vector<256x128xf32>
    %mul3A_1571 = arith.mulf %add3A_1566, %tanh3A_1570 : vector<256x128xf32>
    %slice3A_1572 = vector.extract_strided_slice %tanh3A_1514 {offsets = [0, 0], sizes = [256, 128], strides = [1, 1]} : vector<256x512xf32> to vector<256x128xf32>
    %mul3A_1573 = arith.constant 5.000000e-01 : f32
    %mul3A_1574 = vector.broadcast %mul3A_1573 : f32 to vector<256x128xf32>
    %mul3A_1575 = arith.mulf %mul3A_1574, %slice3A_1572 : vector<256x128xf32>
    %add3A_1576 = arith.constant 5.000000e-01 : f32
    %add3A_1577 = vector.broadcast %add3A_1576 : f32 to vector<256x128xf32>
    %add3A_1578 = arith.addf %add3A_1577, %mul3A_1575 : vector<256x128xf32>
    %slice3A_1579 = vector.extract_strided_slice %tanh3A_1514 {offsets = [0, 128], sizes = [256, 128], strides = [1, 1]} : vector<256x512xf32> to vector<256x128xf32>
    %mul3A_1580 = arith.constant 5.000000e-01 : f32
    %mul3A_1581 = vector.broadcast %mul3A_1580 : f32 to vector<256x128xf32>
    %mul3A_1582 = arith.mulf %mul3A_1581, %slice3A_1579 : vector<256x128xf32>
    %add3A_1583 = arith.constant 5.000000e-01 : f32
    %add3A_1584 = vector.broadcast %add3A_1583 : f32 to vector<256x128xf32>
    %add3A_1585 = arith.addf %add3A_1584, %mul3A_1582 : vector<256x128xf32>
    %slice3A_1586 = vector.extract_strided_slice %tanh3A_1514 {offsets = [0, 256], sizes = [256, 128], strides = [1, 1]} : vector<256x512xf32> to vector<256x128xf32>
    %slice3A_1587 = vector.extract_strided_slice %tanh3A_1514 {offsets = [0, 384], sizes = [256, 128], strides = [1, 1]} : vector<256x512xf32> to vector<256x128xf32>
    %mul3A_1588 = arith.constant 5.000000e-01 : f32
    %mul3A_1589 = vector.broadcast %mul3A_1588 : f32 to vector<256x128xf32>
    %mul3A_1590 = arith.mulf %mul3A_1589, %slice3A_1587 : vector<256x128xf32>
    %add3A_1591 = arith.constant 5.000000e-01 : f32
    %add3A_1592 = vector.broadcast %add3A_1591 : f32 to vector<256x128xf32>
    %add3A_1593 = arith.addf %add3A_1592, %mul3A_1590 : vector<256x128xf32>
    %mul3A_1594 = arith.mulf %add3A_1585, %add3A_1420 : vector<256x128xf32>
    %mul3A_1595 = arith.mulf %add3A_1578, %slice3A_1586 : vector<256x128xf32>
    %add3A_1596 = arith.addf %mul3A_1594, %mul3A_1595 : vector<256x128xf32>
    %tanh3A_1597 = math.tanh %add3A_1596 : vector<256x128xf32>
    %mul3A_1598 = arith.mulf %add3A_1593, %tanh3A_1597 : vector<256x128xf32>
    %slice3A_1599 = vector.extract_strided_slice %tanh3A_1517 {offsets = [0, 0], sizes = [256, 128], strides = [1, 1]} : vector<256x512xf32> to vector<256x128xf32>
    %mul3A_1600 = arith.constant 5.000000e-01 : f32
    %mul3A_1601 = vector.broadcast %mul3A_1600 : f32 to vector<256x128xf32>
    %mul3A_1602 = arith.mulf %mul3A_1601, %slice3A_1599 : vector<256x128xf32>
    %add3A_1603 = arith.constant 5.000000e-01 : f32
    %add3A_1604 = vector.broadcast %add3A_1603 : f32 to vector<256x128xf32>
    %add3A_1605 = arith.addf %add3A_1604, %mul3A_1602 : vector<256x128xf32>
    %slice3A_1606 = vector.extract_strided_slice %tanh3A_1517 {offsets = [0, 128], sizes = [256, 128], strides = [1, 1]} : vector<256x512xf32> to vector<256x128xf32>
    %mul3A_1607 = arith.constant 5.000000e-01 : f32
    %mul3A_1608 = vector.broadcast %mul3A_1607 : f32 to vector<256x128xf32>
    %mul3A_1609 = arith.mulf %mul3A_1608, %slice3A_1606 : vector<256x128xf32>
    %add3A_1610 = arith.constant 5.000000e-01 : f32
    %add3A_1611 = vector.broadcast %add3A_1610 : f32 to vector<256x128xf32>
    %add3A_1612 = arith.addf %add3A_1611, %mul3A_1609 : vector<256x128xf32>
    %slice3A_1613 = vector.extract_strided_slice %tanh3A_1517 {offsets = [0, 256], sizes = [256, 128], strides = [1, 1]} : vector<256x512xf32> to vector<256x128xf32>
    %slice3A_1614 = vector.extract_strided_slice %tanh3A_1517 {offsets = [0, 384], sizes = [256, 128], strides = [1, 1]} : vector<256x512xf32> to vector<256x128xf32>
    %mul3A_1615 = arith.constant 5.000000e-01 : f32
    %mul3A_1616 = vector.broadcast %mul3A_1615 : f32 to vector<256x128xf32>
    %mul3A_1617 = arith.mulf %mul3A_1616, %slice3A_1614 : vector<256x128xf32>
    %add3A_1618 = arith.constant 5.000000e-01 : f32
    %add3A_1619 = vector.broadcast %add3A_1618 : f32 to vector<256x128xf32>
    %add3A_1620 = arith.addf %add3A_1619, %mul3A_1617 : vector<256x128xf32>
    %mul3A_1621 = arith.mulf %add3A_1612, %add3A_1447 : vector<256x128xf32>
    %mul3A_1622 = arith.mulf %add3A_1605, %slice3A_1613 : vector<256x128xf32>
    %add3A_1623 = arith.addf %mul3A_1621, %mul3A_1622 : vector<256x128xf32>
    %tanh3A_1624 = math.tanh %add3A_1623 : vector<256x128xf32>
    %mul3A_1625 = arith.mulf %add3A_1620, %tanh3A_1624 : vector<256x128xf32>
    %slice3A_1626 = vector.extract_strided_slice %slice3A_24 {offsets = [0, 9], sizes = [256, 1], strides = [1, 1]} : vector<256x16xi32> to vector<256x1xi32>
    %eq3A_1627 = vector.broadcast %slice3A_1626 : vector<256x1xi32> to vector<256x128xi32>
    %eq3A_1628 = arith.cmpi eq, %iota3A_23, %eq3A_1627 : vector<256x128xi32>
    %convert_element_type3A_1629 = arith.extui %eq3A_1628 : vector<256x128xi1> to vector<256x128xi32>
    %convert_element_type3A_1630 = arith.sitofp %convert_element_type3A_1629 : vector<256x128xi32> to vector<256x128xf32>
    %convert_element_type3A_1631 = arith.truncf %convert_element_type3A_1630 : vector<256x128xf32> to vector<256x128xbf16>
    %convert_element_type3A_1632 = arith.truncf %mul3A_1544 : vector<256x128xf32> to vector<256x128xbf16>
    %slice3A_1633 = vector.extract_strided_slice %slice3A_24 {offsets = [0, 6], sizes = [256, 1], strides = [1, 1]} : vector<256x16xi32> to vector<256x1xi32>
    %eq3A_1634 = vector.broadcast %slice3A_1633 : vector<256x1xi32> to vector<256x128xi32>
    %eq3A_1635 = arith.cmpi eq, %iota3A_23, %eq3A_1634 : vector<256x128xi32>
    %convert_element_type3A_1636 = arith.extui %eq3A_1635 : vector<256x128xi1> to vector<256x128xi32>
    %convert_element_type3A_1637 = arith.sitofp %convert_element_type3A_1636 : vector<256x128xi32> to vector<256x128xf32>
    %convert_element_type3A_1638 = arith.truncf %convert_element_type3A_1637 : vector<256x128xf32> to vector<256x128xbf16>
    %concatenate3A_1639 = tpu.concatenate %convert_element_type3A_1631, %convert_element_type3A_1632, %convert_element_type3A_1638 in 1 : vector<256x128xbf16>, vector<256x128xbf16>, vector<256x128xbf16> -> vector<256x384xbf16>
    %slice3A_1640 = vector.extract_strided_slice %slice3A_29 {offsets = [0, 9], sizes = [256, 1], strides = [1, 1]} : vector<256x16xi32> to vector<256x1xi32>
    %eq3A_1641 = vector.broadcast %slice3A_1640 : vector<256x1xi32> to vector<256x128xi32>
    %eq3A_1642 = arith.cmpi eq, %iota3A_23, %eq3A_1641 : vector<256x128xi32>
    %convert_element_type3A_1643 = arith.extui %eq3A_1642 : vector<256x128xi1> to vector<256x128xi32>
    %convert_element_type3A_1644 = arith.sitofp %convert_element_type3A_1643 : vector<256x128xi32> to vector<256x128xf32>
    %convert_element_type3A_1645 = arith.truncf %convert_element_type3A_1644 : vector<256x128xf32> to vector<256x128xbf16>
    %convert_element_type3A_1646 = arith.truncf %mul3A_1571 : vector<256x128xf32> to vector<256x128xbf16>
    %slice3A_1647 = vector.extract_strided_slice %slice3A_29 {offsets = [0, 6], sizes = [256, 1], strides = [1, 1]} : vector<256x16xi32> to vector<256x1xi32>
    %eq3A_1648 = vector.broadcast %slice3A_1647 : vector<256x1xi32> to vector<256x128xi32>
    %eq3A_1649 = arith.cmpi eq, %iota3A_23, %eq3A_1648 : vector<256x128xi32>
    %convert_element_type3A_1650 = arith.extui %eq3A_1649 : vector<256x128xi1> to vector<256x128xi32>
    %convert_element_type3A_1651 = arith.sitofp %convert_element_type3A_1650 : vector<256x128xi32> to vector<256x128xf32>
    %convert_element_type3A_1652 = arith.truncf %convert_element_type3A_1651 : vector<256x128xf32> to vector<256x128xbf16>
    %concatenate3A_1653 = tpu.concatenate %convert_element_type3A_1645, %convert_element_type3A_1646, %convert_element_type3A_1652 in 1 : vector<256x128xbf16>, vector<256x128xbf16>, vector<256x128xbf16> -> vector<256x384xbf16>
    %slice3A_1654 = vector.extract_strided_slice %slice3A_34 {offsets = [0, 9], sizes = [256, 1], strides = [1, 1]} : vector<256x16xi32> to vector<256x1xi32>
    %eq3A_1655 = vector.broadcast %slice3A_1654 : vector<256x1xi32> to vector<256x128xi32>
    %eq3A_1656 = arith.cmpi eq, %iota3A_23, %eq3A_1655 : vector<256x128xi32>
    %convert_element_type3A_1657 = arith.extui %eq3A_1656 : vector<256x128xi1> to vector<256x128xi32>
    %convert_element_type3A_1658 = arith.sitofp %convert_element_type3A_1657 : vector<256x128xi32> to vector<256x128xf32>
    %convert_element_type3A_1659 = arith.truncf %convert_element_type3A_1658 : vector<256x128xf32> to vector<256x128xbf16>
    %convert_element_type3A_1660 = arith.truncf %mul3A_1598 : vector<256x128xf32> to vector<256x128xbf16>
    %slice3A_1661 = vector.extract_strided_slice %slice3A_34 {offsets = [0, 6], sizes = [256, 1], strides = [1, 1]} : vector<256x16xi32> to vector<256x1xi32>
    %eq3A_1662 = vector.broadcast %slice3A_1661 : vector<256x1xi32> to vector<256x128xi32>
    %eq3A_1663 = arith.cmpi eq, %iota3A_23, %eq3A_1662 : vector<256x128xi32>
    %convert_element_type3A_1664 = arith.extui %eq3A_1663 : vector<256x128xi1> to vector<256x128xi32>
    %convert_element_type3A_1665 = arith.sitofp %convert_element_type3A_1664 : vector<256x128xi32> to vector<256x128xf32>
    %convert_element_type3A_1666 = arith.truncf %convert_element_type3A_1665 : vector<256x128xf32> to vector<256x128xbf16>
    %concatenate3A_1667 = tpu.concatenate %convert_element_type3A_1659, %convert_element_type3A_1660, %convert_element_type3A_1666 in 1 : vector<256x128xbf16>, vector<256x128xbf16>, vector<256x128xbf16> -> vector<256x384xbf16>
    %slice3A_1668 = vector.extract_strided_slice %slice3A_39 {offsets = [0, 9], sizes = [256, 1], strides = [1, 1]} : vector<256x16xi32> to vector<256x1xi32>
    %eq3A_1669 = vector.broadcast %slice3A_1668 : vector<256x1xi32> to vector<256x128xi32>
    %eq3A_1670 = arith.cmpi eq, %iota3A_23, %eq3A_1669 : vector<256x128xi32>
    %convert_element_type3A_1671 = arith.extui %eq3A_1670 : vector<256x128xi1> to vector<256x128xi32>
    %convert_element_type3A_1672 = arith.sitofp %convert_element_type3A_1671 : vector<256x128xi32> to vector<256x128xf32>
    %convert_element_type3A_1673 = arith.truncf %convert_element_type3A_1672 : vector<256x128xf32> to vector<256x128xbf16>
    %convert_element_type3A_1674 = arith.truncf %mul3A_1625 : vector<256x128xf32> to vector<256x128xbf16>
    %slice3A_1675 = vector.extract_strided_slice %slice3A_39 {offsets = [0, 6], sizes = [256, 1], strides = [1, 1]} : vector<256x16xi32> to vector<256x1xi32>
    %eq3A_1676 = vector.broadcast %slice3A_1675 : vector<256x1xi32> to vector<256x128xi32>
    %eq3A_1677 = arith.cmpi eq, %iota3A_23, %eq3A_1676 : vector<256x128xi32>
    %convert_element_type3A_1678 = arith.extui %eq3A_1677 : vector<256x128xi1> to vector<256x128xi32>
    %convert_element_type3A_1679 = arith.sitofp %convert_element_type3A_1678 : vector<256x128xi32> to vector<256x128xf32>
    %convert_element_type3A_1680 = arith.truncf %convert_element_type3A_1679 : vector<256x128xf32> to vector<256x128xbf16>
    %concatenate3A_1681 = tpu.concatenate %convert_element_type3A_1673, %convert_element_type3A_1674, %convert_element_type3A_1680 in 1 : vector<256x128xbf16>, vector<256x128xbf16>, vector<256x128xbf16> -> vector<256x384xbf16>
    %dot_general3A_1682 = arith.constant dense<0.000000e+00> : vector<256x512xf32>
    %dot_general3A_1683 = tpu.matmul %concatenate3A_1639, %convert_element_type3A, %dot_general3A_1682 {dimension_numbers = #tpu.dot_dimension_numbers<[1], [0], [0], [1], [0, 0, 1, 1], [], []>, transpose_lhs_hint = false} : vector<256x384xbf16>, vector<384x512xbf16>, vector<256x512xf32> -> vector<256x512xf32>
    %tanh3A_1684 = math.tanh %dot_general3A_1683 : vector<256x512xf32>
    %dot_general3A_1685 = arith.constant dense<0.000000e+00> : vector<256x512xf32>
    %dot_general3A_1686 = tpu.matmul %concatenate3A_1653, %convert_element_type3A, %dot_general3A_1685 {dimension_numbers = #tpu.dot_dimension_numbers<[1], [0], [0], [1], [0, 0, 1, 1], [], []>, transpose_lhs_hint = false} : vector<256x384xbf16>, vector<384x512xbf16>, vector<256x512xf32> -> vector<256x512xf32>
    %tanh3A_1687 = math.tanh %dot_general3A_1686 : vector<256x512xf32>
    %dot_general3A_1688 = arith.constant dense<0.000000e+00> : vector<256x512xf32>
    %dot_general3A_1689 = tpu.matmul %concatenate3A_1667, %convert_element_type3A, %dot_general3A_1688 {dimension_numbers = #tpu.dot_dimension_numbers<[1], [0], [0], [1], [0, 0, 1, 1], [], []>, transpose_lhs_hint = false} : vector<256x384xbf16>, vector<384x512xbf16>, vector<256x512xf32> -> vector<256x512xf32>
    %tanh3A_1690 = math.tanh %dot_general3A_1689 : vector<256x512xf32>
    %dot_general3A_1691 = arith.constant dense<0.000000e+00> : vector<256x512xf32>
    %dot_general3A_1692 = tpu.matmul %concatenate3A_1681, %convert_element_type3A, %dot_general3A_1691 {dimension_numbers = #tpu.dot_dimension_numbers<[1], [0], [0], [1], [0, 0, 1, 1], [], []>, transpose_lhs_hint = false} : vector<256x384xbf16>, vector<384x512xbf16>, vector<256x512xf32> -> vector<256x512xf32>
    %tanh3A_1693 = math.tanh %dot_general3A_1692 : vector<256x512xf32>
    %slice3A_1694 = vector.extract_strided_slice %tanh3A_1684 {offsets = [0, 0], sizes = [256, 128], strides = [1, 1]} : vector<256x512xf32> to vector<256x128xf32>
    %mul3A_1695 = arith.constant 5.000000e-01 : f32
    %mul3A_1696 = vector.broadcast %mul3A_1695 : f32 to vector<256x128xf32>
    %mul3A_1697 = arith.mulf %mul3A_1696, %slice3A_1694 : vector<256x128xf32>
    %add3A_1698 = arith.constant 5.000000e-01 : f32
    %add3A_1699 = vector.broadcast %add3A_1698 : f32 to vector<256x128xf32>
    %add3A_1700 = arith.addf %add3A_1699, %mul3A_1697 : vector<256x128xf32>
    %slice3A_1701 = vector.extract_strided_slice %tanh3A_1684 {offsets = [0, 128], sizes = [256, 128], strides = [1, 1]} : vector<256x512xf32> to vector<256x128xf32>
    %mul3A_1702 = arith.constant 5.000000e-01 : f32
    %mul3A_1703 = vector.broadcast %mul3A_1702 : f32 to vector<256x128xf32>
    %mul3A_1704 = arith.mulf %mul3A_1703, %slice3A_1701 : vector<256x128xf32>
    %add3A_1705 = arith.constant 5.000000e-01 : f32
    %add3A_1706 = vector.broadcast %add3A_1705 : f32 to vector<256x128xf32>
    %add3A_1707 = arith.addf %add3A_1706, %mul3A_1704 : vector<256x128xf32>
    %slice3A_1708 = vector.extract_strided_slice %tanh3A_1684 {offsets = [0, 256], sizes = [256, 128], strides = [1, 1]} : vector<256x512xf32> to vector<256x128xf32>
    %slice3A_1709 = vector.extract_strided_slice %tanh3A_1684 {offsets = [0, 384], sizes = [256, 128], strides = [1, 1]} : vector<256x512xf32> to vector<256x128xf32>
    %mul3A_1710 = arith.constant 5.000000e-01 : f32
    %mul3A_1711 = vector.broadcast %mul3A_1710 : f32 to vector<256x128xf32>
    %mul3A_1712 = arith.mulf %mul3A_1711, %slice3A_1709 : vector<256x128xf32>
    %add3A_1713 = arith.constant 5.000000e-01 : f32
    %add3A_1714 = vector.broadcast %add3A_1713 : f32 to vector<256x128xf32>
    %add3A_1715 = arith.addf %add3A_1714, %mul3A_1712 : vector<256x128xf32>
    %mul3A_1716 = arith.mulf %add3A_1707, %add3A_1542 : vector<256x128xf32>
    %mul3A_1717 = arith.mulf %add3A_1700, %slice3A_1708 : vector<256x128xf32>
    %add3A_1718 = arith.addf %mul3A_1716, %mul3A_1717 : vector<256x128xf32>
    %tanh3A_1719 = math.tanh %add3A_1718 : vector<256x128xf32>
    %mul3A_1720 = arith.mulf %add3A_1715, %tanh3A_1719 : vector<256x128xf32>
    %slice3A_1721 = vector.extract_strided_slice %tanh3A_1687 {offsets = [0, 0], sizes = [256, 128], strides = [1, 1]} : vector<256x512xf32> to vector<256x128xf32>
    %mul3A_1722 = arith.constant 5.000000e-01 : f32
    %mul3A_1723 = vector.broadcast %mul3A_1722 : f32 to vector<256x128xf32>
    %mul3A_1724 = arith.mulf %mul3A_1723, %slice3A_1721 : vector<256x128xf32>
    %add3A_1725 = arith.constant 5.000000e-01 : f32
    %add3A_1726 = vector.broadcast %add3A_1725 : f32 to vector<256x128xf32>
    %add3A_1727 = arith.addf %add3A_1726, %mul3A_1724 : vector<256x128xf32>
    %slice3A_1728 = vector.extract_strided_slice %tanh3A_1687 {offsets = [0, 128], sizes = [256, 128], strides = [1, 1]} : vector<256x512xf32> to vector<256x128xf32>
    %mul3A_1729 = arith.constant 5.000000e-01 : f32
    %mul3A_1730 = vector.broadcast %mul3A_1729 : f32 to vector<256x128xf32>
    %mul3A_1731 = arith.mulf %mul3A_1730, %slice3A_1728 : vector<256x128xf32>
    %add3A_1732 = arith.constant 5.000000e-01 : f32
    %add3A_1733 = vector.broadcast %add3A_1732 : f32 to vector<256x128xf32>
    %add3A_1734 = arith.addf %add3A_1733, %mul3A_1731 : vector<256x128xf32>
    %slice3A_1735 = vector.extract_strided_slice %tanh3A_1687 {offsets = [0, 256], sizes = [256, 128], strides = [1, 1]} : vector<256x512xf32> to vector<256x128xf32>
    %slice3A_1736 = vector.extract_strided_slice %tanh3A_1687 {offsets = [0, 384], sizes = [256, 128], strides = [1, 1]} : vector<256x512xf32> to vector<256x128xf32>
    %mul3A_1737 = arith.constant 5.000000e-01 : f32
    %mul3A_1738 = vector.broadcast %mul3A_1737 : f32 to vector<256x128xf32>
    %mul3A_1739 = arith.mulf %mul3A_1738, %slice3A_1736 : vector<256x128xf32>
    %add3A_1740 = arith.constant 5.000000e-01 : f32
    %add3A_1741 = vector.broadcast %add3A_1740 : f32 to vector<256x128xf32>
    %add3A_1742 = arith.addf %add3A_1741, %mul3A_1739 : vector<256x128xf32>
    %mul3A_1743 = arith.mulf %add3A_1734, %add3A_1569 : vector<256x128xf32>
    %mul3A_1744 = arith.mulf %add3A_1727, %slice3A_1735 : vector<256x128xf32>
    %add3A_1745 = arith.addf %mul3A_1743, %mul3A_1744 : vector<256x128xf32>
    %tanh3A_1746 = math.tanh %add3A_1745 : vector<256x128xf32>
    %mul3A_1747 = arith.mulf %add3A_1742, %tanh3A_1746 : vector<256x128xf32>
    %slice3A_1748 = vector.extract_strided_slice %tanh3A_1690 {offsets = [0, 0], sizes = [256, 128], strides = [1, 1]} : vector<256x512xf32> to vector<256x128xf32>
    %mul3A_1749 = arith.constant 5.000000e-01 : f32
    %mul3A_1750 = vector.broadcast %mul3A_1749 : f32 to vector<256x128xf32>
    %mul3A_1751 = arith.mulf %mul3A_1750, %slice3A_1748 : vector<256x128xf32>
    %add3A_1752 = arith.constant 5.000000e-01 : f32
    %add3A_1753 = vector.broadcast %add3A_1752 : f32 to vector<256x128xf32>
    %add3A_1754 = arith.addf %add3A_1753, %mul3A_1751 : vector<256x128xf32>
    %slice3A_1755 = vector.extract_strided_slice %tanh3A_1690 {offsets = [0, 128], sizes = [256, 128], strides = [1, 1]} : vector<256x512xf32> to vector<256x128xf32>
    %mul3A_1756 = arith.constant 5.000000e-01 : f32
    %mul3A_1757 = vector.broadcast %mul3A_1756 : f32 to vector<256x128xf32>
    %mul3A_1758 = arith.mulf %mul3A_1757, %slice3A_1755 : vector<256x128xf32>
    %add3A_1759 = arith.constant 5.000000e-01 : f32
    %add3A_1760 = vector.broadcast %add3A_1759 : f32 to vector<256x128xf32>
    %add3A_1761 = arith.addf %add3A_1760, %mul3A_1758 : vector<256x128xf32>
    %slice3A_1762 = vector.extract_strided_slice %tanh3A_1690 {offsets = [0, 256], sizes = [256, 128], strides = [1, 1]} : vector<256x512xf32> to vector<256x128xf32>
    %slice3A_1763 = vector.extract_strided_slice %tanh3A_1690 {offsets = [0, 384], sizes = [256, 128], strides = [1, 1]} : vector<256x512xf32> to vector<256x128xf32>
    %mul3A_1764 = arith.constant 5.000000e-01 : f32
    %mul3A_1765 = vector.broadcast %mul3A_1764 : f32 to vector<256x128xf32>
    %mul3A_1766 = arith.mulf %mul3A_1765, %slice3A_1763 : vector<256x128xf32>
    %add3A_1767 = arith.constant 5.000000e-01 : f32
    %add3A_1768 = vector.broadcast %add3A_1767 : f32 to vector<256x128xf32>
    %add3A_1769 = arith.addf %add3A_1768, %mul3A_1766 : vector<256x128xf32>
    %mul3A_1770 = arith.mulf %add3A_1761, %add3A_1596 : vector<256x128xf32>
    %mul3A_1771 = arith.mulf %add3A_1754, %slice3A_1762 : vector<256x128xf32>
    %add3A_1772 = arith.addf %mul3A_1770, %mul3A_1771 : vector<256x128xf32>
    %tanh3A_1773 = math.tanh %add3A_1772 : vector<256x128xf32>
    %mul3A_1774 = arith.mulf %add3A_1769, %tanh3A_1773 : vector<256x128xf32>
    %slice3A_1775 = vector.extract_strided_slice %tanh3A_1693 {offsets = [0, 0], sizes = [256, 128], strides = [1, 1]} : vector<256x512xf32> to vector<256x128xf32>
    %mul3A_1776 = arith.constant 5.000000e-01 : f32
    %mul3A_1777 = vector.broadcast %mul3A_1776 : f32 to vector<256x128xf32>
    %mul3A_1778 = arith.mulf %mul3A_1777, %slice3A_1775 : vector<256x128xf32>
    %add3A_1779 = arith.constant 5.000000e-01 : f32
    %add3A_1780 = vector.broadcast %add3A_1779 : f32 to vector<256x128xf32>
    %add3A_1781 = arith.addf %add3A_1780, %mul3A_1778 : vector<256x128xf32>
    %slice3A_1782 = vector.extract_strided_slice %tanh3A_1693 {offsets = [0, 128], sizes = [256, 128], strides = [1, 1]} : vector<256x512xf32> to vector<256x128xf32>
    %mul3A_1783 = arith.constant 5.000000e-01 : f32
    %mul3A_1784 = vector.broadcast %mul3A_1783 : f32 to vector<256x128xf32>
    %mul3A_1785 = arith.mulf %mul3A_1784, %slice3A_1782 : vector<256x128xf32>
    %add3A_1786 = arith.constant 5.000000e-01 : f32
    %add3A_1787 = vector.broadcast %add3A_1786 : f32 to vector<256x128xf32>
    %add3A_1788 = arith.addf %add3A_1787, %mul3A_1785 : vector<256x128xf32>
    %slice3A_1789 = vector.extract_strided_slice %tanh3A_1693 {offsets = [0, 256], sizes = [256, 128], strides = [1, 1]} : vector<256x512xf32> to vector<256x128xf32>
    %slice3A_1790 = vector.extract_strided_slice %tanh3A_1693 {offsets = [0, 384], sizes = [256, 128], strides = [1, 1]} : vector<256x512xf32> to vector<256x128xf32>
    %mul3A_1791 = arith.constant 5.000000e-01 : f32
    %mul3A_1792 = vector.broadcast %mul3A_1791 : f32 to vector<256x128xf32>
    %mul3A_1793 = arith.mulf %mul3A_1792, %slice3A_1790 : vector<256x128xf32>
    %add3A_1794 = arith.constant 5.000000e-01 : f32
    %add3A_1795 = vector.broadcast %add3A_1794 : f32 to vector<256x128xf32>
    %add3A_1796 = arith.addf %add3A_1795, %mul3A_1793 : vector<256x128xf32>
    %mul3A_1797 = arith.mulf %add3A_1788, %add3A_1623 : vector<256x128xf32>
    %mul3A_1798 = arith.mulf %add3A_1781, %slice3A_1789 : vector<256x128xf32>
    %add3A_1799 = arith.addf %mul3A_1797, %mul3A_1798 : vector<256x128xf32>
    %tanh3A_1800 = math.tanh %add3A_1799 : vector<256x128xf32>
    %mul3A_1801 = arith.mulf %add3A_1796, %tanh3A_1800 : vector<256x128xf32>
    %slice3A_1802 = vector.extract_strided_slice %slice3A_24 {offsets = [0, 10], sizes = [256, 1], strides = [1, 1]} : vector<256x16xi32> to vector<256x1xi32>
    %eq3A_1803 = vector.broadcast %slice3A_1802 : vector<256x1xi32> to vector<256x128xi32>
    %eq3A_1804 = arith.cmpi eq, %iota3A_23, %eq3A_1803 : vector<256x128xi32>
    %convert_element_type3A_1805 = arith.extui %eq3A_1804 : vector<256x128xi1> to vector<256x128xi32>
    %convert_element_type3A_1806 = arith.sitofp %convert_element_type3A_1805 : vector<256x128xi32> to vector<256x128xf32>
    %convert_element_type3A_1807 = arith.truncf %convert_element_type3A_1806 : vector<256x128xf32> to vector<256x128xbf16>
    %convert_element_type3A_1808 = arith.truncf %mul3A_1720 : vector<256x128xf32> to vector<256x128xbf16>
    %slice3A_1809 = vector.extract_strided_slice %slice3A_24 {offsets = [0, 5], sizes = [256, 1], strides = [1, 1]} : vector<256x16xi32> to vector<256x1xi32>
    %eq3A_1810 = vector.broadcast %slice3A_1809 : vector<256x1xi32> to vector<256x128xi32>
    %eq3A_1811 = arith.cmpi eq, %iota3A_23, %eq3A_1810 : vector<256x128xi32>
    %convert_element_type3A_1812 = arith.extui %eq3A_1811 : vector<256x128xi1> to vector<256x128xi32>
    %convert_element_type3A_1813 = arith.sitofp %convert_element_type3A_1812 : vector<256x128xi32> to vector<256x128xf32>
    %convert_element_type3A_1814 = arith.truncf %convert_element_type3A_1813 : vector<256x128xf32> to vector<256x128xbf16>
    %concatenate3A_1815 = tpu.concatenate %convert_element_type3A_1807, %convert_element_type3A_1808, %convert_element_type3A_1814 in 1 : vector<256x128xbf16>, vector<256x128xbf16>, vector<256x128xbf16> -> vector<256x384xbf16>
    %slice3A_1816 = vector.extract_strided_slice %slice3A_29 {offsets = [0, 10], sizes = [256, 1], strides = [1, 1]} : vector<256x16xi32> to vector<256x1xi32>
    %eq3A_1817 = vector.broadcast %slice3A_1816 : vector<256x1xi32> to vector<256x128xi32>
    %eq3A_1818 = arith.cmpi eq, %iota3A_23, %eq3A_1817 : vector<256x128xi32>
    %convert_element_type3A_1819 = arith.extui %eq3A_1818 : vector<256x128xi1> to vector<256x128xi32>
    %convert_element_type3A_1820 = arith.sitofp %convert_element_type3A_1819 : vector<256x128xi32> to vector<256x128xf32>
    %convert_element_type3A_1821 = arith.truncf %convert_element_type3A_1820 : vector<256x128xf32> to vector<256x128xbf16>
    %convert_element_type3A_1822 = arith.truncf %mul3A_1747 : vector<256x128xf32> to vector<256x128xbf16>
    %slice3A_1823 = vector.extract_strided_slice %slice3A_29 {offsets = [0, 5], sizes = [256, 1], strides = [1, 1]} : vector<256x16xi32> to vector<256x1xi32>
    %eq3A_1824 = vector.broadcast %slice3A_1823 : vector<256x1xi32> to vector<256x128xi32>
    %eq3A_1825 = arith.cmpi eq, %iota3A_23, %eq3A_1824 : vector<256x128xi32>
    %convert_element_type3A_1826 = arith.extui %eq3A_1825 : vector<256x128xi1> to vector<256x128xi32>
    %convert_element_type3A_1827 = arith.sitofp %convert_element_type3A_1826 : vector<256x128xi32> to vector<256x128xf32>
    %convert_element_type3A_1828 = arith.truncf %convert_element_type3A_1827 : vector<256x128xf32> to vector<256x128xbf16>
    %concatenate3A_1829 = tpu.concatenate %convert_element_type3A_1821, %convert_element_type3A_1822, %convert_element_type3A_1828 in 1 : vector<256x128xbf16>, vector<256x128xbf16>, vector<256x128xbf16> -> vector<256x384xbf16>
    %slice3A_1830 = vector.extract_strided_slice %slice3A_34 {offsets = [0, 10], sizes = [256, 1], strides = [1, 1]} : vector<256x16xi32> to vector<256x1xi32>
    %eq3A_1831 = vector.broadcast %slice3A_1830 : vector<256x1xi32> to vector<256x128xi32>
    %eq3A_1832 = arith.cmpi eq, %iota3A_23, %eq3A_1831 : vector<256x128xi32>
    %convert_element_type3A_1833 = arith.extui %eq3A_1832 : vector<256x128xi1> to vector<256x128xi32>
    %convert_element_type3A_1834 = arith.sitofp %convert_element_type3A_1833 : vector<256x128xi32> to vector<256x128xf32>
    %convert_element_type3A_1835 = arith.truncf %convert_element_type3A_1834 : vector<256x128xf32> to vector<256x128xbf16>
    %convert_element_type3A_1836 = arith.truncf %mul3A_1774 : vector<256x128xf32> to vector<256x128xbf16>
    %slice3A_1837 = vector.extract_strided_slice %slice3A_34 {offsets = [0, 5], sizes = [256, 1], strides = [1, 1]} : vector<256x16xi32> to vector<256x1xi32>
    %eq3A_1838 = vector.broadcast %slice3A_1837 : vector<256x1xi32> to vector<256x128xi32>
    %eq3A_1839 = arith.cmpi eq, %iota3A_23, %eq3A_1838 : vector<256x128xi32>
    %convert_element_type3A_1840 = arith.extui %eq3A_1839 : vector<256x128xi1> to vector<256x128xi32>
    %convert_element_type3A_1841 = arith.sitofp %convert_element_type3A_1840 : vector<256x128xi32> to vector<256x128xf32>
    %convert_element_type3A_1842 = arith.truncf %convert_element_type3A_1841 : vector<256x128xf32> to vector<256x128xbf16>
    %concatenate3A_1843 = tpu.concatenate %convert_element_type3A_1835, %convert_element_type3A_1836, %convert_element_type3A_1842 in 1 : vector<256x128xbf16>, vector<256x128xbf16>, vector<256x128xbf16> -> vector<256x384xbf16>
    %slice3A_1844 = vector.extract_strided_slice %slice3A_39 {offsets = [0, 10], sizes = [256, 1], strides = [1, 1]} : vector<256x16xi32> to vector<256x1xi32>
    %eq3A_1845 = vector.broadcast %slice3A_1844 : vector<256x1xi32> to vector<256x128xi32>
    %eq3A_1846 = arith.cmpi eq, %iota3A_23, %eq3A_1845 : vector<256x128xi32>
    %convert_element_type3A_1847 = arith.extui %eq3A_1846 : vector<256x128xi1> to vector<256x128xi32>
    %convert_element_type3A_1848 = arith.sitofp %convert_element_type3A_1847 : vector<256x128xi32> to vector<256x128xf32>
    %convert_element_type3A_1849 = arith.truncf %convert_element_type3A_1848 : vector<256x128xf32> to vector<256x128xbf16>
    %convert_element_type3A_1850 = arith.truncf %mul3A_1801 : vector<256x128xf32> to vector<256x128xbf16>
    %slice3A_1851 = vector.extract_strided_slice %slice3A_39 {offsets = [0, 5], sizes = [256, 1], strides = [1, 1]} : vector<256x16xi32> to vector<256x1xi32>
    %eq3A_1852 = vector.broadcast %slice3A_1851 : vector<256x1xi32> to vector<256x128xi32>
    %eq3A_1853 = arith.cmpi eq, %iota3A_23, %eq3A_1852 : vector<256x128xi32>
    %convert_element_type3A_1854 = arith.extui %eq3A_1853 : vector<256x128xi1> to vector<256x128xi32>
    %convert_element_type3A_1855 = arith.sitofp %convert_element_type3A_1854 : vector<256x128xi32> to vector<256x128xf32>
    %convert_element_type3A_1856 = arith.truncf %convert_element_type3A_1855 : vector<256x128xf32> to vector<256x128xbf16>
    %concatenate3A_1857 = tpu.concatenate %convert_element_type3A_1849, %convert_element_type3A_1850, %convert_element_type3A_1856 in 1 : vector<256x128xbf16>, vector<256x128xbf16>, vector<256x128xbf16> -> vector<256x384xbf16>
    %dot_general3A_1858 = arith.constant dense<0.000000e+00> : vector<256x512xf32>
    %dot_general3A_1859 = tpu.matmul %concatenate3A_1815, %convert_element_type3A, %dot_general3A_1858 {dimension_numbers = #tpu.dot_dimension_numbers<[1], [0], [0], [1], [0, 0, 1, 1], [], []>, transpose_lhs_hint = false} : vector<256x384xbf16>, vector<384x512xbf16>, vector<256x512xf32> -> vector<256x512xf32>
    %tanh3A_1860 = math.tanh %dot_general3A_1859 : vector<256x512xf32>
    %dot_general3A_1861 = arith.constant dense<0.000000e+00> : vector<256x512xf32>
    %dot_general3A_1862 = tpu.matmul %concatenate3A_1829, %convert_element_type3A, %dot_general3A_1861 {dimension_numbers = #tpu.dot_dimension_numbers<[1], [0], [0], [1], [0, 0, 1, 1], [], []>, transpose_lhs_hint = false} : vector<256x384xbf16>, vector<384x512xbf16>, vector<256x512xf32> -> vector<256x512xf32>
    %tanh3A_1863 = math.tanh %dot_general3A_1862 : vector<256x512xf32>
    %dot_general3A_1864 = arith.constant dense<0.000000e+00> : vector<256x512xf32>
    %dot_general3A_1865 = tpu.matmul %concatenate3A_1843, %convert_element_type3A, %dot_general3A_1864 {dimension_numbers = #tpu.dot_dimension_numbers<[1], [0], [0], [1], [0, 0, 1, 1], [], []>, transpose_lhs_hint = false} : vector<256x384xbf16>, vector<384x512xbf16>, vector<256x512xf32> -> vector<256x512xf32>
    %tanh3A_1866 = math.tanh %dot_general3A_1865 : vector<256x512xf32>
    %dot_general3A_1867 = arith.constant dense<0.000000e+00> : vector<256x512xf32>
    %dot_general3A_1868 = tpu.matmul %concatenate3A_1857, %convert_element_type3A, %dot_general3A_1867 {dimension_numbers = #tpu.dot_dimension_numbers<[1], [0], [0], [1], [0, 0, 1, 1], [], []>, transpose_lhs_hint = false} : vector<256x384xbf16>, vector<384x512xbf16>, vector<256x512xf32> -> vector<256x512xf32>
    %tanh3A_1869 = math.tanh %dot_general3A_1868 : vector<256x512xf32>
    %slice3A_1870 = vector.extract_strided_slice %tanh3A_1860 {offsets = [0, 0], sizes = [256, 128], strides = [1, 1]} : vector<256x512xf32> to vector<256x128xf32>
    %mul3A_1871 = arith.constant 5.000000e-01 : f32
    %mul3A_1872 = vector.broadcast %mul3A_1871 : f32 to vector<256x128xf32>
    %mul3A_1873 = arith.mulf %mul3A_1872, %slice3A_1870 : vector<256x128xf32>
    %add3A_1874 = arith.constant 5.000000e-01 : f32
    %add3A_1875 = vector.broadcast %add3A_1874 : f32 to vector<256x128xf32>
    %add3A_1876 = arith.addf %add3A_1875, %mul3A_1873 : vector<256x128xf32>
    %slice3A_1877 = vector.extract_strided_slice %tanh3A_1860 {offsets = [0, 128], sizes = [256, 128], strides = [1, 1]} : vector<256x512xf32> to vector<256x128xf32>
    %mul3A_1878 = arith.constant 5.000000e-01 : f32
    %mul3A_1879 = vector.broadcast %mul3A_1878 : f32 to vector<256x128xf32>
    %mul3A_1880 = arith.mulf %mul3A_1879, %slice3A_1877 : vector<256x128xf32>
    %add3A_1881 = arith.constant 5.000000e-01 : f32
    %add3A_1882 = vector.broadcast %add3A_1881 : f32 to vector<256x128xf32>
    %add3A_1883 = arith.addf %add3A_1882, %mul3A_1880 : vector<256x128xf32>
    %slice3A_1884 = vector.extract_strided_slice %tanh3A_1860 {offsets = [0, 256], sizes = [256, 128], strides = [1, 1]} : vector<256x512xf32> to vector<256x128xf32>
    %slice3A_1885 = vector.extract_strided_slice %tanh3A_1860 {offsets = [0, 384], sizes = [256, 128], strides = [1, 1]} : vector<256x512xf32> to vector<256x128xf32>
    %mul3A_1886 = arith.constant 5.000000e-01 : f32
    %mul3A_1887 = vector.broadcast %mul3A_1886 : f32 to vector<256x128xf32>
    %mul3A_1888 = arith.mulf %mul3A_1887, %slice3A_1885 : vector<256x128xf32>
    %add3A_1889 = arith.constant 5.000000e-01 : f32
    %add3A_1890 = vector.broadcast %add3A_1889 : f32 to vector<256x128xf32>
    %add3A_1891 = arith.addf %add3A_1890, %mul3A_1888 : vector<256x128xf32>
    %mul3A_1892 = arith.mulf %add3A_1883, %add3A_1718 : vector<256x128xf32>
    %mul3A_1893 = arith.mulf %add3A_1876, %slice3A_1884 : vector<256x128xf32>
    %add3A_1894 = arith.addf %mul3A_1892, %mul3A_1893 : vector<256x128xf32>
    %tanh3A_1895 = math.tanh %add3A_1894 : vector<256x128xf32>
    %mul3A_1896 = arith.mulf %add3A_1891, %tanh3A_1895 : vector<256x128xf32>
    %slice3A_1897 = vector.extract_strided_slice %tanh3A_1863 {offsets = [0, 0], sizes = [256, 128], strides = [1, 1]} : vector<256x512xf32> to vector<256x128xf32>
    %mul3A_1898 = arith.constant 5.000000e-01 : f32
    %mul3A_1899 = vector.broadcast %mul3A_1898 : f32 to vector<256x128xf32>
    %mul3A_1900 = arith.mulf %mul3A_1899, %slice3A_1897 : vector<256x128xf32>
    %add3A_1901 = arith.constant 5.000000e-01 : f32
    %add3A_1902 = vector.broadcast %add3A_1901 : f32 to vector<256x128xf32>
    %add3A_1903 = arith.addf %add3A_1902, %mul3A_1900 : vector<256x128xf32>
    %slice3A_1904 = vector.extract_strided_slice %tanh3A_1863 {offsets = [0, 128], sizes = [256, 128], strides = [1, 1]} : vector<256x512xf32> to vector<256x128xf32>
    %mul3A_1905 = arith.constant 5.000000e-01 : f32
    %mul3A_1906 = vector.broadcast %mul3A_1905 : f32 to vector<256x128xf32>
    %mul3A_1907 = arith.mulf %mul3A_1906, %slice3A_1904 : vector<256x128xf32>
    %add3A_1908 = arith.constant 5.000000e-01 : f32
    %add3A_1909 = vector.broadcast %add3A_1908 : f32 to vector<256x128xf32>
    %add3A_1910 = arith.addf %add3A_1909, %mul3A_1907 : vector<256x128xf32>
    %slice3A_1911 = vector.extract_strided_slice %tanh3A_1863 {offsets = [0, 256], sizes = [256, 128], strides = [1, 1]} : vector<256x512xf32> to vector<256x128xf32>
    %slice3A_1912 = vector.extract_strided_slice %tanh3A_1863 {offsets = [0, 384], sizes = [256, 128], strides = [1, 1]} : vector<256x512xf32> to vector<256x128xf32>
    %mul3A_1913 = arith.constant 5.000000e-01 : f32
    %mul3A_1914 = vector.broadcast %mul3A_1913 : f32 to vector<256x128xf32>
    %mul3A_1915 = arith.mulf %mul3A_1914, %slice3A_1912 : vector<256x128xf32>
    %add3A_1916 = arith.constant 5.000000e-01 : f32
    %add3A_1917 = vector.broadcast %add3A_1916 : f32 to vector<256x128xf32>
    %add3A_1918 = arith.addf %add3A_1917, %mul3A_1915 : vector<256x128xf32>
    %mul3A_1919 = arith.mulf %add3A_1910, %add3A_1745 : vector<256x128xf32>
    %mul3A_1920 = arith.mulf %add3A_1903, %slice3A_1911 : vector<256x128xf32>
    %add3A_1921 = arith.addf %mul3A_1919, %mul3A_1920 : vector<256x128xf32>
    %tanh3A_1922 = math.tanh %add3A_1921 : vector<256x128xf32>
    %mul3A_1923 = arith.mulf %add3A_1918, %tanh3A_1922 : vector<256x128xf32>
    %slice3A_1924 = vector.extract_strided_slice %tanh3A_1866 {offsets = [0, 0], sizes = [256, 128], strides = [1, 1]} : vector<256x512xf32> to vector<256x128xf32>
    %mul3A_1925 = arith.constant 5.000000e-01 : f32
    %mul3A_1926 = vector.broadcast %mul3A_1925 : f32 to vector<256x128xf32>
    %mul3A_1927 = arith.mulf %mul3A_1926, %slice3A_1924 : vector<256x128xf32>
    %add3A_1928 = arith.constant 5.000000e-01 : f32
    %add3A_1929 = vector.broadcast %add3A_1928 : f32 to vector<256x128xf32>
    %add3A_1930 = arith.addf %add3A_1929, %mul3A_1927 : vector<256x128xf32>
    %slice3A_1931 = vector.extract_strided_slice %tanh3A_1866 {offsets = [0, 128], sizes = [256, 128], strides = [1, 1]} : vector<256x512xf32> to vector<256x128xf32>
    %mul3A_1932 = arith.constant 5.000000e-01 : f32
    %mul3A_1933 = vector.broadcast %mul3A_1932 : f32 to vector<256x128xf32>
    %mul3A_1934 = arith.mulf %mul3A_1933, %slice3A_1931 : vector<256x128xf32>
    %add3A_1935 = arith.constant 5.000000e-01 : f32
    %add3A_1936 = vector.broadcast %add3A_1935 : f32 to vector<256x128xf32>
    %add3A_1937 = arith.addf %add3A_1936, %mul3A_1934 : vector<256x128xf32>
    %slice3A_1938 = vector.extract_strided_slice %tanh3A_1866 {offsets = [0, 256], sizes = [256, 128], strides = [1, 1]} : vector<256x512xf32> to vector<256x128xf32>
    %slice3A_1939 = vector.extract_strided_slice %tanh3A_1866 {offsets = [0, 384], sizes = [256, 128], strides = [1, 1]} : vector<256x512xf32> to vector<256x128xf32>
    %mul3A_1940 = arith.constant 5.000000e-01 : f32
    %mul3A_1941 = vector.broadcast %mul3A_1940 : f32 to vector<256x128xf32>
    %mul3A_1942 = arith.mulf %mul3A_1941, %slice3A_1939 : vector<256x128xf32>
    %add3A_1943 = arith.constant 5.000000e-01 : f32
    %add3A_1944 = vector.broadcast %add3A_1943 : f32 to vector<256x128xf32>
    %add3A_1945 = arith.addf %add3A_1944, %mul3A_1942 : vector<256x128xf32>
    %mul3A_1946 = arith.mulf %add3A_1937, %add3A_1772 : vector<256x128xf32>
    %mul3A_1947 = arith.mulf %add3A_1930, %slice3A_1938 : vector<256x128xf32>
    %add3A_1948 = arith.addf %mul3A_1946, %mul3A_1947 : vector<256x128xf32>
    %tanh3A_1949 = math.tanh %add3A_1948 : vector<256x128xf32>
    %mul3A_1950 = arith.mulf %add3A_1945, %tanh3A_1949 : vector<256x128xf32>
    %slice3A_1951 = vector.extract_strided_slice %tanh3A_1869 {offsets = [0, 0], sizes = [256, 128], strides = [1, 1]} : vector<256x512xf32> to vector<256x128xf32>
    %mul3A_1952 = arith.constant 5.000000e-01 : f32
    %mul3A_1953 = vector.broadcast %mul3A_1952 : f32 to vector<256x128xf32>
    %mul3A_1954 = arith.mulf %mul3A_1953, %slice3A_1951 : vector<256x128xf32>
    %add3A_1955 = arith.constant 5.000000e-01 : f32
    %add3A_1956 = vector.broadcast %add3A_1955 : f32 to vector<256x128xf32>
    %add3A_1957 = arith.addf %add3A_1956, %mul3A_1954 : vector<256x128xf32>
    %slice3A_1958 = vector.extract_strided_slice %tanh3A_1869 {offsets = [0, 128], sizes = [256, 128], strides = [1, 1]} : vector<256x512xf32> to vector<256x128xf32>
    %mul3A_1959 = arith.constant 5.000000e-01 : f32
    %mul3A_1960 = vector.broadcast %mul3A_1959 : f32 to vector<256x128xf32>
    %mul3A_1961 = arith.mulf %mul3A_1960, %slice3A_1958 : vector<256x128xf32>
    %add3A_1962 = arith.constant 5.000000e-01 : f32
    %add3A_1963 = vector.broadcast %add3A_1962 : f32 to vector<256x128xf32>
    %add3A_1964 = arith.addf %add3A_1963, %mul3A_1961 : vector<256x128xf32>
    %slice3A_1965 = vector.extract_strided_slice %tanh3A_1869 {offsets = [0, 256], sizes = [256, 128], strides = [1, 1]} : vector<256x512xf32> to vector<256x128xf32>
    %slice3A_1966 = vector.extract_strided_slice %tanh3A_1869 {offsets = [0, 384], sizes = [256, 128], strides = [1, 1]} : vector<256x512xf32> to vector<256x128xf32>
    %mul3A_1967 = arith.constant 5.000000e-01 : f32
    %mul3A_1968 = vector.broadcast %mul3A_1967 : f32 to vector<256x128xf32>
    %mul3A_1969 = arith.mulf %mul3A_1968, %slice3A_1966 : vector<256x128xf32>
    %add3A_1970 = arith.constant 5.000000e-01 : f32
    %add3A_1971 = vector.broadcast %add3A_1970 : f32 to vector<256x128xf32>
    %add3A_1972 = arith.addf %add3A_1971, %mul3A_1969 : vector<256x128xf32>
    %mul3A_1973 = arith.mulf %add3A_1964, %add3A_1799 : vector<256x128xf32>
    %mul3A_1974 = arith.mulf %add3A_1957, %slice3A_1965 : vector<256x128xf32>
    %add3A_1975 = arith.addf %mul3A_1973, %mul3A_1974 : vector<256x128xf32>
    %tanh3A_1976 = math.tanh %add3A_1975 : vector<256x128xf32>
    %mul3A_1977 = arith.mulf %add3A_1972, %tanh3A_1976 : vector<256x128xf32>
    %slice3A_1978 = vector.extract_strided_slice %slice3A_24 {offsets = [0, 11], sizes = [256, 1], strides = [1, 1]} : vector<256x16xi32> to vector<256x1xi32>
    %eq3A_1979 = vector.broadcast %slice3A_1978 : vector<256x1xi32> to vector<256x128xi32>
    %eq3A_1980 = arith.cmpi eq, %iota3A_23, %eq3A_1979 : vector<256x128xi32>
    %convert_element_type3A_1981 = arith.extui %eq3A_1980 : vector<256x128xi1> to vector<256x128xi32>
    %convert_element_type3A_1982 = arith.sitofp %convert_element_type3A_1981 : vector<256x128xi32> to vector<256x128xf32>
    %convert_element_type3A_1983 = arith.truncf %convert_element_type3A_1982 : vector<256x128xf32> to vector<256x128xbf16>
    %convert_element_type3A_1984 = arith.truncf %mul3A_1896 : vector<256x128xf32> to vector<256x128xbf16>
    %slice3A_1985 = vector.extract_strided_slice %slice3A_24 {offsets = [0, 4], sizes = [256, 1], strides = [1, 1]} : vector<256x16xi32> to vector<256x1xi32>
    %eq3A_1986 = vector.broadcast %slice3A_1985 : vector<256x1xi32> to vector<256x128xi32>
    %eq3A_1987 = arith.cmpi eq, %iota3A_23, %eq3A_1986 : vector<256x128xi32>
    %convert_element_type3A_1988 = arith.extui %eq3A_1987 : vector<256x128xi1> to vector<256x128xi32>
    %convert_element_type3A_1989 = arith.sitofp %convert_element_type3A_1988 : vector<256x128xi32> to vector<256x128xf32>
    %convert_element_type3A_1990 = arith.truncf %convert_element_type3A_1989 : vector<256x128xf32> to vector<256x128xbf16>
    %concatenate3A_1991 = tpu.concatenate %convert_element_type3A_1983, %convert_element_type3A_1984, %convert_element_type3A_1990 in 1 : vector<256x128xbf16>, vector<256x128xbf16>, vector<256x128xbf16> -> vector<256x384xbf16>
    %slice3A_1992 = vector.extract_strided_slice %slice3A_29 {offsets = [0, 11], sizes = [256, 1], strides = [1, 1]} : vector<256x16xi32> to vector<256x1xi32>
    %eq3A_1993 = vector.broadcast %slice3A_1992 : vector<256x1xi32> to vector<256x128xi32>
    %eq3A_1994 = arith.cmpi eq, %iota3A_23, %eq3A_1993 : vector<256x128xi32>
    %convert_element_type3A_1995 = arith.extui %eq3A_1994 : vector<256x128xi1> to vector<256x128xi32>
    %convert_element_type3A_1996 = arith.sitofp %convert_element_type3A_1995 : vector<256x128xi32> to vector<256x128xf32>
    %convert_element_type3A_1997 = arith.truncf %convert_element_type3A_1996 : vector<256x128xf32> to vector<256x128xbf16>
    %convert_element_type3A_1998 = arith.truncf %mul3A_1923 : vector<256x128xf32> to vector<256x128xbf16>
    %slice3A_1999 = vector.extract_strided_slice %slice3A_29 {offsets = [0, 4], sizes = [256, 1], strides = [1, 1]} : vector<256x16xi32> to vector<256x1xi32>
    %eq3A_2000 = vector.broadcast %slice3A_1999 : vector<256x1xi32> to vector<256x128xi32>
    %eq3A_2001 = arith.cmpi eq, %iota3A_23, %eq3A_2000 : vector<256x128xi32>
    %convert_element_type3A_2002 = arith.extui %eq3A_2001 : vector<256x128xi1> to vector<256x128xi32>
    %convert_element_type3A_2003 = arith.sitofp %convert_element_type3A_2002 : vector<256x128xi32> to vector<256x128xf32>
    %convert_element_type3A_2004 = arith.truncf %convert_element_type3A_2003 : vector<256x128xf32> to vector<256x128xbf16>
    %concatenate3A_2005 = tpu.concatenate %convert_element_type3A_1997, %convert_element_type3A_1998, %convert_element_type3A_2004 in 1 : vector<256x128xbf16>, vector<256x128xbf16>, vector<256x128xbf16> -> vector<256x384xbf16>
    %slice3A_2006 = vector.extract_strided_slice %slice3A_34 {offsets = [0, 11], sizes = [256, 1], strides = [1, 1]} : vector<256x16xi32> to vector<256x1xi32>
    %eq3A_2007 = vector.broadcast %slice3A_2006 : vector<256x1xi32> to vector<256x128xi32>
    %eq3A_2008 = arith.cmpi eq, %iota3A_23, %eq3A_2007 : vector<256x128xi32>
    %convert_element_type3A_2009 = arith.extui %eq3A_2008 : vector<256x128xi1> to vector<256x128xi32>
    %convert_element_type3A_2010 = arith.sitofp %convert_element_type3A_2009 : vector<256x128xi32> to vector<256x128xf32>
    %convert_element_type3A_2011 = arith.truncf %convert_element_type3A_2010 : vector<256x128xf32> to vector<256x128xbf16>
    %convert_element_type3A_2012 = arith.truncf %mul3A_1950 : vector<256x128xf32> to vector<256x128xbf16>
    %slice3A_2013 = vector.extract_strided_slice %slice3A_34 {offsets = [0, 4], sizes = [256, 1], strides = [1, 1]} : vector<256x16xi32> to vector<256x1xi32>
    %eq3A_2014 = vector.broadcast %slice3A_2013 : vector<256x1xi32> to vector<256x128xi32>
    %eq3A_2015 = arith.cmpi eq, %iota3A_23, %eq3A_2014 : vector<256x128xi32>
    %convert_element_type3A_2016 = arith.extui %eq3A_2015 : vector<256x128xi1> to vector<256x128xi32>
    %convert_element_type3A_2017 = arith.sitofp %convert_element_type3A_2016 : vector<256x128xi32> to vector<256x128xf32>
    %convert_element_type3A_2018 = arith.truncf %convert_element_type3A_2017 : vector<256x128xf32> to vector<256x128xbf16>
    %concatenate3A_2019 = tpu.concatenate %convert_element_type3A_2011, %convert_element_type3A_2012, %convert_element_type3A_2018 in 1 : vector<256x128xbf16>, vector<256x128xbf16>, vector<256x128xbf16> -> vector<256x384xbf16>
    %slice3A_2020 = vector.extract_strided_slice %slice3A_39 {offsets = [0, 11], sizes = [256, 1], strides = [1, 1]} : vector<256x16xi32> to vector<256x1xi32>
    %eq3A_2021 = vector.broadcast %slice3A_2020 : vector<256x1xi32> to vector<256x128xi32>
    %eq3A_2022 = arith.cmpi eq, %iota3A_23, %eq3A_2021 : vector<256x128xi32>
    %convert_element_type3A_2023 = arith.extui %eq3A_2022 : vector<256x128xi1> to vector<256x128xi32>
    %convert_element_type3A_2024 = arith.sitofp %convert_element_type3A_2023 : vector<256x128xi32> to vector<256x128xf32>
    %convert_element_type3A_2025 = arith.truncf %convert_element_type3A_2024 : vector<256x128xf32> to vector<256x128xbf16>
    %convert_element_type3A_2026 = arith.truncf %mul3A_1977 : vector<256x128xf32> to vector<256x128xbf16>
    %slice3A_2027 = vector.extract_strided_slice %slice3A_39 {offsets = [0, 4], sizes = [256, 1], strides = [1, 1]} : vector<256x16xi32> to vector<256x1xi32>
    %eq3A_2028 = vector.broadcast %slice3A_2027 : vector<256x1xi32> to vector<256x128xi32>
    %eq3A_2029 = arith.cmpi eq, %iota3A_23, %eq3A_2028 : vector<256x128xi32>
    %convert_element_type3A_2030 = arith.extui %eq3A_2029 : vector<256x128xi1> to vector<256x128xi32>
    %convert_element_type3A_2031 = arith.sitofp %convert_element_type3A_2030 : vector<256x128xi32> to vector<256x128xf32>
    %convert_element_type3A_2032 = arith.truncf %convert_element_type3A_2031 : vector<256x128xf32> to vector<256x128xbf16>
    %concatenate3A_2033 = tpu.concatenate %convert_element_type3A_2025, %convert_element_type3A_2026, %convert_element_type3A_2032 in 1 : vector<256x128xbf16>, vector<256x128xbf16>, vector<256x128xbf16> -> vector<256x384xbf16>
    %dot_general3A_2034 = arith.constant dense<0.000000e+00> : vector<256x512xf32>
    %dot_general3A_2035 = tpu.matmul %concatenate3A_1991, %convert_element_type3A, %dot_general3A_2034 {dimension_numbers = #tpu.dot_dimension_numbers<[1], [0], [0], [1], [0, 0, 1, 1], [], []>, transpose_lhs_hint = false} : vector<256x384xbf16>, vector<384x512xbf16>, vector<256x512xf32> -> vector<256x512xf32>
    %tanh3A_2036 = math.tanh %dot_general3A_2035 : vector<256x512xf32>
    %dot_general3A_2037 = arith.constant dense<0.000000e+00> : vector<256x512xf32>
    %dot_general3A_2038 = tpu.matmul %concatenate3A_2005, %convert_element_type3A, %dot_general3A_2037 {dimension_numbers = #tpu.dot_dimension_numbers<[1], [0], [0], [1], [0, 0, 1, 1], [], []>, transpose_lhs_hint = false} : vector<256x384xbf16>, vector<384x512xbf16>, vector<256x512xf32> -> vector<256x512xf32>
    %tanh3A_2039 = math.tanh %dot_general3A_2038 : vector<256x512xf32>
    %dot_general3A_2040 = arith.constant dense<0.000000e+00> : vector<256x512xf32>
    %dot_general3A_2041 = tpu.matmul %concatenate3A_2019, %convert_element_type3A, %dot_general3A_2040 {dimension_numbers = #tpu.dot_dimension_numbers<[1], [0], [0], [1], [0, 0, 1, 1], [], []>, transpose_lhs_hint = false} : vector<256x384xbf16>, vector<384x512xbf16>, vector<256x512xf32> -> vector<256x512xf32>
    %tanh3A_2042 = math.tanh %dot_general3A_2041 : vector<256x512xf32>
    %dot_general3A_2043 = arith.constant dense<0.000000e+00> : vector<256x512xf32>
    %dot_general3A_2044 = tpu.matmul %concatenate3A_2033, %convert_element_type3A, %dot_general3A_2043 {dimension_numbers = #tpu.dot_dimension_numbers<[1], [0], [0], [1], [0, 0, 1, 1], [], []>, transpose_lhs_hint = false} : vector<256x384xbf16>, vector<384x512xbf16>, vector<256x512xf32> -> vector<256x512xf32>
    %tanh3A_2045 = math.tanh %dot_general3A_2044 : vector<256x512xf32>
    %slice3A_2046 = vector.extract_strided_slice %tanh3A_2036 {offsets = [0, 0], sizes = [256, 128], strides = [1, 1]} : vector<256x512xf32> to vector<256x128xf32>
    %mul3A_2047 = arith.constant 5.000000e-01 : f32
    %mul3A_2048 = vector.broadcast %mul3A_2047 : f32 to vector<256x128xf32>
    %mul3A_2049 = arith.mulf %mul3A_2048, %slice3A_2046 : vector<256x128xf32>
    %add3A_2050 = arith.constant 5.000000e-01 : f32
    %add3A_2051 = vector.broadcast %add3A_2050 : f32 to vector<256x128xf32>
    %add3A_2052 = arith.addf %add3A_2051, %mul3A_2049 : vector<256x128xf32>
    %slice3A_2053 = vector.extract_strided_slice %tanh3A_2036 {offsets = [0, 128], sizes = [256, 128], strides = [1, 1]} : vector<256x512xf32> to vector<256x128xf32>
    %mul3A_2054 = arith.constant 5.000000e-01 : f32
    %mul3A_2055 = vector.broadcast %mul3A_2054 : f32 to vector<256x128xf32>
    %mul3A_2056 = arith.mulf %mul3A_2055, %slice3A_2053 : vector<256x128xf32>
    %add3A_2057 = arith.constant 5.000000e-01 : f32
    %add3A_2058 = vector.broadcast %add3A_2057 : f32 to vector<256x128xf32>
    %add3A_2059 = arith.addf %add3A_2058, %mul3A_2056 : vector<256x128xf32>
    %slice3A_2060 = vector.extract_strided_slice %tanh3A_2036 {offsets = [0, 256], sizes = [256, 128], strides = [1, 1]} : vector<256x512xf32> to vector<256x128xf32>
    %slice3A_2061 = vector.extract_strided_slice %tanh3A_2036 {offsets = [0, 384], sizes = [256, 128], strides = [1, 1]} : vector<256x512xf32> to vector<256x128xf32>
    %mul3A_2062 = arith.constant 5.000000e-01 : f32
    %mul3A_2063 = vector.broadcast %mul3A_2062 : f32 to vector<256x128xf32>
    %mul3A_2064 = arith.mulf %mul3A_2063, %slice3A_2061 : vector<256x128xf32>
    %add3A_2065 = arith.constant 5.000000e-01 : f32
    %add3A_2066 = vector.broadcast %add3A_2065 : f32 to vector<256x128xf32>
    %add3A_2067 = arith.addf %add3A_2066, %mul3A_2064 : vector<256x128xf32>
    %mul3A_2068 = arith.mulf %add3A_2059, %add3A_1894 : vector<256x128xf32>
    %mul3A_2069 = arith.mulf %add3A_2052, %slice3A_2060 : vector<256x128xf32>
    %add3A_2070 = arith.addf %mul3A_2068, %mul3A_2069 : vector<256x128xf32>
    %tanh3A_2071 = math.tanh %add3A_2070 : vector<256x128xf32>
    %mul3A_2072 = arith.mulf %add3A_2067, %tanh3A_2071 : vector<256x128xf32>
    %slice3A_2073 = vector.extract_strided_slice %tanh3A_2039 {offsets = [0, 0], sizes = [256, 128], strides = [1, 1]} : vector<256x512xf32> to vector<256x128xf32>
    %mul3A_2074 = arith.constant 5.000000e-01 : f32
    %mul3A_2075 = vector.broadcast %mul3A_2074 : f32 to vector<256x128xf32>
    %mul3A_2076 = arith.mulf %mul3A_2075, %slice3A_2073 : vector<256x128xf32>
    %add3A_2077 = arith.constant 5.000000e-01 : f32
    %add3A_2078 = vector.broadcast %add3A_2077 : f32 to vector<256x128xf32>
    %add3A_2079 = arith.addf %add3A_2078, %mul3A_2076 : vector<256x128xf32>
    %slice3A_2080 = vector.extract_strided_slice %tanh3A_2039 {offsets = [0, 128], sizes = [256, 128], strides = [1, 1]} : vector<256x512xf32> to vector<256x128xf32>
    %mul3A_2081 = arith.constant 5.000000e-01 : f32
    %mul3A_2082 = vector.broadcast %mul3A_2081 : f32 to vector<256x128xf32>
    %mul3A_2083 = arith.mulf %mul3A_2082, %slice3A_2080 : vector<256x128xf32>
    %add3A_2084 = arith.constant 5.000000e-01 : f32
    %add3A_2085 = vector.broadcast %add3A_2084 : f32 to vector<256x128xf32>
    %add3A_2086 = arith.addf %add3A_2085, %mul3A_2083 : vector<256x128xf32>
    %slice3A_2087 = vector.extract_strided_slice %tanh3A_2039 {offsets = [0, 256], sizes = [256, 128], strides = [1, 1]} : vector<256x512xf32> to vector<256x128xf32>
    %slice3A_2088 = vector.extract_strided_slice %tanh3A_2039 {offsets = [0, 384], sizes = [256, 128], strides = [1, 1]} : vector<256x512xf32> to vector<256x128xf32>
    %mul3A_2089 = arith.constant 5.000000e-01 : f32
    %mul3A_2090 = vector.broadcast %mul3A_2089 : f32 to vector<256x128xf32>
    %mul3A_2091 = arith.mulf %mul3A_2090, %slice3A_2088 : vector<256x128xf32>
    %add3A_2092 = arith.constant 5.000000e-01 : f32
    %add3A_2093 = vector.broadcast %add3A_2092 : f32 to vector<256x128xf32>
    %add3A_2094 = arith.addf %add3A_2093, %mul3A_2091 : vector<256x128xf32>
    %mul3A_2095 = arith.mulf %add3A_2086, %add3A_1921 : vector<256x128xf32>
    %mul3A_2096 = arith.mulf %add3A_2079, %slice3A_2087 : vector<256x128xf32>
    %add3A_2097 = arith.addf %mul3A_2095, %mul3A_2096 : vector<256x128xf32>
    %tanh3A_2098 = math.tanh %add3A_2097 : vector<256x128xf32>
    %mul3A_2099 = arith.mulf %add3A_2094, %tanh3A_2098 : vector<256x128xf32>
    %slice3A_2100 = vector.extract_strided_slice %tanh3A_2042 {offsets = [0, 0], sizes = [256, 128], strides = [1, 1]} : vector<256x512xf32> to vector<256x128xf32>
    %mul3A_2101 = arith.constant 5.000000e-01 : f32
    %mul3A_2102 = vector.broadcast %mul3A_2101 : f32 to vector<256x128xf32>
    %mul3A_2103 = arith.mulf %mul3A_2102, %slice3A_2100 : vector<256x128xf32>
    %add3A_2104 = arith.constant 5.000000e-01 : f32
    %add3A_2105 = vector.broadcast %add3A_2104 : f32 to vector<256x128xf32>
    %add3A_2106 = arith.addf %add3A_2105, %mul3A_2103 : vector<256x128xf32>
    %slice3A_2107 = vector.extract_strided_slice %tanh3A_2042 {offsets = [0, 128], sizes = [256, 128], strides = [1, 1]} : vector<256x512xf32> to vector<256x128xf32>
    %mul3A_2108 = arith.constant 5.000000e-01 : f32
    %mul3A_2109 = vector.broadcast %mul3A_2108 : f32 to vector<256x128xf32>
    %mul3A_2110 = arith.mulf %mul3A_2109, %slice3A_2107 : vector<256x128xf32>
    %add3A_2111 = arith.constant 5.000000e-01 : f32
    %add3A_2112 = vector.broadcast %add3A_2111 : f32 to vector<256x128xf32>
    %add3A_2113 = arith.addf %add3A_2112, %mul3A_2110 : vector<256x128xf32>
    %slice3A_2114 = vector.extract_strided_slice %tanh3A_2042 {offsets = [0, 256], sizes = [256, 128], strides = [1, 1]} : vector<256x512xf32> to vector<256x128xf32>
    %slice3A_2115 = vector.extract_strided_slice %tanh3A_2042 {offsets = [0, 384], sizes = [256, 128], strides = [1, 1]} : vector<256x512xf32> to vector<256x128xf32>
    %mul3A_2116 = arith.constant 5.000000e-01 : f32
    %mul3A_2117 = vector.broadcast %mul3A_2116 : f32 to vector<256x128xf32>
    %mul3A_2118 = arith.mulf %mul3A_2117, %slice3A_2115 : vector<256x128xf32>
    %add3A_2119 = arith.constant 5.000000e-01 : f32
    %add3A_2120 = vector.broadcast %add3A_2119 : f32 to vector<256x128xf32>
    %add3A_2121 = arith.addf %add3A_2120, %mul3A_2118 : vector<256x128xf32>
    %mul3A_2122 = arith.mulf %add3A_2113, %add3A_1948 : vector<256x128xf32>
    %mul3A_2123 = arith.mulf %add3A_2106, %slice3A_2114 : vector<256x128xf32>
    %add3A_2124 = arith.addf %mul3A_2122, %mul3A_2123 : vector<256x128xf32>
    %tanh3A_2125 = math.tanh %add3A_2124 : vector<256x128xf32>
    %mul3A_2126 = arith.mulf %add3A_2121, %tanh3A_2125 : vector<256x128xf32>
    %slice3A_2127 = vector.extract_strided_slice %tanh3A_2045 {offsets = [0, 0], sizes = [256, 128], strides = [1, 1]} : vector<256x512xf32> to vector<256x128xf32>
    %mul3A_2128 = arith.constant 5.000000e-01 : f32
    %mul3A_2129 = vector.broadcast %mul3A_2128 : f32 to vector<256x128xf32>
    %mul3A_2130 = arith.mulf %mul3A_2129, %slice3A_2127 : vector<256x128xf32>
    %add3A_2131 = arith.constant 5.000000e-01 : f32
    %add3A_2132 = vector.broadcast %add3A_2131 : f32 to vector<256x128xf32>
    %add3A_2133 = arith.addf %add3A_2132, %mul3A_2130 : vector<256x128xf32>
    %slice3A_2134 = vector.extract_strided_slice %tanh3A_2045 {offsets = [0, 128], sizes = [256, 128], strides = [1, 1]} : vector<256x512xf32> to vector<256x128xf32>
    %mul3A_2135 = arith.constant 5.000000e-01 : f32
    %mul3A_2136 = vector.broadcast %mul3A_2135 : f32 to vector<256x128xf32>
    %mul3A_2137 = arith.mulf %mul3A_2136, %slice3A_2134 : vector<256x128xf32>
    %add3A_2138 = arith.constant 5.000000e-01 : f32
    %add3A_2139 = vector.broadcast %add3A_2138 : f32 to vector<256x128xf32>
    %add3A_2140 = arith.addf %add3A_2139, %mul3A_2137 : vector<256x128xf32>
    %slice3A_2141 = vector.extract_strided_slice %tanh3A_2045 {offsets = [0, 256], sizes = [256, 128], strides = [1, 1]} : vector<256x512xf32> to vector<256x128xf32>
    %slice3A_2142 = vector.extract_strided_slice %tanh3A_2045 {offsets = [0, 384], sizes = [256, 128], strides = [1, 1]} : vector<256x512xf32> to vector<256x128xf32>
    %mul3A_2143 = arith.constant 5.000000e-01 : f32
    %mul3A_2144 = vector.broadcast %mul3A_2143 : f32 to vector<256x128xf32>
    %mul3A_2145 = arith.mulf %mul3A_2144, %slice3A_2142 : vector<256x128xf32>
    %add3A_2146 = arith.constant 5.000000e-01 : f32
    %add3A_2147 = vector.broadcast %add3A_2146 : f32 to vector<256x128xf32>
    %add3A_2148 = arith.addf %add3A_2147, %mul3A_2145 : vector<256x128xf32>
    %mul3A_2149 = arith.mulf %add3A_2140, %add3A_1975 : vector<256x128xf32>
    %mul3A_2150 = arith.mulf %add3A_2133, %slice3A_2141 : vector<256x128xf32>
    %add3A_2151 = arith.addf %mul3A_2149, %mul3A_2150 : vector<256x128xf32>
    %tanh3A_2152 = math.tanh %add3A_2151 : vector<256x128xf32>
    %mul3A_2153 = arith.mulf %add3A_2148, %tanh3A_2152 : vector<256x128xf32>
    %slice3A_2154 = vector.extract_strided_slice %slice3A_24 {offsets = [0, 12], sizes = [256, 1], strides = [1, 1]} : vector<256x16xi32> to vector<256x1xi32>
    %eq3A_2155 = vector.broadcast %slice3A_2154 : vector<256x1xi32> to vector<256x128xi32>
    %eq3A_2156 = arith.cmpi eq, %iota3A_23, %eq3A_2155 : vector<256x128xi32>
    %convert_element_type3A_2157 = arith.extui %eq3A_2156 : vector<256x128xi1> to vector<256x128xi32>
    %convert_element_type3A_2158 = arith.sitofp %convert_element_type3A_2157 : vector<256x128xi32> to vector<256x128xf32>
    %convert_element_type3A_2159 = arith.truncf %convert_element_type3A_2158 : vector<256x128xf32> to vector<256x128xbf16>
    %convert_element_type3A_2160 = arith.truncf %mul3A_2072 : vector<256x128xf32> to vector<256x128xbf16>
    %slice3A_2161 = vector.extract_strided_slice %slice3A_24 {offsets = [0, 3], sizes = [256, 1], strides = [1, 1]} : vector<256x16xi32> to vector<256x1xi32>
    %eq3A_2162 = vector.broadcast %slice3A_2161 : vector<256x1xi32> to vector<256x128xi32>
    %eq3A_2163 = arith.cmpi eq, %iota3A_23, %eq3A_2162 : vector<256x128xi32>
    %convert_element_type3A_2164 = arith.extui %eq3A_2163 : vector<256x128xi1> to vector<256x128xi32>
    %convert_element_type3A_2165 = arith.sitofp %convert_element_type3A_2164 : vector<256x128xi32> to vector<256x128xf32>
    %convert_element_type3A_2166 = arith.truncf %convert_element_type3A_2165 : vector<256x128xf32> to vector<256x128xbf16>
    %concatenate3A_2167 = tpu.concatenate %convert_element_type3A_2159, %convert_element_type3A_2160, %convert_element_type3A_2166 in 1 : vector<256x128xbf16>, vector<256x128xbf16>, vector<256x128xbf16> -> vector<256x384xbf16>
    %slice3A_2168 = vector.extract_strided_slice %slice3A_29 {offsets = [0, 12], sizes = [256, 1], strides = [1, 1]} : vector<256x16xi32> to vector<256x1xi32>
    %eq3A_2169 = vector.broadcast %slice3A_2168 : vector<256x1xi32> to vector<256x128xi32>
    %eq3A_2170 = arith.cmpi eq, %iota3A_23, %eq3A_2169 : vector<256x128xi32>
    %convert_element_type3A_2171 = arith.extui %eq3A_2170 : vector<256x128xi1> to vector<256x128xi32>
    %convert_element_type3A_2172 = arith.sitofp %convert_element_type3A_2171 : vector<256x128xi32> to vector<256x128xf32>
    %convert_element_type3A_2173 = arith.truncf %convert_element_type3A_2172 : vector<256x128xf32> to vector<256x128xbf16>
    %convert_element_type3A_2174 = arith.truncf %mul3A_2099 : vector<256x128xf32> to vector<256x128xbf16>
    %slice3A_2175 = vector.extract_strided_slice %slice3A_29 {offsets = [0, 3], sizes = [256, 1], strides = [1, 1]} : vector<256x16xi32> to vector<256x1xi32>
    %eq3A_2176 = vector.broadcast %slice3A_2175 : vector<256x1xi32> to vector<256x128xi32>
    %eq3A_2177 = arith.cmpi eq, %iota3A_23, %eq3A_2176 : vector<256x128xi32>
    %convert_element_type3A_2178 = arith.extui %eq3A_2177 : vector<256x128xi1> to vector<256x128xi32>
    %convert_element_type3A_2179 = arith.sitofp %convert_element_type3A_2178 : vector<256x128xi32> to vector<256x128xf32>
    %convert_element_type3A_2180 = arith.truncf %convert_element_type3A_2179 : vector<256x128xf32> to vector<256x128xbf16>
    %concatenate3A_2181 = tpu.concatenate %convert_element_type3A_2173, %convert_element_type3A_2174, %convert_element_type3A_2180 in 1 : vector<256x128xbf16>, vector<256x128xbf16>, vector<256x128xbf16> -> vector<256x384xbf16>
    %slice3A_2182 = vector.extract_strided_slice %slice3A_34 {offsets = [0, 12], sizes = [256, 1], strides = [1, 1]} : vector<256x16xi32> to vector<256x1xi32>
    %eq3A_2183 = vector.broadcast %slice3A_2182 : vector<256x1xi32> to vector<256x128xi32>
    %eq3A_2184 = arith.cmpi eq, %iota3A_23, %eq3A_2183 : vector<256x128xi32>
    %convert_element_type3A_2185 = arith.extui %eq3A_2184 : vector<256x128xi1> to vector<256x128xi32>
    %convert_element_type3A_2186 = arith.sitofp %convert_element_type3A_2185 : vector<256x128xi32> to vector<256x128xf32>
    %convert_element_type3A_2187 = arith.truncf %convert_element_type3A_2186 : vector<256x128xf32> to vector<256x128xbf16>
    %convert_element_type3A_2188 = arith.truncf %mul3A_2126 : vector<256x128xf32> to vector<256x128xbf16>
    %slice3A_2189 = vector.extract_strided_slice %slice3A_34 {offsets = [0, 3], sizes = [256, 1], strides = [1, 1]} : vector<256x16xi32> to vector<256x1xi32>
    %eq3A_2190 = vector.broadcast %slice3A_2189 : vector<256x1xi32> to vector<256x128xi32>
    %eq3A_2191 = arith.cmpi eq, %iota3A_23, %eq3A_2190 : vector<256x128xi32>
    %convert_element_type3A_2192 = arith.extui %eq3A_2191 : vector<256x128xi1> to vector<256x128xi32>
    %convert_element_type3A_2193 = arith.sitofp %convert_element_type3A_2192 : vector<256x128xi32> to vector<256x128xf32>
    %convert_element_type3A_2194 = arith.truncf %convert_element_type3A_2193 : vector<256x128xf32> to vector<256x128xbf16>
    %concatenate3A_2195 = tpu.concatenate %convert_element_type3A_2187, %convert_element_type3A_2188, %convert_element_type3A_2194 in 1 : vector<256x128xbf16>, vector<256x128xbf16>, vector<256x128xbf16> -> vector<256x384xbf16>
    %slice3A_2196 = vector.extract_strided_slice %slice3A_39 {offsets = [0, 12], sizes = [256, 1], strides = [1, 1]} : vector<256x16xi32> to vector<256x1xi32>
    %eq3A_2197 = vector.broadcast %slice3A_2196 : vector<256x1xi32> to vector<256x128xi32>
    %eq3A_2198 = arith.cmpi eq, %iota3A_23, %eq3A_2197 : vector<256x128xi32>
    %convert_element_type3A_2199 = arith.extui %eq3A_2198 : vector<256x128xi1> to vector<256x128xi32>
    %convert_element_type3A_2200 = arith.sitofp %convert_element_type3A_2199 : vector<256x128xi32> to vector<256x128xf32>
    %convert_element_type3A_2201 = arith.truncf %convert_element_type3A_2200 : vector<256x128xf32> to vector<256x128xbf16>
    %convert_element_type3A_2202 = arith.truncf %mul3A_2153 : vector<256x128xf32> to vector<256x128xbf16>
    %slice3A_2203 = vector.extract_strided_slice %slice3A_39 {offsets = [0, 3], sizes = [256, 1], strides = [1, 1]} : vector<256x16xi32> to vector<256x1xi32>
    %eq3A_2204 = vector.broadcast %slice3A_2203 : vector<256x1xi32> to vector<256x128xi32>
    %eq3A_2205 = arith.cmpi eq, %iota3A_23, %eq3A_2204 : vector<256x128xi32>
    %convert_element_type3A_2206 = arith.extui %eq3A_2205 : vector<256x128xi1> to vector<256x128xi32>
    %convert_element_type3A_2207 = arith.sitofp %convert_element_type3A_2206 : vector<256x128xi32> to vector<256x128xf32>
    %convert_element_type3A_2208 = arith.truncf %convert_element_type3A_2207 : vector<256x128xf32> to vector<256x128xbf16>
    %concatenate3A_2209 = tpu.concatenate %convert_element_type3A_2201, %convert_element_type3A_2202, %convert_element_type3A_2208 in 1 : vector<256x128xbf16>, vector<256x128xbf16>, vector<256x128xbf16> -> vector<256x384xbf16>
    %dot_general3A_2210 = arith.constant dense<0.000000e+00> : vector<256x512xf32>
    %dot_general3A_2211 = tpu.matmul %concatenate3A_2167, %convert_element_type3A, %dot_general3A_2210 {dimension_numbers = #tpu.dot_dimension_numbers<[1], [0], [0], [1], [0, 0, 1, 1], [], []>, transpose_lhs_hint = false} : vector<256x384xbf16>, vector<384x512xbf16>, vector<256x512xf32> -> vector<256x512xf32>
    %tanh3A_2212 = math.tanh %dot_general3A_2211 : vector<256x512xf32>
    %dot_general3A_2213 = arith.constant dense<0.000000e+00> : vector<256x512xf32>
    %dot_general3A_2214 = tpu.matmul %concatenate3A_2181, %convert_element_type3A, %dot_general3A_2213 {dimension_numbers = #tpu.dot_dimension_numbers<[1], [0], [0], [1], [0, 0, 1, 1], [], []>, transpose_lhs_hint = false} : vector<256x384xbf16>, vector<384x512xbf16>, vector<256x512xf32> -> vector<256x512xf32>
    %tanh3A_2215 = math.tanh %dot_general3A_2214 : vector<256x512xf32>
    %dot_general3A_2216 = arith.constant dense<0.000000e+00> : vector<256x512xf32>
    %dot_general3A_2217 = tpu.matmul %concatenate3A_2195, %convert_element_type3A, %dot_general3A_2216 {dimension_numbers = #tpu.dot_dimension_numbers<[1], [0], [0], [1], [0, 0, 1, 1], [], []>, transpose_lhs_hint = false} : vector<256x384xbf16>, vector<384x512xbf16>, vector<256x512xf32> -> vector<256x512xf32>
    %tanh3A_2218 = math.tanh %dot_general3A_2217 : vector<256x512xf32>
    %dot_general3A_2219 = arith.constant dense<0.000000e+00> : vector<256x512xf32>
    %dot_general3A_2220 = tpu.matmul %concatenate3A_2209, %convert_element_type3A, %dot_general3A_2219 {dimension_numbers = #tpu.dot_dimension_numbers<[1], [0], [0], [1], [0, 0, 1, 1], [], []>, transpose_lhs_hint = false} : vector<256x384xbf16>, vector<384x512xbf16>, vector<256x512xf32> -> vector<256x512xf32>
    %tanh3A_2221 = math.tanh %dot_general3A_2220 : vector<256x512xf32>
    %slice3A_2222 = vector.extract_strided_slice %tanh3A_2212 {offsets = [0, 0], sizes = [256, 128], strides = [1, 1]} : vector<256x512xf32> to vector<256x128xf32>
    %mul3A_2223 = arith.constant 5.000000e-01 : f32
    %mul3A_2224 = vector.broadcast %mul3A_2223 : f32 to vector<256x128xf32>
    %mul3A_2225 = arith.mulf %mul3A_2224, %slice3A_2222 : vector<256x128xf32>
    %add3A_2226 = arith.constant 5.000000e-01 : f32
    %add3A_2227 = vector.broadcast %add3A_2226 : f32 to vector<256x128xf32>
    %add3A_2228 = arith.addf %add3A_2227, %mul3A_2225 : vector<256x128xf32>
    %slice3A_2229 = vector.extract_strided_slice %tanh3A_2212 {offsets = [0, 128], sizes = [256, 128], strides = [1, 1]} : vector<256x512xf32> to vector<256x128xf32>
    %mul3A_2230 = arith.constant 5.000000e-01 : f32
    %mul3A_2231 = vector.broadcast %mul3A_2230 : f32 to vector<256x128xf32>
    %mul3A_2232 = arith.mulf %mul3A_2231, %slice3A_2229 : vector<256x128xf32>
    %add3A_2233 = arith.constant 5.000000e-01 : f32
    %add3A_2234 = vector.broadcast %add3A_2233 : f32 to vector<256x128xf32>
    %add3A_2235 = arith.addf %add3A_2234, %mul3A_2232 : vector<256x128xf32>
    %slice3A_2236 = vector.extract_strided_slice %tanh3A_2212 {offsets = [0, 256], sizes = [256, 128], strides = [1, 1]} : vector<256x512xf32> to vector<256x128xf32>
    %slice3A_2237 = vector.extract_strided_slice %tanh3A_2212 {offsets = [0, 384], sizes = [256, 128], strides = [1, 1]} : vector<256x512xf32> to vector<256x128xf32>
    %mul3A_2238 = arith.constant 5.000000e-01 : f32
    %mul3A_2239 = vector.broadcast %mul3A_2238 : f32 to vector<256x128xf32>
    %mul3A_2240 = arith.mulf %mul3A_2239, %slice3A_2237 : vector<256x128xf32>
    %add3A_2241 = arith.constant 5.000000e-01 : f32
    %add3A_2242 = vector.broadcast %add3A_2241 : f32 to vector<256x128xf32>
    %add3A_2243 = arith.addf %add3A_2242, %mul3A_2240 : vector<256x128xf32>
    %mul3A_2244 = arith.mulf %add3A_2235, %add3A_2070 : vector<256x128xf32>
    %mul3A_2245 = arith.mulf %add3A_2228, %slice3A_2236 : vector<256x128xf32>
    %add3A_2246 = arith.addf %mul3A_2244, %mul3A_2245 : vector<256x128xf32>
    %tanh3A_2247 = math.tanh %add3A_2246 : vector<256x128xf32>
    %mul3A_2248 = arith.mulf %add3A_2243, %tanh3A_2247 : vector<256x128xf32>
    %slice3A_2249 = vector.extract_strided_slice %tanh3A_2215 {offsets = [0, 0], sizes = [256, 128], strides = [1, 1]} : vector<256x512xf32> to vector<256x128xf32>
    %mul3A_2250 = arith.constant 5.000000e-01 : f32
    %mul3A_2251 = vector.broadcast %mul3A_2250 : f32 to vector<256x128xf32>
    %mul3A_2252 = arith.mulf %mul3A_2251, %slice3A_2249 : vector<256x128xf32>
    %add3A_2253 = arith.constant 5.000000e-01 : f32
    %add3A_2254 = vector.broadcast %add3A_2253 : f32 to vector<256x128xf32>
    %add3A_2255 = arith.addf %add3A_2254, %mul3A_2252 : vector<256x128xf32>
    %slice3A_2256 = vector.extract_strided_slice %tanh3A_2215 {offsets = [0, 128], sizes = [256, 128], strides = [1, 1]} : vector<256x512xf32> to vector<256x128xf32>
    %mul3A_2257 = arith.constant 5.000000e-01 : f32
    %mul3A_2258 = vector.broadcast %mul3A_2257 : f32 to vector<256x128xf32>
    %mul3A_2259 = arith.mulf %mul3A_2258, %slice3A_2256 : vector<256x128xf32>
    %add3A_2260 = arith.constant 5.000000e-01 : f32
    %add3A_2261 = vector.broadcast %add3A_2260 : f32 to vector<256x128xf32>
    %add3A_2262 = arith.addf %add3A_2261, %mul3A_2259 : vector<256x128xf32>
    %slice3A_2263 = vector.extract_strided_slice %tanh3A_2215 {offsets = [0, 256], sizes = [256, 128], strides = [1, 1]} : vector<256x512xf32> to vector<256x128xf32>
    %slice3A_2264 = vector.extract_strided_slice %tanh3A_2215 {offsets = [0, 384], sizes = [256, 128], strides = [1, 1]} : vector<256x512xf32> to vector<256x128xf32>
    %mul3A_2265 = arith.constant 5.000000e-01 : f32
    %mul3A_2266 = vector.broadcast %mul3A_2265 : f32 to vector<256x128xf32>
    %mul3A_2267 = arith.mulf %mul3A_2266, %slice3A_2264 : vector<256x128xf32>
    %add3A_2268 = arith.constant 5.000000e-01 : f32
    %add3A_2269 = vector.broadcast %add3A_2268 : f32 to vector<256x128xf32>
    %add3A_2270 = arith.addf %add3A_2269, %mul3A_2267 : vector<256x128xf32>
    %mul3A_2271 = arith.mulf %add3A_2262, %add3A_2097 : vector<256x128xf32>
    %mul3A_2272 = arith.mulf %add3A_2255, %slice3A_2263 : vector<256x128xf32>
    %add3A_2273 = arith.addf %mul3A_2271, %mul3A_2272 : vector<256x128xf32>
    %tanh3A_2274 = math.tanh %add3A_2273 : vector<256x128xf32>
    %mul3A_2275 = arith.mulf %add3A_2270, %tanh3A_2274 : vector<256x128xf32>
    %slice3A_2276 = vector.extract_strided_slice %tanh3A_2218 {offsets = [0, 0], sizes = [256, 128], strides = [1, 1]} : vector<256x512xf32> to vector<256x128xf32>
    %mul3A_2277 = arith.constant 5.000000e-01 : f32
    %mul3A_2278 = vector.broadcast %mul3A_2277 : f32 to vector<256x128xf32>
    %mul3A_2279 = arith.mulf %mul3A_2278, %slice3A_2276 : vector<256x128xf32>
    %add3A_2280 = arith.constant 5.000000e-01 : f32
    %add3A_2281 = vector.broadcast %add3A_2280 : f32 to vector<256x128xf32>
    %add3A_2282 = arith.addf %add3A_2281, %mul3A_2279 : vector<256x128xf32>
    %slice3A_2283 = vector.extract_strided_slice %tanh3A_2218 {offsets = [0, 128], sizes = [256, 128], strides = [1, 1]} : vector<256x512xf32> to vector<256x128xf32>
    %mul3A_2284 = arith.constant 5.000000e-01 : f32
    %mul3A_2285 = vector.broadcast %mul3A_2284 : f32 to vector<256x128xf32>
    %mul3A_2286 = arith.mulf %mul3A_2285, %slice3A_2283 : vector<256x128xf32>
    %add3A_2287 = arith.constant 5.000000e-01 : f32
    %add3A_2288 = vector.broadcast %add3A_2287 : f32 to vector<256x128xf32>
    %add3A_2289 = arith.addf %add3A_2288, %mul3A_2286 : vector<256x128xf32>
    %slice3A_2290 = vector.extract_strided_slice %tanh3A_2218 {offsets = [0, 256], sizes = [256, 128], strides = [1, 1]} : vector<256x512xf32> to vector<256x128xf32>
    %slice3A_2291 = vector.extract_strided_slice %tanh3A_2218 {offsets = [0, 384], sizes = [256, 128], strides = [1, 1]} : vector<256x512xf32> to vector<256x128xf32>
    %mul3A_2292 = arith.constant 5.000000e-01 : f32
    %mul3A_2293 = vector.broadcast %mul3A_2292 : f32 to vector<256x128xf32>
    %mul3A_2294 = arith.mulf %mul3A_2293, %slice3A_2291 : vector<256x128xf32>
    %add3A_2295 = arith.constant 5.000000e-01 : f32
    %add3A_2296 = vector.broadcast %add3A_2295 : f32 to vector<256x128xf32>
    %add3A_2297 = arith.addf %add3A_2296, %mul3A_2294 : vector<256x128xf32>
    %mul3A_2298 = arith.mulf %add3A_2289, %add3A_2124 : vector<256x128xf32>
    %mul3A_2299 = arith.mulf %add3A_2282, %slice3A_2290 : vector<256x128xf32>
    %add3A_2300 = arith.addf %mul3A_2298, %mul3A_2299 : vector<256x128xf32>
    %tanh3A_2301 = math.tanh %add3A_2300 : vector<256x128xf32>
    %mul3A_2302 = arith.mulf %add3A_2297, %tanh3A_2301 : vector<256x128xf32>
    %slice3A_2303 = vector.extract_strided_slice %tanh3A_2221 {offsets = [0, 0], sizes = [256, 128], strides = [1, 1]} : vector<256x512xf32> to vector<256x128xf32>
    %mul3A_2304 = arith.constant 5.000000e-01 : f32
    %mul3A_2305 = vector.broadcast %mul3A_2304 : f32 to vector<256x128xf32>
    %mul3A_2306 = arith.mulf %mul3A_2305, %slice3A_2303 : vector<256x128xf32>
    %add3A_2307 = arith.constant 5.000000e-01 : f32
    %add3A_2308 = vector.broadcast %add3A_2307 : f32 to vector<256x128xf32>
    %add3A_2309 = arith.addf %add3A_2308, %mul3A_2306 : vector<256x128xf32>
    %slice3A_2310 = vector.extract_strided_slice %tanh3A_2221 {offsets = [0, 128], sizes = [256, 128], strides = [1, 1]} : vector<256x512xf32> to vector<256x128xf32>
    %mul3A_2311 = arith.constant 5.000000e-01 : f32
    %mul3A_2312 = vector.broadcast %mul3A_2311 : f32 to vector<256x128xf32>
    %mul3A_2313 = arith.mulf %mul3A_2312, %slice3A_2310 : vector<256x128xf32>
    %add3A_2314 = arith.constant 5.000000e-01 : f32
    %add3A_2315 = vector.broadcast %add3A_2314 : f32 to vector<256x128xf32>
    %add3A_2316 = arith.addf %add3A_2315, %mul3A_2313 : vector<256x128xf32>
    %slice3A_2317 = vector.extract_strided_slice %tanh3A_2221 {offsets = [0, 256], sizes = [256, 128], strides = [1, 1]} : vector<256x512xf32> to vector<256x128xf32>
    %slice3A_2318 = vector.extract_strided_slice %tanh3A_2221 {offsets = [0, 384], sizes = [256, 128], strides = [1, 1]} : vector<256x512xf32> to vector<256x128xf32>
    %mul3A_2319 = arith.constant 5.000000e-01 : f32
    %mul3A_2320 = vector.broadcast %mul3A_2319 : f32 to vector<256x128xf32>
    %mul3A_2321 = arith.mulf %mul3A_2320, %slice3A_2318 : vector<256x128xf32>
    %add3A_2322 = arith.constant 5.000000e-01 : f32
    %add3A_2323 = vector.broadcast %add3A_2322 : f32 to vector<256x128xf32>
    %add3A_2324 = arith.addf %add3A_2323, %mul3A_2321 : vector<256x128xf32>
    %mul3A_2325 = arith.mulf %add3A_2316, %add3A_2151 : vector<256x128xf32>
    %mul3A_2326 = arith.mulf %add3A_2309, %slice3A_2317 : vector<256x128xf32>
    %add3A_2327 = arith.addf %mul3A_2325, %mul3A_2326 : vector<256x128xf32>
    %tanh3A_2328 = math.tanh %add3A_2327 : vector<256x128xf32>
    %mul3A_2329 = arith.mulf %add3A_2324, %tanh3A_2328 : vector<256x128xf32>
    %slice3A_2330 = vector.extract_strided_slice %slice3A_24 {offsets = [0, 13], sizes = [256, 1], strides = [1, 1]} : vector<256x16xi32> to vector<256x1xi32>
    %eq3A_2331 = vector.broadcast %slice3A_2330 : vector<256x1xi32> to vector<256x128xi32>
    %eq3A_2332 = arith.cmpi eq, %iota3A_23, %eq3A_2331 : vector<256x128xi32>
    %convert_element_type3A_2333 = arith.extui %eq3A_2332 : vector<256x128xi1> to vector<256x128xi32>
    %convert_element_type3A_2334 = arith.sitofp %convert_element_type3A_2333 : vector<256x128xi32> to vector<256x128xf32>
    %convert_element_type3A_2335 = arith.truncf %convert_element_type3A_2334 : vector<256x128xf32> to vector<256x128xbf16>
    %convert_element_type3A_2336 = arith.truncf %mul3A_2248 : vector<256x128xf32> to vector<256x128xbf16>
    %slice3A_2337 = vector.extract_strided_slice %slice3A_24 {offsets = [0, 2], sizes = [256, 1], strides = [1, 1]} : vector<256x16xi32> to vector<256x1xi32>
    %eq3A_2338 = vector.broadcast %slice3A_2337 : vector<256x1xi32> to vector<256x128xi32>
    %eq3A_2339 = arith.cmpi eq, %iota3A_23, %eq3A_2338 : vector<256x128xi32>
    %convert_element_type3A_2340 = arith.extui %eq3A_2339 : vector<256x128xi1> to vector<256x128xi32>
    %convert_element_type3A_2341 = arith.sitofp %convert_element_type3A_2340 : vector<256x128xi32> to vector<256x128xf32>
    %convert_element_type3A_2342 = arith.truncf %convert_element_type3A_2341 : vector<256x128xf32> to vector<256x128xbf16>
    %concatenate3A_2343 = tpu.concatenate %convert_element_type3A_2335, %convert_element_type3A_2336, %convert_element_type3A_2342 in 1 : vector<256x128xbf16>, vector<256x128xbf16>, vector<256x128xbf16> -> vector<256x384xbf16>
    %slice3A_2344 = vector.extract_strided_slice %slice3A_29 {offsets = [0, 13], sizes = [256, 1], strides = [1, 1]} : vector<256x16xi32> to vector<256x1xi32>
    %eq3A_2345 = vector.broadcast %slice3A_2344 : vector<256x1xi32> to vector<256x128xi32>
    %eq3A_2346 = arith.cmpi eq, %iota3A_23, %eq3A_2345 : vector<256x128xi32>
    %convert_element_type3A_2347 = arith.extui %eq3A_2346 : vector<256x128xi1> to vector<256x128xi32>
    %convert_element_type3A_2348 = arith.sitofp %convert_element_type3A_2347 : vector<256x128xi32> to vector<256x128xf32>
    %convert_element_type3A_2349 = arith.truncf %convert_element_type3A_2348 : vector<256x128xf32> to vector<256x128xbf16>
    %convert_element_type3A_2350 = arith.truncf %mul3A_2275 : vector<256x128xf32> to vector<256x128xbf16>
    %slice3A_2351 = vector.extract_strided_slice %slice3A_29 {offsets = [0, 2], sizes = [256, 1], strides = [1, 1]} : vector<256x16xi32> to vector<256x1xi32>
    %eq3A_2352 = vector.broadcast %slice3A_2351 : vector<256x1xi32> to vector<256x128xi32>
    %eq3A_2353 = arith.cmpi eq, %iota3A_23, %eq3A_2352 : vector<256x128xi32>
    %convert_element_type3A_2354 = arith.extui %eq3A_2353 : vector<256x128xi1> to vector<256x128xi32>
    %convert_element_type3A_2355 = arith.sitofp %convert_element_type3A_2354 : vector<256x128xi32> to vector<256x128xf32>
    %convert_element_type3A_2356 = arith.truncf %convert_element_type3A_2355 : vector<256x128xf32> to vector<256x128xbf16>
    %concatenate3A_2357 = tpu.concatenate %convert_element_type3A_2349, %convert_element_type3A_2350, %convert_element_type3A_2356 in 1 : vector<256x128xbf16>, vector<256x128xbf16>, vector<256x128xbf16> -> vector<256x384xbf16>
    %slice3A_2358 = vector.extract_strided_slice %slice3A_34 {offsets = [0, 13], sizes = [256, 1], strides = [1, 1]} : vector<256x16xi32> to vector<256x1xi32>
    %eq3A_2359 = vector.broadcast %slice3A_2358 : vector<256x1xi32> to vector<256x128xi32>
    %eq3A_2360 = arith.cmpi eq, %iota3A_23, %eq3A_2359 : vector<256x128xi32>
    %convert_element_type3A_2361 = arith.extui %eq3A_2360 : vector<256x128xi1> to vector<256x128xi32>
    %convert_element_type3A_2362 = arith.sitofp %convert_element_type3A_2361 : vector<256x128xi32> to vector<256x128xf32>
    %convert_element_type3A_2363 = arith.truncf %convert_element_type3A_2362 : vector<256x128xf32> to vector<256x128xbf16>
    %convert_element_type3A_2364 = arith.truncf %mul3A_2302 : vector<256x128xf32> to vector<256x128xbf16>
    %slice3A_2365 = vector.extract_strided_slice %slice3A_34 {offsets = [0, 2], sizes = [256, 1], strides = [1, 1]} : vector<256x16xi32> to vector<256x1xi32>
    %eq3A_2366 = vector.broadcast %slice3A_2365 : vector<256x1xi32> to vector<256x128xi32>
    %eq3A_2367 = arith.cmpi eq, %iota3A_23, %eq3A_2366 : vector<256x128xi32>
    %convert_element_type3A_2368 = arith.extui %eq3A_2367 : vector<256x128xi1> to vector<256x128xi32>
    %convert_element_type3A_2369 = arith.sitofp %convert_element_type3A_2368 : vector<256x128xi32> to vector<256x128xf32>
    %convert_element_type3A_2370 = arith.truncf %convert_element_type3A_2369 : vector<256x128xf32> to vector<256x128xbf16>
    %concatenate3A_2371 = tpu.concatenate %convert_element_type3A_2363, %convert_element_type3A_2364, %convert_element_type3A_2370 in 1 : vector<256x128xbf16>, vector<256x128xbf16>, vector<256x128xbf16> -> vector<256x384xbf16>
    %slice3A_2372 = vector.extract_strided_slice %slice3A_39 {offsets = [0, 13], sizes = [256, 1], strides = [1, 1]} : vector<256x16xi32> to vector<256x1xi32>
    %eq3A_2373 = vector.broadcast %slice3A_2372 : vector<256x1xi32> to vector<256x128xi32>
    %eq3A_2374 = arith.cmpi eq, %iota3A_23, %eq3A_2373 : vector<256x128xi32>
    %convert_element_type3A_2375 = arith.extui %eq3A_2374 : vector<256x128xi1> to vector<256x128xi32>
    %convert_element_type3A_2376 = arith.sitofp %convert_element_type3A_2375 : vector<256x128xi32> to vector<256x128xf32>
    %convert_element_type3A_2377 = arith.truncf %convert_element_type3A_2376 : vector<256x128xf32> to vector<256x128xbf16>
    %convert_element_type3A_2378 = arith.truncf %mul3A_2329 : vector<256x128xf32> to vector<256x128xbf16>
    %slice3A_2379 = vector.extract_strided_slice %slice3A_39 {offsets = [0, 2], sizes = [256, 1], strides = [1, 1]} : vector<256x16xi32> to vector<256x1xi32>
    %eq3A_2380 = vector.broadcast %slice3A_2379 : vector<256x1xi32> to vector<256x128xi32>
    %eq3A_2381 = arith.cmpi eq, %iota3A_23, %eq3A_2380 : vector<256x128xi32>
    %convert_element_type3A_2382 = arith.extui %eq3A_2381 : vector<256x128xi1> to vector<256x128xi32>
    %convert_element_type3A_2383 = arith.sitofp %convert_element_type3A_2382 : vector<256x128xi32> to vector<256x128xf32>
    %convert_element_type3A_2384 = arith.truncf %convert_element_type3A_2383 : vector<256x128xf32> to vector<256x128xbf16>
    %concatenate3A_2385 = tpu.concatenate %convert_element_type3A_2377, %convert_element_type3A_2378, %convert_element_type3A_2384 in 1 : vector<256x128xbf16>, vector<256x128xbf16>, vector<256x128xbf16> -> vector<256x384xbf16>
    %dot_general3A_2386 = arith.constant dense<0.000000e+00> : vector<256x512xf32>
    %dot_general3A_2387 = tpu.matmul %concatenate3A_2343, %convert_element_type3A, %dot_general3A_2386 {dimension_numbers = #tpu.dot_dimension_numbers<[1], [0], [0], [1], [0, 0, 1, 1], [], []>, transpose_lhs_hint = false} : vector<256x384xbf16>, vector<384x512xbf16>, vector<256x512xf32> -> vector<256x512xf32>
    %tanh3A_2388 = math.tanh %dot_general3A_2387 : vector<256x512xf32>
    %dot_general3A_2389 = arith.constant dense<0.000000e+00> : vector<256x512xf32>
    %dot_general3A_2390 = tpu.matmul %concatenate3A_2357, %convert_element_type3A, %dot_general3A_2389 {dimension_numbers = #tpu.dot_dimension_numbers<[1], [0], [0], [1], [0, 0, 1, 1], [], []>, transpose_lhs_hint = false} : vector<256x384xbf16>, vector<384x512xbf16>, vector<256x512xf32> -> vector<256x512xf32>
    %tanh3A_2391 = math.tanh %dot_general3A_2390 : vector<256x512xf32>
    %dot_general3A_2392 = arith.constant dense<0.000000e+00> : vector<256x512xf32>
    %dot_general3A_2393 = tpu.matmul %concatenate3A_2371, %convert_element_type3A, %dot_general3A_2392 {dimension_numbers = #tpu.dot_dimension_numbers<[1], [0], [0], [1], [0, 0, 1, 1], [], []>, transpose_lhs_hint = false} : vector<256x384xbf16>, vector<384x512xbf16>, vector<256x512xf32> -> vector<256x512xf32>
    %tanh3A_2394 = math.tanh %dot_general3A_2393 : vector<256x512xf32>
    %dot_general3A_2395 = arith.constant dense<0.000000e+00> : vector<256x512xf32>
    %dot_general3A_2396 = tpu.matmul %concatenate3A_2385, %convert_element_type3A, %dot_general3A_2395 {dimension_numbers = #tpu.dot_dimension_numbers<[1], [0], [0], [1], [0, 0, 1, 1], [], []>, transpose_lhs_hint = false} : vector<256x384xbf16>, vector<384x512xbf16>, vector<256x512xf32> -> vector<256x512xf32>
    %tanh3A_2397 = math.tanh %dot_general3A_2396 : vector<256x512xf32>
    %slice3A_2398 = vector.extract_strided_slice %tanh3A_2388 {offsets = [0, 0], sizes = [256, 128], strides = [1, 1]} : vector<256x512xf32> to vector<256x128xf32>
    %mul3A_2399 = arith.constant 5.000000e-01 : f32
    %mul3A_2400 = vector.broadcast %mul3A_2399 : f32 to vector<256x128xf32>
    %mul3A_2401 = arith.mulf %mul3A_2400, %slice3A_2398 : vector<256x128xf32>
    %add3A_2402 = arith.constant 5.000000e-01 : f32
    %add3A_2403 = vector.broadcast %add3A_2402 : f32 to vector<256x128xf32>
    %add3A_2404 = arith.addf %add3A_2403, %mul3A_2401 : vector<256x128xf32>
    %slice3A_2405 = vector.extract_strided_slice %tanh3A_2388 {offsets = [0, 128], sizes = [256, 128], strides = [1, 1]} : vector<256x512xf32> to vector<256x128xf32>
    %mul3A_2406 = arith.constant 5.000000e-01 : f32
    %mul3A_2407 = vector.broadcast %mul3A_2406 : f32 to vector<256x128xf32>
    %mul3A_2408 = arith.mulf %mul3A_2407, %slice3A_2405 : vector<256x128xf32>
    %add3A_2409 = arith.constant 5.000000e-01 : f32
    %add3A_2410 = vector.broadcast %add3A_2409 : f32 to vector<256x128xf32>
    %add3A_2411 = arith.addf %add3A_2410, %mul3A_2408 : vector<256x128xf32>
    %slice3A_2412 = vector.extract_strided_slice %tanh3A_2388 {offsets = [0, 256], sizes = [256, 128], strides = [1, 1]} : vector<256x512xf32> to vector<256x128xf32>
    %slice3A_2413 = vector.extract_strided_slice %tanh3A_2388 {offsets = [0, 384], sizes = [256, 128], strides = [1, 1]} : vector<256x512xf32> to vector<256x128xf32>
    %mul3A_2414 = arith.constant 5.000000e-01 : f32
    %mul3A_2415 = vector.broadcast %mul3A_2414 : f32 to vector<256x128xf32>
    %mul3A_2416 = arith.mulf %mul3A_2415, %slice3A_2413 : vector<256x128xf32>
    %add3A_2417 = arith.constant 5.000000e-01 : f32
    %add3A_2418 = vector.broadcast %add3A_2417 : f32 to vector<256x128xf32>
    %add3A_2419 = arith.addf %add3A_2418, %mul3A_2416 : vector<256x128xf32>
    %mul3A_2420 = arith.mulf %add3A_2411, %add3A_2246 : vector<256x128xf32>
    %mul3A_2421 = arith.mulf %add3A_2404, %slice3A_2412 : vector<256x128xf32>
    %add3A_2422 = arith.addf %mul3A_2420, %mul3A_2421 : vector<256x128xf32>
    %tanh3A_2423 = math.tanh %add3A_2422 : vector<256x128xf32>
    %mul3A_2424 = arith.mulf %add3A_2419, %tanh3A_2423 : vector<256x128xf32>
    %slice3A_2425 = vector.extract_strided_slice %tanh3A_2391 {offsets = [0, 0], sizes = [256, 128], strides = [1, 1]} : vector<256x512xf32> to vector<256x128xf32>
    %mul3A_2426 = arith.constant 5.000000e-01 : f32
    %mul3A_2427 = vector.broadcast %mul3A_2426 : f32 to vector<256x128xf32>
    %mul3A_2428 = arith.mulf %mul3A_2427, %slice3A_2425 : vector<256x128xf32>
    %add3A_2429 = arith.constant 5.000000e-01 : f32
    %add3A_2430 = vector.broadcast %add3A_2429 : f32 to vector<256x128xf32>
    %add3A_2431 = arith.addf %add3A_2430, %mul3A_2428 : vector<256x128xf32>
    %slice3A_2432 = vector.extract_strided_slice %tanh3A_2391 {offsets = [0, 128], sizes = [256, 128], strides = [1, 1]} : vector<256x512xf32> to vector<256x128xf32>
    %mul3A_2433 = arith.constant 5.000000e-01 : f32
    %mul3A_2434 = vector.broadcast %mul3A_2433 : f32 to vector<256x128xf32>
    %mul3A_2435 = arith.mulf %mul3A_2434, %slice3A_2432 : vector<256x128xf32>
    %add3A_2436 = arith.constant 5.000000e-01 : f32
    %add3A_2437 = vector.broadcast %add3A_2436 : f32 to vector<256x128xf32>
    %add3A_2438 = arith.addf %add3A_2437, %mul3A_2435 : vector<256x128xf32>
    %slice3A_2439 = vector.extract_strided_slice %tanh3A_2391 {offsets = [0, 256], sizes = [256, 128], strides = [1, 1]} : vector<256x512xf32> to vector<256x128xf32>
    %slice3A_2440 = vector.extract_strided_slice %tanh3A_2391 {offsets = [0, 384], sizes = [256, 128], strides = [1, 1]} : vector<256x512xf32> to vector<256x128xf32>
    %mul3A_2441 = arith.constant 5.000000e-01 : f32
    %mul3A_2442 = vector.broadcast %mul3A_2441 : f32 to vector<256x128xf32>
    %mul3A_2443 = arith.mulf %mul3A_2442, %slice3A_2440 : vector<256x128xf32>
    %add3A_2444 = arith.constant 5.000000e-01 : f32
    %add3A_2445 = vector.broadcast %add3A_2444 : f32 to vector<256x128xf32>
    %add3A_2446 = arith.addf %add3A_2445, %mul3A_2443 : vector<256x128xf32>
    %mul3A_2447 = arith.mulf %add3A_2438, %add3A_2273 : vector<256x128xf32>
    %mul3A_2448 = arith.mulf %add3A_2431, %slice3A_2439 : vector<256x128xf32>
    %add3A_2449 = arith.addf %mul3A_2447, %mul3A_2448 : vector<256x128xf32>
    %tanh3A_2450 = math.tanh %add3A_2449 : vector<256x128xf32>
    %mul3A_2451 = arith.mulf %add3A_2446, %tanh3A_2450 : vector<256x128xf32>
    %slice3A_2452 = vector.extract_strided_slice %tanh3A_2394 {offsets = [0, 0], sizes = [256, 128], strides = [1, 1]} : vector<256x512xf32> to vector<256x128xf32>
    %mul3A_2453 = arith.constant 5.000000e-01 : f32
    %mul3A_2454 = vector.broadcast %mul3A_2453 : f32 to vector<256x128xf32>
    %mul3A_2455 = arith.mulf %mul3A_2454, %slice3A_2452 : vector<256x128xf32>
    %add3A_2456 = arith.constant 5.000000e-01 : f32
    %add3A_2457 = vector.broadcast %add3A_2456 : f32 to vector<256x128xf32>
    %add3A_2458 = arith.addf %add3A_2457, %mul3A_2455 : vector<256x128xf32>
    %slice3A_2459 = vector.extract_strided_slice %tanh3A_2394 {offsets = [0, 128], sizes = [256, 128], strides = [1, 1]} : vector<256x512xf32> to vector<256x128xf32>
    %mul3A_2460 = arith.constant 5.000000e-01 : f32
    %mul3A_2461 = vector.broadcast %mul3A_2460 : f32 to vector<256x128xf32>
    %mul3A_2462 = arith.mulf %mul3A_2461, %slice3A_2459 : vector<256x128xf32>
    %add3A_2463 = arith.constant 5.000000e-01 : f32
    %add3A_2464 = vector.broadcast %add3A_2463 : f32 to vector<256x128xf32>
    %add3A_2465 = arith.addf %add3A_2464, %mul3A_2462 : vector<256x128xf32>
    %slice3A_2466 = vector.extract_strided_slice %tanh3A_2394 {offsets = [0, 256], sizes = [256, 128], strides = [1, 1]} : vector<256x512xf32> to vector<256x128xf32>
    %slice3A_2467 = vector.extract_strided_slice %tanh3A_2394 {offsets = [0, 384], sizes = [256, 128], strides = [1, 1]} : vector<256x512xf32> to vector<256x128xf32>
    %mul3A_2468 = arith.constant 5.000000e-01 : f32
    %mul3A_2469 = vector.broadcast %mul3A_2468 : f32 to vector<256x128xf32>
    %mul3A_2470 = arith.mulf %mul3A_2469, %slice3A_2467 : vector<256x128xf32>
    %add3A_2471 = arith.constant 5.000000e-01 : f32
    %add3A_2472 = vector.broadcast %add3A_2471 : f32 to vector<256x128xf32>
    %add3A_2473 = arith.addf %add3A_2472, %mul3A_2470 : vector<256x128xf32>
    %mul3A_2474 = arith.mulf %add3A_2465, %add3A_2300 : vector<256x128xf32>
    %mul3A_2475 = arith.mulf %add3A_2458, %slice3A_2466 : vector<256x128xf32>
    %add3A_2476 = arith.addf %mul3A_2474, %mul3A_2475 : vector<256x128xf32>
    %tanh3A_2477 = math.tanh %add3A_2476 : vector<256x128xf32>
    %mul3A_2478 = arith.mulf %add3A_2473, %tanh3A_2477 : vector<256x128xf32>
    %slice3A_2479 = vector.extract_strided_slice %tanh3A_2397 {offsets = [0, 0], sizes = [256, 128], strides = [1, 1]} : vector<256x512xf32> to vector<256x128xf32>
    %mul3A_2480 = arith.constant 5.000000e-01 : f32
    %mul3A_2481 = vector.broadcast %mul3A_2480 : f32 to vector<256x128xf32>
    %mul3A_2482 = arith.mulf %mul3A_2481, %slice3A_2479 : vector<256x128xf32>
    %add3A_2483 = arith.constant 5.000000e-01 : f32
    %add3A_2484 = vector.broadcast %add3A_2483 : f32 to vector<256x128xf32>
    %add3A_2485 = arith.addf %add3A_2484, %mul3A_2482 : vector<256x128xf32>
    %slice3A_2486 = vector.extract_strided_slice %tanh3A_2397 {offsets = [0, 128], sizes = [256, 128], strides = [1, 1]} : vector<256x512xf32> to vector<256x128xf32>
    %mul3A_2487 = arith.constant 5.000000e-01 : f32
    %mul3A_2488 = vector.broadcast %mul3A_2487 : f32 to vector<256x128xf32>
    %mul3A_2489 = arith.mulf %mul3A_2488, %slice3A_2486 : vector<256x128xf32>
    %add3A_2490 = arith.constant 5.000000e-01 : f32
    %add3A_2491 = vector.broadcast %add3A_2490 : f32 to vector<256x128xf32>
    %add3A_2492 = arith.addf %add3A_2491, %mul3A_2489 : vector<256x128xf32>
    %slice3A_2493 = vector.extract_strided_slice %tanh3A_2397 {offsets = [0, 256], sizes = [256, 128], strides = [1, 1]} : vector<256x512xf32> to vector<256x128xf32>
    %slice3A_2494 = vector.extract_strided_slice %tanh3A_2397 {offsets = [0, 384], sizes = [256, 128], strides = [1, 1]} : vector<256x512xf32> to vector<256x128xf32>
    %mul3A_2495 = arith.constant 5.000000e-01 : f32
    %mul3A_2496 = vector.broadcast %mul3A_2495 : f32 to vector<256x128xf32>
    %mul3A_2497 = arith.mulf %mul3A_2496, %slice3A_2494 : vector<256x128xf32>
    %add3A_2498 = arith.constant 5.000000e-01 : f32
    %add3A_2499 = vector.broadcast %add3A_2498 : f32 to vector<256x128xf32>
    %add3A_2500 = arith.addf %add3A_2499, %mul3A_2497 : vector<256x128xf32>
    %mul3A_2501 = arith.mulf %add3A_2492, %add3A_2327 : vector<256x128xf32>
    %mul3A_2502 = arith.mulf %add3A_2485, %slice3A_2493 : vector<256x128xf32>
    %add3A_2503 = arith.addf %mul3A_2501, %mul3A_2502 : vector<256x128xf32>
    %tanh3A_2504 = math.tanh %add3A_2503 : vector<256x128xf32>
    %mul3A_2505 = arith.mulf %add3A_2500, %tanh3A_2504 : vector<256x128xf32>
    %slice3A_2506 = vector.extract_strided_slice %slice3A_24 {offsets = [0, 14], sizes = [256, 1], strides = [1, 1]} : vector<256x16xi32> to vector<256x1xi32>
    %eq3A_2507 = vector.broadcast %slice3A_2506 : vector<256x1xi32> to vector<256x128xi32>
    %eq3A_2508 = arith.cmpi eq, %iota3A_23, %eq3A_2507 : vector<256x128xi32>
    %convert_element_type3A_2509 = arith.extui %eq3A_2508 : vector<256x128xi1> to vector<256x128xi32>
    %convert_element_type3A_2510 = arith.sitofp %convert_element_type3A_2509 : vector<256x128xi32> to vector<256x128xf32>
    %convert_element_type3A_2511 = arith.truncf %convert_element_type3A_2510 : vector<256x128xf32> to vector<256x128xbf16>
    %convert_element_type3A_2512 = arith.truncf %mul3A_2424 : vector<256x128xf32> to vector<256x128xbf16>
    %slice3A_2513 = vector.extract_strided_slice %slice3A_24 {offsets = [0, 1], sizes = [256, 1], strides = [1, 1]} : vector<256x16xi32> to vector<256x1xi32>
    %eq3A_2514 = vector.broadcast %slice3A_2513 : vector<256x1xi32> to vector<256x128xi32>
    %eq3A_2515 = arith.cmpi eq, %iota3A_23, %eq3A_2514 : vector<256x128xi32>
    %convert_element_type3A_2516 = arith.extui %eq3A_2515 : vector<256x128xi1> to vector<256x128xi32>
    %convert_element_type3A_2517 = arith.sitofp %convert_element_type3A_2516 : vector<256x128xi32> to vector<256x128xf32>
    %convert_element_type3A_2518 = arith.truncf %convert_element_type3A_2517 : vector<256x128xf32> to vector<256x128xbf16>
    %concatenate3A_2519 = tpu.concatenate %convert_element_type3A_2511, %convert_element_type3A_2512, %convert_element_type3A_2518 in 1 : vector<256x128xbf16>, vector<256x128xbf16>, vector<256x128xbf16> -> vector<256x384xbf16>
    %slice3A_2520 = vector.extract_strided_slice %slice3A_29 {offsets = [0, 14], sizes = [256, 1], strides = [1, 1]} : vector<256x16xi32> to vector<256x1xi32>
    %eq3A_2521 = vector.broadcast %slice3A_2520 : vector<256x1xi32> to vector<256x128xi32>
    %eq3A_2522 = arith.cmpi eq, %iota3A_23, %eq3A_2521 : vector<256x128xi32>
    %convert_element_type3A_2523 = arith.extui %eq3A_2522 : vector<256x128xi1> to vector<256x128xi32>
    %convert_element_type3A_2524 = arith.sitofp %convert_element_type3A_2523 : vector<256x128xi32> to vector<256x128xf32>
    %convert_element_type3A_2525 = arith.truncf %convert_element_type3A_2524 : vector<256x128xf32> to vector<256x128xbf16>
    %convert_element_type3A_2526 = arith.truncf %mul3A_2451 : vector<256x128xf32> to vector<256x128xbf16>
    %slice3A_2527 = vector.extract_strided_slice %slice3A_29 {offsets = [0, 1], sizes = [256, 1], strides = [1, 1]} : vector<256x16xi32> to vector<256x1xi32>
    %eq3A_2528 = vector.broadcast %slice3A_2527 : vector<256x1xi32> to vector<256x128xi32>
    %eq3A_2529 = arith.cmpi eq, %iota3A_23, %eq3A_2528 : vector<256x128xi32>
    %convert_element_type3A_2530 = arith.extui %eq3A_2529 : vector<256x128xi1> to vector<256x128xi32>
    %convert_element_type3A_2531 = arith.sitofp %convert_element_type3A_2530 : vector<256x128xi32> to vector<256x128xf32>
    %convert_element_type3A_2532 = arith.truncf %convert_element_type3A_2531 : vector<256x128xf32> to vector<256x128xbf16>
    %concatenate3A_2533 = tpu.concatenate %convert_element_type3A_2525, %convert_element_type3A_2526, %convert_element_type3A_2532 in 1 : vector<256x128xbf16>, vector<256x128xbf16>, vector<256x128xbf16> -> vector<256x384xbf16>
    %slice3A_2534 = vector.extract_strided_slice %slice3A_34 {offsets = [0, 14], sizes = [256, 1], strides = [1, 1]} : vector<256x16xi32> to vector<256x1xi32>
    %eq3A_2535 = vector.broadcast %slice3A_2534 : vector<256x1xi32> to vector<256x128xi32>
    %eq3A_2536 = arith.cmpi eq, %iota3A_23, %eq3A_2535 : vector<256x128xi32>
    %convert_element_type3A_2537 = arith.extui %eq3A_2536 : vector<256x128xi1> to vector<256x128xi32>
    %convert_element_type3A_2538 = arith.sitofp %convert_element_type3A_2537 : vector<256x128xi32> to vector<256x128xf32>
    %convert_element_type3A_2539 = arith.truncf %convert_element_type3A_2538 : vector<256x128xf32> to vector<256x128xbf16>
    %convert_element_type3A_2540 = arith.truncf %mul3A_2478 : vector<256x128xf32> to vector<256x128xbf16>
    %slice3A_2541 = vector.extract_strided_slice %slice3A_34 {offsets = [0, 1], sizes = [256, 1], strides = [1, 1]} : vector<256x16xi32> to vector<256x1xi32>
    %eq3A_2542 = vector.broadcast %slice3A_2541 : vector<256x1xi32> to vector<256x128xi32>
    %eq3A_2543 = arith.cmpi eq, %iota3A_23, %eq3A_2542 : vector<256x128xi32>
    %convert_element_type3A_2544 = arith.extui %eq3A_2543 : vector<256x128xi1> to vector<256x128xi32>
    %convert_element_type3A_2545 = arith.sitofp %convert_element_type3A_2544 : vector<256x128xi32> to vector<256x128xf32>
    %convert_element_type3A_2546 = arith.truncf %convert_element_type3A_2545 : vector<256x128xf32> to vector<256x128xbf16>
    %concatenate3A_2547 = tpu.concatenate %convert_element_type3A_2539, %convert_element_type3A_2540, %convert_element_type3A_2546 in 1 : vector<256x128xbf16>, vector<256x128xbf16>, vector<256x128xbf16> -> vector<256x384xbf16>
    %slice3A_2548 = vector.extract_strided_slice %slice3A_39 {offsets = [0, 14], sizes = [256, 1], strides = [1, 1]} : vector<256x16xi32> to vector<256x1xi32>
    %eq3A_2549 = vector.broadcast %slice3A_2548 : vector<256x1xi32> to vector<256x128xi32>
    %eq3A_2550 = arith.cmpi eq, %iota3A_23, %eq3A_2549 : vector<256x128xi32>
    %convert_element_type3A_2551 = arith.extui %eq3A_2550 : vector<256x128xi1> to vector<256x128xi32>
    %convert_element_type3A_2552 = arith.sitofp %convert_element_type3A_2551 : vector<256x128xi32> to vector<256x128xf32>
    %convert_element_type3A_2553 = arith.truncf %convert_element_type3A_2552 : vector<256x128xf32> to vector<256x128xbf16>
    %convert_element_type3A_2554 = arith.truncf %mul3A_2505 : vector<256x128xf32> to vector<256x128xbf16>
    %slice3A_2555 = vector.extract_strided_slice %slice3A_39 {offsets = [0, 1], sizes = [256, 1], strides = [1, 1]} : vector<256x16xi32> to vector<256x1xi32>
    %eq3A_2556 = vector.broadcast %slice3A_2555 : vector<256x1xi32> to vector<256x128xi32>
    %eq3A_2557 = arith.cmpi eq, %iota3A_23, %eq3A_2556 : vector<256x128xi32>
    %convert_element_type3A_2558 = arith.extui %eq3A_2557 : vector<256x128xi1> to vector<256x128xi32>
    %convert_element_type3A_2559 = arith.sitofp %convert_element_type3A_2558 : vector<256x128xi32> to vector<256x128xf32>
    %convert_element_type3A_2560 = arith.truncf %convert_element_type3A_2559 : vector<256x128xf32> to vector<256x128xbf16>
    %concatenate3A_2561 = tpu.concatenate %convert_element_type3A_2553, %convert_element_type3A_2554, %convert_element_type3A_2560 in 1 : vector<256x128xbf16>, vector<256x128xbf16>, vector<256x128xbf16> -> vector<256x384xbf16>
    %dot_general3A_2562 = arith.constant dense<0.000000e+00> : vector<256x512xf32>
    %dot_general3A_2563 = tpu.matmul %concatenate3A_2519, %convert_element_type3A, %dot_general3A_2562 {dimension_numbers = #tpu.dot_dimension_numbers<[1], [0], [0], [1], [0, 0, 1, 1], [], []>, transpose_lhs_hint = false} : vector<256x384xbf16>, vector<384x512xbf16>, vector<256x512xf32> -> vector<256x512xf32>
    %tanh3A_2564 = math.tanh %dot_general3A_2563 : vector<256x512xf32>
    %dot_general3A_2565 = arith.constant dense<0.000000e+00> : vector<256x512xf32>
    %dot_general3A_2566 = tpu.matmul %concatenate3A_2533, %convert_element_type3A, %dot_general3A_2565 {dimension_numbers = #tpu.dot_dimension_numbers<[1], [0], [0], [1], [0, 0, 1, 1], [], []>, transpose_lhs_hint = false} : vector<256x384xbf16>, vector<384x512xbf16>, vector<256x512xf32> -> vector<256x512xf32>
    %tanh3A_2567 = math.tanh %dot_general3A_2566 : vector<256x512xf32>
    %dot_general3A_2568 = arith.constant dense<0.000000e+00> : vector<256x512xf32>
    %dot_general3A_2569 = tpu.matmul %concatenate3A_2547, %convert_element_type3A, %dot_general3A_2568 {dimension_numbers = #tpu.dot_dimension_numbers<[1], [0], [0], [1], [0, 0, 1, 1], [], []>, transpose_lhs_hint = false} : vector<256x384xbf16>, vector<384x512xbf16>, vector<256x512xf32> -> vector<256x512xf32>
    %tanh3A_2570 = math.tanh %dot_general3A_2569 : vector<256x512xf32>
    %dot_general3A_2571 = arith.constant dense<0.000000e+00> : vector<256x512xf32>
    %dot_general3A_2572 = tpu.matmul %concatenate3A_2561, %convert_element_type3A, %dot_general3A_2571 {dimension_numbers = #tpu.dot_dimension_numbers<[1], [0], [0], [1], [0, 0, 1, 1], [], []>, transpose_lhs_hint = false} : vector<256x384xbf16>, vector<384x512xbf16>, vector<256x512xf32> -> vector<256x512xf32>
    %tanh3A_2573 = math.tanh %dot_general3A_2572 : vector<256x512xf32>
    %slice3A_2574 = vector.extract_strided_slice %tanh3A_2564 {offsets = [0, 0], sizes = [256, 128], strides = [1, 1]} : vector<256x512xf32> to vector<256x128xf32>
    %mul3A_2575 = arith.constant 5.000000e-01 : f32
    %mul3A_2576 = vector.broadcast %mul3A_2575 : f32 to vector<256x128xf32>
    %mul3A_2577 = arith.mulf %mul3A_2576, %slice3A_2574 : vector<256x128xf32>
    %add3A_2578 = arith.constant 5.000000e-01 : f32
    %add3A_2579 = vector.broadcast %add3A_2578 : f32 to vector<256x128xf32>
    %add3A_2580 = arith.addf %add3A_2579, %mul3A_2577 : vector<256x128xf32>
    %slice3A_2581 = vector.extract_strided_slice %tanh3A_2564 {offsets = [0, 128], sizes = [256, 128], strides = [1, 1]} : vector<256x512xf32> to vector<256x128xf32>
    %mul3A_2582 = arith.constant 5.000000e-01 : f32
    %mul3A_2583 = vector.broadcast %mul3A_2582 : f32 to vector<256x128xf32>
    %mul3A_2584 = arith.mulf %mul3A_2583, %slice3A_2581 : vector<256x128xf32>
    %add3A_2585 = arith.constant 5.000000e-01 : f32
    %add3A_2586 = vector.broadcast %add3A_2585 : f32 to vector<256x128xf32>
    %add3A_2587 = arith.addf %add3A_2586, %mul3A_2584 : vector<256x128xf32>
    %slice3A_2588 = vector.extract_strided_slice %tanh3A_2564 {offsets = [0, 256], sizes = [256, 128], strides = [1, 1]} : vector<256x512xf32> to vector<256x128xf32>
    %slice3A_2589 = vector.extract_strided_slice %tanh3A_2564 {offsets = [0, 384], sizes = [256, 128], strides = [1, 1]} : vector<256x512xf32> to vector<256x128xf32>
    %mul3A_2590 = arith.constant 5.000000e-01 : f32
    %mul3A_2591 = vector.broadcast %mul3A_2590 : f32 to vector<256x128xf32>
    %mul3A_2592 = arith.mulf %mul3A_2591, %slice3A_2589 : vector<256x128xf32>
    %add3A_2593 = arith.constant 5.000000e-01 : f32
    %add3A_2594 = vector.broadcast %add3A_2593 : f32 to vector<256x128xf32>
    %add3A_2595 = arith.addf %add3A_2594, %mul3A_2592 : vector<256x128xf32>
    %mul3A_2596 = arith.mulf %add3A_2587, %add3A_2422 : vector<256x128xf32>
    %mul3A_2597 = arith.mulf %add3A_2580, %slice3A_2588 : vector<256x128xf32>
    %add3A_2598 = arith.addf %mul3A_2596, %mul3A_2597 : vector<256x128xf32>
    %tanh3A_2599 = math.tanh %add3A_2598 : vector<256x128xf32>
    %mul3A_2600 = arith.mulf %add3A_2595, %tanh3A_2599 : vector<256x128xf32>
    %slice3A_2601 = vector.extract_strided_slice %tanh3A_2567 {offsets = [0, 0], sizes = [256, 128], strides = [1, 1]} : vector<256x512xf32> to vector<256x128xf32>
    %mul3A_2602 = arith.constant 5.000000e-01 : f32
    %mul3A_2603 = vector.broadcast %mul3A_2602 : f32 to vector<256x128xf32>
    %mul3A_2604 = arith.mulf %mul3A_2603, %slice3A_2601 : vector<256x128xf32>
    %add3A_2605 = arith.constant 5.000000e-01 : f32
    %add3A_2606 = vector.broadcast %add3A_2605 : f32 to vector<256x128xf32>
    %add3A_2607 = arith.addf %add3A_2606, %mul3A_2604 : vector<256x128xf32>
    %slice3A_2608 = vector.extract_strided_slice %tanh3A_2567 {offsets = [0, 128], sizes = [256, 128], strides = [1, 1]} : vector<256x512xf32> to vector<256x128xf32>
    %mul3A_2609 = arith.constant 5.000000e-01 : f32
    %mul3A_2610 = vector.broadcast %mul3A_2609 : f32 to vector<256x128xf32>
    %mul3A_2611 = arith.mulf %mul3A_2610, %slice3A_2608 : vector<256x128xf32>
    %add3A_2612 = arith.constant 5.000000e-01 : f32
    %add3A_2613 = vector.broadcast %add3A_2612 : f32 to vector<256x128xf32>
    %add3A_2614 = arith.addf %add3A_2613, %mul3A_2611 : vector<256x128xf32>
    %slice3A_2615 = vector.extract_strided_slice %tanh3A_2567 {offsets = [0, 256], sizes = [256, 128], strides = [1, 1]} : vector<256x512xf32> to vector<256x128xf32>
    %slice3A_2616 = vector.extract_strided_slice %tanh3A_2567 {offsets = [0, 384], sizes = [256, 128], strides = [1, 1]} : vector<256x512xf32> to vector<256x128xf32>
    %mul3A_2617 = arith.constant 5.000000e-01 : f32
    %mul3A_2618 = vector.broadcast %mul3A_2617 : f32 to vector<256x128xf32>
    %mul3A_2619 = arith.mulf %mul3A_2618, %slice3A_2616 : vector<256x128xf32>
    %add3A_2620 = arith.constant 5.000000e-01 : f32
    %add3A_2621 = vector.broadcast %add3A_2620 : f32 to vector<256x128xf32>
    %add3A_2622 = arith.addf %add3A_2621, %mul3A_2619 : vector<256x128xf32>
    %mul3A_2623 = arith.mulf %add3A_2614, %add3A_2449 : vector<256x128xf32>
    %mul3A_2624 = arith.mulf %add3A_2607, %slice3A_2615 : vector<256x128xf32>
    %add3A_2625 = arith.addf %mul3A_2623, %mul3A_2624 : vector<256x128xf32>
    %tanh3A_2626 = math.tanh %add3A_2625 : vector<256x128xf32>
    %mul3A_2627 = arith.mulf %add3A_2622, %tanh3A_2626 : vector<256x128xf32>
    %slice3A_2628 = vector.extract_strided_slice %tanh3A_2570 {offsets = [0, 0], sizes = [256, 128], strides = [1, 1]} : vector<256x512xf32> to vector<256x128xf32>
    %mul3A_2629 = arith.constant 5.000000e-01 : f32
    %mul3A_2630 = vector.broadcast %mul3A_2629 : f32 to vector<256x128xf32>
    %mul3A_2631 = arith.mulf %mul3A_2630, %slice3A_2628 : vector<256x128xf32>
    %add3A_2632 = arith.constant 5.000000e-01 : f32
    %add3A_2633 = vector.broadcast %add3A_2632 : f32 to vector<256x128xf32>
    %add3A_2634 = arith.addf %add3A_2633, %mul3A_2631 : vector<256x128xf32>
    %slice3A_2635 = vector.extract_strided_slice %tanh3A_2570 {offsets = [0, 128], sizes = [256, 128], strides = [1, 1]} : vector<256x512xf32> to vector<256x128xf32>
    %mul3A_2636 = arith.constant 5.000000e-01 : f32
    %mul3A_2637 = vector.broadcast %mul3A_2636 : f32 to vector<256x128xf32>
    %mul3A_2638 = arith.mulf %mul3A_2637, %slice3A_2635 : vector<256x128xf32>
    %add3A_2639 = arith.constant 5.000000e-01 : f32
    %add3A_2640 = vector.broadcast %add3A_2639 : f32 to vector<256x128xf32>
    %add3A_2641 = arith.addf %add3A_2640, %mul3A_2638 : vector<256x128xf32>
    %slice3A_2642 = vector.extract_strided_slice %tanh3A_2570 {offsets = [0, 256], sizes = [256, 128], strides = [1, 1]} : vector<256x512xf32> to vector<256x128xf32>
    %slice3A_2643 = vector.extract_strided_slice %tanh3A_2570 {offsets = [0, 384], sizes = [256, 128], strides = [1, 1]} : vector<256x512xf32> to vector<256x128xf32>
    %mul3A_2644 = arith.constant 5.000000e-01 : f32
    %mul3A_2645 = vector.broadcast %mul3A_2644 : f32 to vector<256x128xf32>
    %mul3A_2646 = arith.mulf %mul3A_2645, %slice3A_2643 : vector<256x128xf32>
    %add3A_2647 = arith.constant 5.000000e-01 : f32
    %add3A_2648 = vector.broadcast %add3A_2647 : f32 to vector<256x128xf32>
    %add3A_2649 = arith.addf %add3A_2648, %mul3A_2646 : vector<256x128xf32>
    %mul3A_2650 = arith.mulf %add3A_2641, %add3A_2476 : vector<256x128xf32>
    %mul3A_2651 = arith.mulf %add3A_2634, %slice3A_2642 : vector<256x128xf32>
    %add3A_2652 = arith.addf %mul3A_2650, %mul3A_2651 : vector<256x128xf32>
    %tanh3A_2653 = math.tanh %add3A_2652 : vector<256x128xf32>
    %mul3A_2654 = arith.mulf %add3A_2649, %tanh3A_2653 : vector<256x128xf32>
    %slice3A_2655 = vector.extract_strided_slice %tanh3A_2573 {offsets = [0, 0], sizes = [256, 128], strides = [1, 1]} : vector<256x512xf32> to vector<256x128xf32>
    %mul3A_2656 = arith.constant 5.000000e-01 : f32
    %mul3A_2657 = vector.broadcast %mul3A_2656 : f32 to vector<256x128xf32>
    %mul3A_2658 = arith.mulf %mul3A_2657, %slice3A_2655 : vector<256x128xf32>
    %add3A_2659 = arith.constant 5.000000e-01 : f32
    %add3A_2660 = vector.broadcast %add3A_2659 : f32 to vector<256x128xf32>
    %add3A_2661 = arith.addf %add3A_2660, %mul3A_2658 : vector<256x128xf32>
    %slice3A_2662 = vector.extract_strided_slice %tanh3A_2573 {offsets = [0, 128], sizes = [256, 128], strides = [1, 1]} : vector<256x512xf32> to vector<256x128xf32>
    %mul3A_2663 = arith.constant 5.000000e-01 : f32
    %mul3A_2664 = vector.broadcast %mul3A_2663 : f32 to vector<256x128xf32>
    %mul3A_2665 = arith.mulf %mul3A_2664, %slice3A_2662 : vector<256x128xf32>
    %add3A_2666 = arith.constant 5.000000e-01 : f32
    %add3A_2667 = vector.broadcast %add3A_2666 : f32 to vector<256x128xf32>
    %add3A_2668 = arith.addf %add3A_2667, %mul3A_2665 : vector<256x128xf32>
    %slice3A_2669 = vector.extract_strided_slice %tanh3A_2573 {offsets = [0, 256], sizes = [256, 128], strides = [1, 1]} : vector<256x512xf32> to vector<256x128xf32>
    %slice3A_2670 = vector.extract_strided_slice %tanh3A_2573 {offsets = [0, 384], sizes = [256, 128], strides = [1, 1]} : vector<256x512xf32> to vector<256x128xf32>
    %mul3A_2671 = arith.constant 5.000000e-01 : f32
    %mul3A_2672 = vector.broadcast %mul3A_2671 : f32 to vector<256x128xf32>
    %mul3A_2673 = arith.mulf %mul3A_2672, %slice3A_2670 : vector<256x128xf32>
    %add3A_2674 = arith.constant 5.000000e-01 : f32
    %add3A_2675 = vector.broadcast %add3A_2674 : f32 to vector<256x128xf32>
    %add3A_2676 = arith.addf %add3A_2675, %mul3A_2673 : vector<256x128xf32>
    %mul3A_2677 = arith.mulf %add3A_2668, %add3A_2503 : vector<256x128xf32>
    %mul3A_2678 = arith.mulf %add3A_2661, %slice3A_2669 : vector<256x128xf32>
    %add3A_2679 = arith.addf %mul3A_2677, %mul3A_2678 : vector<256x128xf32>
    %tanh3A_2680 = math.tanh %add3A_2679 : vector<256x128xf32>
    %mul3A_2681 = arith.mulf %add3A_2676, %tanh3A_2680 : vector<256x128xf32>
    %slice3A_2682 = vector.extract_strided_slice %slice3A_24 {offsets = [0, 15], sizes = [256, 1], strides = [1, 1]} : vector<256x16xi32> to vector<256x1xi32>
    %eq3A_2683 = vector.broadcast %slice3A_2682 : vector<256x1xi32> to vector<256x128xi32>
    %eq3A_2684 = arith.cmpi eq, %iota3A_23, %eq3A_2683 : vector<256x128xi32>
    %convert_element_type3A_2685 = arith.extui %eq3A_2684 : vector<256x128xi1> to vector<256x128xi32>
    %convert_element_type3A_2686 = arith.sitofp %convert_element_type3A_2685 : vector<256x128xi32> to vector<256x128xf32>
    %convert_element_type3A_2687 = arith.truncf %convert_element_type3A_2686 : vector<256x128xf32> to vector<256x128xbf16>
    %convert_element_type3A_2688 = arith.truncf %mul3A_2600 : vector<256x128xf32> to vector<256x128xbf16>
    %slice3A_2689 = vector.extract_strided_slice %slice3A_24 {offsets = [0, 0], sizes = [256, 1], strides = [1, 1]} : vector<256x16xi32> to vector<256x1xi32>
    %eq3A_2690 = vector.broadcast %slice3A_2689 : vector<256x1xi32> to vector<256x128xi32>
    %eq3A_2691 = arith.cmpi eq, %iota3A_23, %eq3A_2690 : vector<256x128xi32>
    %convert_element_type3A_2692 = arith.extui %eq3A_2691 : vector<256x128xi1> to vector<256x128xi32>
    %convert_element_type3A_2693 = arith.sitofp %convert_element_type3A_2692 : vector<256x128xi32> to vector<256x128xf32>
    %convert_element_type3A_2694 = arith.truncf %convert_element_type3A_2693 : vector<256x128xf32> to vector<256x128xbf16>
    %concatenate3A_2695 = tpu.concatenate %convert_element_type3A_2687, %convert_element_type3A_2688, %convert_element_type3A_2694 in 1 : vector<256x128xbf16>, vector<256x128xbf16>, vector<256x128xbf16> -> vector<256x384xbf16>
    %slice3A_2696 = vector.extract_strided_slice %slice3A_29 {offsets = [0, 15], sizes = [256, 1], strides = [1, 1]} : vector<256x16xi32> to vector<256x1xi32>
    %eq3A_2697 = vector.broadcast %slice3A_2696 : vector<256x1xi32> to vector<256x128xi32>
    %eq3A_2698 = arith.cmpi eq, %iota3A_23, %eq3A_2697 : vector<256x128xi32>
    %convert_element_type3A_2699 = arith.extui %eq3A_2698 : vector<256x128xi1> to vector<256x128xi32>
    %convert_element_type3A_2700 = arith.sitofp %convert_element_type3A_2699 : vector<256x128xi32> to vector<256x128xf32>
    %convert_element_type3A_2701 = arith.truncf %convert_element_type3A_2700 : vector<256x128xf32> to vector<256x128xbf16>
    %convert_element_type3A_2702 = arith.truncf %mul3A_2627 : vector<256x128xf32> to vector<256x128xbf16>
    %slice3A_2703 = vector.extract_strided_slice %slice3A_29 {offsets = [0, 0], sizes = [256, 1], strides = [1, 1]} : vector<256x16xi32> to vector<256x1xi32>
    %eq3A_2704 = vector.broadcast %slice3A_2703 : vector<256x1xi32> to vector<256x128xi32>
    %eq3A_2705 = arith.cmpi eq, %iota3A_23, %eq3A_2704 : vector<256x128xi32>
    %convert_element_type3A_2706 = arith.extui %eq3A_2705 : vector<256x128xi1> to vector<256x128xi32>
    %convert_element_type3A_2707 = arith.sitofp %convert_element_type3A_2706 : vector<256x128xi32> to vector<256x128xf32>
    %convert_element_type3A_2708 = arith.truncf %convert_element_type3A_2707 : vector<256x128xf32> to vector<256x128xbf16>
    %concatenate3A_2709 = tpu.concatenate %convert_element_type3A_2701, %convert_element_type3A_2702, %convert_element_type3A_2708 in 1 : vector<256x128xbf16>, vector<256x128xbf16>, vector<256x128xbf16> -> vector<256x384xbf16>
    %slice3A_2710 = vector.extract_strided_slice %slice3A_34 {offsets = [0, 15], sizes = [256, 1], strides = [1, 1]} : vector<256x16xi32> to vector<256x1xi32>
    %eq3A_2711 = vector.broadcast %slice3A_2710 : vector<256x1xi32> to vector<256x128xi32>
    %eq3A_2712 = arith.cmpi eq, %iota3A_23, %eq3A_2711 : vector<256x128xi32>
    %convert_element_type3A_2713 = arith.extui %eq3A_2712 : vector<256x128xi1> to vector<256x128xi32>
    %convert_element_type3A_2714 = arith.sitofp %convert_element_type3A_2713 : vector<256x128xi32> to vector<256x128xf32>
    %convert_element_type3A_2715 = arith.truncf %convert_element_type3A_2714 : vector<256x128xf32> to vector<256x128xbf16>
    %convert_element_type3A_2716 = arith.truncf %mul3A_2654 : vector<256x128xf32> to vector<256x128xbf16>
    %slice3A_2717 = vector.extract_strided_slice %slice3A_34 {offsets = [0, 0], sizes = [256, 1], strides = [1, 1]} : vector<256x16xi32> to vector<256x1xi32>
    %eq3A_2718 = vector.broadcast %slice3A_2717 : vector<256x1xi32> to vector<256x128xi32>
    %eq3A_2719 = arith.cmpi eq, %iota3A_23, %eq3A_2718 : vector<256x128xi32>
    %convert_element_type3A_2720 = arith.extui %eq3A_2719 : vector<256x128xi1> to vector<256x128xi32>
    %convert_element_type3A_2721 = arith.sitofp %convert_element_type3A_2720 : vector<256x128xi32> to vector<256x128xf32>
    %convert_element_type3A_2722 = arith.truncf %convert_element_type3A_2721 : vector<256x128xf32> to vector<256x128xbf16>
    %concatenate3A_2723 = tpu.concatenate %convert_element_type3A_2715, %convert_element_type3A_2716, %convert_element_type3A_2722 in 1 : vector<256x128xbf16>, vector<256x128xbf16>, vector<256x128xbf16> -> vector<256x384xbf16>
    %slice3A_2724 = vector.extract_strided_slice %slice3A_39 {offsets = [0, 15], sizes = [256, 1], strides = [1, 1]} : vector<256x16xi32> to vector<256x1xi32>
    %eq3A_2725 = vector.broadcast %slice3A_2724 : vector<256x1xi32> to vector<256x128xi32>
    %eq3A_2726 = arith.cmpi eq, %iota3A_23, %eq3A_2725 : vector<256x128xi32>
    %convert_element_type3A_2727 = arith.extui %eq3A_2726 : vector<256x128xi1> to vector<256x128xi32>
    %convert_element_type3A_2728 = arith.sitofp %convert_element_type3A_2727 : vector<256x128xi32> to vector<256x128xf32>
    %convert_element_type3A_2729 = arith.truncf %convert_element_type3A_2728 : vector<256x128xf32> to vector<256x128xbf16>
    %convert_element_type3A_2730 = arith.truncf %mul3A_2681 : vector<256x128xf32> to vector<256x128xbf16>
    %slice3A_2731 = vector.extract_strided_slice %slice3A_39 {offsets = [0, 0], sizes = [256, 1], strides = [1, 1]} : vector<256x16xi32> to vector<256x1xi32>
    %eq3A_2732 = vector.broadcast %slice3A_2731 : vector<256x1xi32> to vector<256x128xi32>
    %eq3A_2733 = arith.cmpi eq, %iota3A_23, %eq3A_2732 : vector<256x128xi32>
    %convert_element_type3A_2734 = arith.extui %eq3A_2733 : vector<256x128xi1> to vector<256x128xi32>
    %convert_element_type3A_2735 = arith.sitofp %convert_element_type3A_2734 : vector<256x128xi32> to vector<256x128xf32>
    %convert_element_type3A_2736 = arith.truncf %convert_element_type3A_2735 : vector<256x128xf32> to vector<256x128xbf16>
    %concatenate3A_2737 = tpu.concatenate %convert_element_type3A_2729, %convert_element_type3A_2730, %convert_element_type3A_2736 in 1 : vector<256x128xbf16>, vector<256x128xbf16>, vector<256x128xbf16> -> vector<256x384xbf16>
    %dot_general3A_2738 = arith.constant dense<0.000000e+00> : vector<256x512xf32>
    %dot_general3A_2739 = tpu.matmul %concatenate3A_2695, %convert_element_type3A, %dot_general3A_2738 {dimension_numbers = #tpu.dot_dimension_numbers<[1], [0], [0], [1], [0, 0, 1, 1], [], []>, transpose_lhs_hint = false} : vector<256x384xbf16>, vector<384x512xbf16>, vector<256x512xf32> -> vector<256x512xf32>
    %tanh3A_2740 = math.tanh %dot_general3A_2739 : vector<256x512xf32>
    %dot_general3A_2741 = arith.constant dense<0.000000e+00> : vector<256x512xf32>
    %dot_general3A_2742 = tpu.matmul %concatenate3A_2709, %convert_element_type3A, %dot_general3A_2741 {dimension_numbers = #tpu.dot_dimension_numbers<[1], [0], [0], [1], [0, 0, 1, 1], [], []>, transpose_lhs_hint = false} : vector<256x384xbf16>, vector<384x512xbf16>, vector<256x512xf32> -> vector<256x512xf32>
    %tanh3A_2743 = math.tanh %dot_general3A_2742 : vector<256x512xf32>
    %dot_general3A_2744 = arith.constant dense<0.000000e+00> : vector<256x512xf32>
    %dot_general3A_2745 = tpu.matmul %concatenate3A_2723, %convert_element_type3A, %dot_general3A_2744 {dimension_numbers = #tpu.dot_dimension_numbers<[1], [0], [0], [1], [0, 0, 1, 1], [], []>, transpose_lhs_hint = false} : vector<256x384xbf16>, vector<384x512xbf16>, vector<256x512xf32> -> vector<256x512xf32>
    %tanh3A_2746 = math.tanh %dot_general3A_2745 : vector<256x512xf32>
    %dot_general3A_2747 = arith.constant dense<0.000000e+00> : vector<256x512xf32>
    %dot_general3A_2748 = tpu.matmul %concatenate3A_2737, %convert_element_type3A, %dot_general3A_2747 {dimension_numbers = #tpu.dot_dimension_numbers<[1], [0], [0], [1], [0, 0, 1, 1], [], []>, transpose_lhs_hint = false} : vector<256x384xbf16>, vector<384x512xbf16>, vector<256x512xf32> -> vector<256x512xf32>
    %tanh3A_2749 = math.tanh %dot_general3A_2748 : vector<256x512xf32>
    %slice3A_2750 = vector.extract_strided_slice %tanh3A_2740 {offsets = [0, 0], sizes = [256, 128], strides = [1, 1]} : vector<256x512xf32> to vector<256x128xf32>
    %mul3A_2751 = arith.constant 5.000000e-01 : f32
    %mul3A_2752 = vector.broadcast %mul3A_2751 : f32 to vector<256x128xf32>
    %mul3A_2753 = arith.mulf %mul3A_2752, %slice3A_2750 : vector<256x128xf32>
    %add3A_2754 = arith.constant 5.000000e-01 : f32
    %add3A_2755 = vector.broadcast %add3A_2754 : f32 to vector<256x128xf32>
    %add3A_2756 = arith.addf %add3A_2755, %mul3A_2753 : vector<256x128xf32>
    %slice3A_2757 = vector.extract_strided_slice %tanh3A_2740 {offsets = [0, 128], sizes = [256, 128], strides = [1, 1]} : vector<256x512xf32> to vector<256x128xf32>
    %mul3A_2758 = arith.constant 5.000000e-01 : f32
    %mul3A_2759 = vector.broadcast %mul3A_2758 : f32 to vector<256x128xf32>
    %mul3A_2760 = arith.mulf %mul3A_2759, %slice3A_2757 : vector<256x128xf32>
    %add3A_2761 = arith.constant 5.000000e-01 : f32
    %add3A_2762 = vector.broadcast %add3A_2761 : f32 to vector<256x128xf32>
    %add3A_2763 = arith.addf %add3A_2762, %mul3A_2760 : vector<256x128xf32>
    %slice3A_2764 = vector.extract_strided_slice %tanh3A_2740 {offsets = [0, 256], sizes = [256, 128], strides = [1, 1]} : vector<256x512xf32> to vector<256x128xf32>
    %slice3A_2765 = vector.extract_strided_slice %tanh3A_2740 {offsets = [0, 384], sizes = [256, 128], strides = [1, 1]} : vector<256x512xf32> to vector<256x128xf32>
    %mul3A_2766 = arith.constant 5.000000e-01 : f32
    %mul3A_2767 = vector.broadcast %mul3A_2766 : f32 to vector<256x128xf32>
    %mul3A_2768 = arith.mulf %mul3A_2767, %slice3A_2765 : vector<256x128xf32>
    %add3A_2769 = arith.constant 5.000000e-01 : f32
    %add3A_2770 = vector.broadcast %add3A_2769 : f32 to vector<256x128xf32>
    %add3A_2771 = arith.addf %add3A_2770, %mul3A_2768 : vector<256x128xf32>
    %mul3A_2772 = arith.mulf %add3A_2763, %add3A_2598 : vector<256x128xf32>
    %mul3A_2773 = arith.mulf %add3A_2756, %slice3A_2764 : vector<256x128xf32>
    %add3A_2774 = arith.addf %mul3A_2772, %mul3A_2773 : vector<256x128xf32>
    %tanh3A_2775 = math.tanh %add3A_2774 : vector<256x128xf32>
    %mul3A_2776 = arith.mulf %add3A_2771, %tanh3A_2775 : vector<256x128xf32>
    %slice3A_2777 = vector.extract_strided_slice %tanh3A_2743 {offsets = [0, 0], sizes = [256, 128], strides = [1, 1]} : vector<256x512xf32> to vector<256x128xf32>
    %mul3A_2778 = arith.constant 5.000000e-01 : f32
    %mul3A_2779 = vector.broadcast %mul3A_2778 : f32 to vector<256x128xf32>
    %mul3A_2780 = arith.mulf %mul3A_2779, %slice3A_2777 : vector<256x128xf32>
    %add3A_2781 = arith.constant 5.000000e-01 : f32
    %add3A_2782 = vector.broadcast %add3A_2781 : f32 to vector<256x128xf32>
    %add3A_2783 = arith.addf %add3A_2782, %mul3A_2780 : vector<256x128xf32>
    %slice3A_2784 = vector.extract_strided_slice %tanh3A_2743 {offsets = [0, 128], sizes = [256, 128], strides = [1, 1]} : vector<256x512xf32> to vector<256x128xf32>
    %mul3A_2785 = arith.constant 5.000000e-01 : f32
    %mul3A_2786 = vector.broadcast %mul3A_2785 : f32 to vector<256x128xf32>
    %mul3A_2787 = arith.mulf %mul3A_2786, %slice3A_2784 : vector<256x128xf32>
    %add3A_2788 = arith.constant 5.000000e-01 : f32
    %add3A_2789 = vector.broadcast %add3A_2788 : f32 to vector<256x128xf32>
    %add3A_2790 = arith.addf %add3A_2789, %mul3A_2787 : vector<256x128xf32>
    %slice3A_2791 = vector.extract_strided_slice %tanh3A_2743 {offsets = [0, 256], sizes = [256, 128], strides = [1, 1]} : vector<256x512xf32> to vector<256x128xf32>
    %slice3A_2792 = vector.extract_strided_slice %tanh3A_2743 {offsets = [0, 384], sizes = [256, 128], strides = [1, 1]} : vector<256x512xf32> to vector<256x128xf32>
    %mul3A_2793 = arith.constant 5.000000e-01 : f32
    %mul3A_2794 = vector.broadcast %mul3A_2793 : f32 to vector<256x128xf32>
    %mul3A_2795 = arith.mulf %mul3A_2794, %slice3A_2792 : vector<256x128xf32>
    %add3A_2796 = arith.constant 5.000000e-01 : f32
    %add3A_2797 = vector.broadcast %add3A_2796 : f32 to vector<256x128xf32>
    %add3A_2798 = arith.addf %add3A_2797, %mul3A_2795 : vector<256x128xf32>
    %mul3A_2799 = arith.mulf %add3A_2790, %add3A_2625 : vector<256x128xf32>
    %mul3A_2800 = arith.mulf %add3A_2783, %slice3A_2791 : vector<256x128xf32>
    %add3A_2801 = arith.addf %mul3A_2799, %mul3A_2800 : vector<256x128xf32>
    %tanh3A_2802 = math.tanh %add3A_2801 : vector<256x128xf32>
    %mul3A_2803 = arith.mulf %add3A_2798, %tanh3A_2802 : vector<256x128xf32>
    %slice3A_2804 = vector.extract_strided_slice %tanh3A_2746 {offsets = [0, 0], sizes = [256, 128], strides = [1, 1]} : vector<256x512xf32> to vector<256x128xf32>
    %mul3A_2805 = arith.constant 5.000000e-01 : f32
    %mul3A_2806 = vector.broadcast %mul3A_2805 : f32 to vector<256x128xf32>
    %mul3A_2807 = arith.mulf %mul3A_2806, %slice3A_2804 : vector<256x128xf32>
    %add3A_2808 = arith.constant 5.000000e-01 : f32
    %add3A_2809 = vector.broadcast %add3A_2808 : f32 to vector<256x128xf32>
    %add3A_2810 = arith.addf %add3A_2809, %mul3A_2807 : vector<256x128xf32>
    %slice3A_2811 = vector.extract_strided_slice %tanh3A_2746 {offsets = [0, 128], sizes = [256, 128], strides = [1, 1]} : vector<256x512xf32> to vector<256x128xf32>
    %mul3A_2812 = arith.constant 5.000000e-01 : f32
    %mul3A_2813 = vector.broadcast %mul3A_2812 : f32 to vector<256x128xf32>
    %mul3A_2814 = arith.mulf %mul3A_2813, %slice3A_2811 : vector<256x128xf32>
    %add3A_2815 = arith.constant 5.000000e-01 : f32
    %add3A_2816 = vector.broadcast %add3A_2815 : f32 to vector<256x128xf32>
    %add3A_2817 = arith.addf %add3A_2816, %mul3A_2814 : vector<256x128xf32>
    %slice3A_2818 = vector.extract_strided_slice %tanh3A_2746 {offsets = [0, 256], sizes = [256, 128], strides = [1, 1]} : vector<256x512xf32> to vector<256x128xf32>
    %slice3A_2819 = vector.extract_strided_slice %tanh3A_2746 {offsets = [0, 384], sizes = [256, 128], strides = [1, 1]} : vector<256x512xf32> to vector<256x128xf32>
    %mul3A_2820 = arith.constant 5.000000e-01 : f32
    %mul3A_2821 = vector.broadcast %mul3A_2820 : f32 to vector<256x128xf32>
    %mul3A_2822 = arith.mulf %mul3A_2821, %slice3A_2819 : vector<256x128xf32>
    %add3A_2823 = arith.constant 5.000000e-01 : f32
    %add3A_2824 = vector.broadcast %add3A_2823 : f32 to vector<256x128xf32>
    %add3A_2825 = arith.addf %add3A_2824, %mul3A_2822 : vector<256x128xf32>
    %mul3A_2826 = arith.mulf %add3A_2817, %add3A_2652 : vector<256x128xf32>
    %mul3A_2827 = arith.mulf %add3A_2810, %slice3A_2818 : vector<256x128xf32>
    %add3A_2828 = arith.addf %mul3A_2826, %mul3A_2827 : vector<256x128xf32>
    %tanh3A_2829 = math.tanh %add3A_2828 : vector<256x128xf32>
    %mul3A_2830 = arith.mulf %add3A_2825, %tanh3A_2829 : vector<256x128xf32>
    %slice3A_2831 = vector.extract_strided_slice %tanh3A_2749 {offsets = [0, 0], sizes = [256, 128], strides = [1, 1]} : vector<256x512xf32> to vector<256x128xf32>
    %mul3A_2832 = arith.constant 5.000000e-01 : f32
    %mul3A_2833 = vector.broadcast %mul3A_2832 : f32 to vector<256x128xf32>
    %mul3A_2834 = arith.mulf %mul3A_2833, %slice3A_2831 : vector<256x128xf32>
    %add3A_2835 = arith.constant 5.000000e-01 : f32
    %add3A_2836 = vector.broadcast %add3A_2835 : f32 to vector<256x128xf32>
    %add3A_2837 = arith.addf %add3A_2836, %mul3A_2834 : vector<256x128xf32>
    %slice3A_2838 = vector.extract_strided_slice %tanh3A_2749 {offsets = [0, 128], sizes = [256, 128], strides = [1, 1]} : vector<256x512xf32> to vector<256x128xf32>
    %mul3A_2839 = arith.constant 5.000000e-01 : f32
    %mul3A_2840 = vector.broadcast %mul3A_2839 : f32 to vector<256x128xf32>
    %mul3A_2841 = arith.mulf %mul3A_2840, %slice3A_2838 : vector<256x128xf32>
    %add3A_2842 = arith.constant 5.000000e-01 : f32
    %add3A_2843 = vector.broadcast %add3A_2842 : f32 to vector<256x128xf32>
    %add3A_2844 = arith.addf %add3A_2843, %mul3A_2841 : vector<256x128xf32>
    %slice3A_2845 = vector.extract_strided_slice %tanh3A_2749 {offsets = [0, 256], sizes = [256, 128], strides = [1, 1]} : vector<256x512xf32> to vector<256x128xf32>
    %slice3A_2846 = vector.extract_strided_slice %tanh3A_2749 {offsets = [0, 384], sizes = [256, 128], strides = [1, 1]} : vector<256x512xf32> to vector<256x128xf32>
    %mul3A_2847 = arith.constant 5.000000e-01 : f32
    %mul3A_2848 = vector.broadcast %mul3A_2847 : f32 to vector<256x128xf32>
    %mul3A_2849 = arith.mulf %mul3A_2848, %slice3A_2846 : vector<256x128xf32>
    %add3A_2850 = arith.constant 5.000000e-01 : f32
    %add3A_2851 = vector.broadcast %add3A_2850 : f32 to vector<256x128xf32>
    %add3A_2852 = arith.addf %add3A_2851, %mul3A_2849 : vector<256x128xf32>
    %mul3A_2853 = arith.mulf %add3A_2844, %add3A_2679 : vector<256x128xf32>
    %mul3A_2854 = arith.mulf %add3A_2837, %slice3A_2845 : vector<256x128xf32>
    %add3A_2855 = arith.addf %mul3A_2853, %mul3A_2854 : vector<256x128xf32>
    %tanh3A_2856 = math.tanh %add3A_2855 : vector<256x128xf32>
    %mul3A_2857 = arith.mulf %add3A_2852, %tanh3A_2856 : vector<256x128xf32>
    %concatenate3A_2858 = tpu.concatenate %mul3A_2776, %mul3A_2803, %mul3A_2830, %mul3A_2857 in 0 : vector<256x128xf32>, vector<256x128xf32>, vector<256x128xf32>, vector<256x128xf32> -> vector<1024x128xf32>
    %get3A_2859 = arith.constant 0 : index
    %get3A_2860 = arith.constant 0 : index
    %get3A_2861 = vector.load %arg2[%get3A_2859, %get3A_2860] : memref<1024x128xf32, #tpu.memory_space<vmem>>, vector<1024x128xf32>
    %get3A_2862 = arith.constant 0 : index
    %get3A_2863 = arith.constant 0 : index
    %get3A_2864 = vector.load %arg3[%get3A_2862, %get3A_2863] : memref<1024x1xi32, #tpu.memory_space<vmem>>, vector<1024x1xi32>
    %eq3A_2865 = arith.constant 0 : i32
    %eq3A_2866 = vector.broadcast %eq3A_2865 : i32 to vector<1024x1xi32>
    %eq3A_2867 = arith.cmpi eq, %get3A_2864, %eq3A_2866 : vector<1024x1xi32>
    %slice3A_2868 = vector.extract_strided_slice %get3A_2861 {offsets = [0, 0], sizes = [1024, 64], strides = [1, 1]} : vector<1024x128xf32> to vector<1024x64xf32>
    %slice3A_2869 = vector.extract_strided_slice %get3A_2861 {offsets = [0, 64], sizes = [1024, 64], strides = [1, 1]} : vector<1024x128xf32> to vector<1024x64xf32>
    %broadcast_in_dim3A_2870 = vector.shape_cast %eq3A_2867 : vector<1024x1xi1> to vector<1024x1xi1>
    %broadcast_in_dim3A_2871 = vector.broadcast %broadcast_in_dim3A_2870 : vector<1024x1xi1> to vector<1024x64xi1>
    %select_n3A_2872 = arith.select %broadcast_in_dim3A_2871, %slice3A_2868, %slice3A_2869 : vector<1024x64xi1>, vector<1024x64xf32>
    %slice3A_2873 = vector.extract_strided_slice %concatenate3A_2858 {offsets = [0, 0], sizes = [1024, 50], strides = [1, 1]} : vector<1024x128xf32> to vector<1024x50xf32>
    %slice3A_2874 = vector.extract_strided_slice %concatenate3A_2858 {offsets = [0, 64], sizes = [1024, 50], strides = [1, 1]} : vector<1024x128xf32> to vector<1024x50xf32>
    %get3A_2875 = arith.constant 0 : index
    %get3A_2876 = arith.constant 0 : index
    %get3A_2877 = vector.load %arg4[%get3A_2875, %get3A_2876] : memref<1024x128xf32, #tpu.memory_space<vmem>>, vector<1024x128xf32>
    %concatenate3A_2878 = tpu.concatenate %select_n3A_2872, %slice3A_2873, %slice3A_2874, %get3A_2877 in 1 : vector<1024x64xf32>, vector<1024x50xf32>, vector<1024x50xf32>, vector<1024x128xf32> -> vector<1024x292xf32>
    %swap3A = arith.constant 0 : index
    %swap3A_2879 = arith.constant 0 : index
    %swap3A_2880 = vector.load %arg9[%swap3A, %swap3A_2879] : memref<1024x292xf32, #tpu.memory_space<vmem>>, vector<1024x292xf32>
    tpu.vector_store %arg9[%swap3A, %swap3A_2879], %concatenate3A_2878 {strides = array<i32>} : memref<1024x292xf32, #tpu.memory_space<vmem>>, vector<1024x292xf32>,
    return
  }
  func.func @transform_0(%arg0: i32) -> (i32, i32) {
    %c0_i32 = arith.constant 0 : i32
    %c0_i32_0 = arith.constant 0 : i32
    return %arg0, %c0_i32 : i32, i32
  }
  func.func @transform_1(%arg0: i32) -> (i32, i32) {
    %c0_i32 = arith.constant 0 : i32
    %c0_i32_0 = arith.constant 0 : i32
    return %arg0, %c0_i32 : i32, i32
  }
  func.func @transform_2(%arg0: i32) -> (i32, i32) {
    %c0_i32 = arith.constant 0 : i32
    %c0_i32_0 = arith.constant 0 : i32
    return %arg0, %c0_i32 : i32, i32
  }
  func.func @transform_3(%arg0: i32) -> (i32, i32) {
    %c0_i32 = arith.constant 0 : i32
    %c0_i32_0 = arith.constant 0 : i32
    return %arg0, %c0_i32 : i32, i32
  }
  func.func @transform_4(%arg0: i32) -> (i32, i32) {
    %c0_i32 = arith.constant 0 : i32
    %c0_i32_0 = arith.constant 0 : i32
    %c0_i32_1 = arith.constant 0 : i32
    return %c0_i32, %c0_i32_0 : i32, i32
  }
  func.func @transform_5(%arg0: i32) -> (i32, i32) {
    %c0_i32 = arith.constant 0 : i32
    %c0_i32_0 = arith.constant 0 : i32
    %c0_i32_1 = arith.constant 0 : i32
    return %c0_i32, %c0_i32_0 : i32, i32
  }
  func.func @transform_6(%arg0: i32) -> (i32, i32) {
    %c0_i32 = arith.constant 0 : i32
    %c0_i32_0 = arith.constant 0 : i32
    %c0_i32_1 = arith.constant 0 : i32
    return %c0_i32, %c0_i32_0 : i32, i32
  }
  func.func @transform_7(%arg0: i32) -> (i32, i32) {
    %c0_i32 = arith.constant 0 : i32
    %c0_i32_0 = arith.constant 0 : i32
    %c0_i32_1 = arith.constant 0 : i32
    return %c0_i32, %c0_i32_0 : i32, i32
  }
  func.func @transform_8(%arg0: i32) -> (i32, i32) {
    %c0_i32 = arith.constant 0 : i32
    %c0_i32_0 = arith.constant 0 : i32
    return %arg0, %c0_i32 : i32, i32
  }
}

</mosaic_0001>

<sc_bundles>
// kernel: kernel.4.cloned.1.call-start
scs
__scs_entry_jumppad:
0x0: {  	(pc) =	sbr.rel $0x88, $3  }
0x1: {  	(tag) =	ssettag $0x0;
	lr =	simm.s32 $0x1  }
0x2: {  	[smem:$0x3F96] =	sst lr;
	_ =	strace $0xD0000000  }
0x3: {  	_ = 	snop  }
0x4: {  	_ = 	snop  }
0x5: {  	_ = 	snop  }
0x6: {  	_ = 	snop  }
0x7: {  	_ = 	snop  }
__scs_overlays_trampoline_lowered:
0x8: {  	[smem:$0x3FA5] =	sst s0  }
0x9: {  	[smem:$0x3FA6] =	sst s1  }
0xa: {  	[smem:$0x3FA7] =	sst s2  }
0xb: {  	[smem:$0x3FA8] =	sst s3  }
0xc: {  	[smem:$0x3FA9] =	sst s4  }
0xd: {  	[smem:$0x3FAA] =	sst s5  }
0xe: {  	[smem:$0x3FAB] =	sst s6  }
0xf: {  	[smem:$0x3FAC] =	sst s7  }
0x10: {  	[smem:$0x3FAD] =	sst s8  }
0x11: {  	[smem:$0x3FAE] =	sst s9;
	s0 =	simm.s32 @!p0 $0x0  }
0x12: {  	s1 =	sld [smem:$0x3F94];
	s0 =	simm.s32 @p0 $0x1  }
0x13: {  	[smem:$0x3FAF] =	sst s0;
	s0 =	simm.s32 @!p1 $0x0  }
0x14: {  	s2 =	sld [smem:$0x3F93];
	s0 =	simm.s32 @p1 $0x1  }
0x15: {  	[smem:$0x3FB0] =	sst s0;
	s0 =	simm.s32 @!p2 $0x0  }
0x16: {  	s3 =	sld [smem:$0x3FDB];
	s0 =	simm.s32 @p2 $0x1  }
0x17: {  	s4 =	simm.s32 $0x1BF5;
	[smem:$0x3FB2] =	sst s0  }
0x18: {  	s0 =	sld [smem:$0x3F95];
	_ =	swait.ge [sflag:s4], $0x0  }
0x19: {  	s7 =	sld [smem:$0x3F96]  }
0x1a: {  	s8 =	sadd.s32 $0xFFFFE003, lr  }
0x1b: {  	s9 =	sadd.s32 $0xFFFFFEF7, lr;
	s5 =	simm.s32 $0xFFFFFFFF;
	p2 =	slt.u32 s8, $0xFFFFF086  }
0x1c: {  	p1 =	slt.u32 s9, $0xF7A;
	s5 =	simm.s32 @!p2 $0x0  }
0x1d: {  	s5 =	simm.s32 @p1 $0x1;
	p0 =	seq.s32 s7, s2  }
0x1e: {  	s7 =	smul.u32 @!p0 $0xF7A, s2;
	p2 =	seq.s32 @!p0 s5, $0x0  }
0x1f: {  	s9 =	smul.u32 $0xF7A, s1;
	s8 =	simm.s32 @!p0 $0x1BF5;
	p2 =	por !p2, p0  }
0x20: {  	[sflag:s8] =	ssyncset.s32 @!p0 $0xFFFFF086;
	s6 =	sadd.s32 @!p0 s3, s7;
	s7 =	simm.s32 @!p0 $0x108  }
0x21: {  	s3 =	sadd.s32 s3, s9;
	s6 =	sadd.s32 @!p0 $0x88, s6;
	s7 =	simm.s32 @p2 $0x1082  }
0x22: {  	[simem:s7], [sflag:s8] =	dma.local @!p0 [hbm:s6], $0xF7A  }
0x23: {  	s9 =	sor.u32 $0xD0000000, s2;
	s6 =	simm.s32 $0x108;
	_ =	swait.ge @!p0 [sflag:s8], $0x0  }
0x24: {  	s3 =	sadd.s32 $0x88, s3;
	s6 =	simm.s32 @!p1 $0x1082;
	[sflag:s4] =	ssyncset.s32 $0xFFFFF086  }
0x25: {  	[simem:s6], [sflag:s4] =	dma.local [hbm:s3], $0xF7A  }
0x26: {  	[smem:$0x3F96] =	sst s1;
	(tag) =	ssettag s2;
	_ =	strace s9  }
0x27: {  	s1 =	sld [smem:$0x3FA6]  }
0x28: {  	s2 =	sld [smem:$0x3FA7]  }
0x29: {  	s4 =	sld [smem:$0x3FA9]  }
0x2a: {  	p0 =	seq.s32 s5, $0x0;
	s5 =	sld [smem:$0x3FAA]  }
0x2b: {  	s6 =	sld [smem:$0x3FAB]  }
0x2c: {  	s7 =	sld [smem:$0x3FAC]  }
0x2d: {  	s3 =	simm.s32 $0x108;
	s8 =	sld [smem:$0x3FAD]  }
0x2e: {  	s3 =	simm.s32 @!p0 $0x1082;
	s9 =	sld [smem:$0x3FAE]  }
0x2f: {  	lr =	sadd.s32 s0, s3;
	s0 =	sld [smem:$0x3FA5]  }
0x30: {  	s3 =	sld [smem:$0x3FA8]  }
0x31: {  	[smem:$0x3FB1] =	sst s10  }
0x32: {  	s10 =	sld [smem:$0x3FAF];
	_ =	sdelay $0x3  }
0x33: {  	p0 =	seq.s32 s10, $0x1;
	s10 =	sld [smem:$0x3FB1];
	_ =	sdelay $0x3  }
0x34: {  	[smem:$0x3FB1] =	sst s10  }
0x35: {  	s10 =	sld [smem:$0x3FB0];
	_ =	sdelay $0x3  }
0x36: {  	p1 =	seq.s32 s10, $0x1;
	s10 =	sld [smem:$0x3FB1];
	_ =	sdelay $0x3  }
0x37: {  	[smem:$0x3FB1] =	sst s10  }
0x38: {  	s10 =	sld [smem:$0x3FB2]  }
0x39: {  	_ = 	snop;
	(pc) =	sbr.ind lr, $3  }
0x3a: {  	_ = 	snop  }
0x3b: {  	_ = 	snop  }
0x3c: {  	p2 =	seq.s32 s10, $0x1;
	s10 =	sld [smem:$0x3FB1]  }
0x3d: {  	_ =	shalt  }
0x3e: {  	_ =	shalt  }
0x3f: {  	_ =	shalt  }
0x40: {  	_ =	shalt  }
0x41: {  	_ =	shalt  }
0x42: {  	_ =	shalt  }
0x43: {  	_ =	shalt  }
0x44: {  	_ =	shalt  }
0x45: {  	_ =	shalt  }
0x46: {  	_ =	shalt  }
0x47: {  	_ =	shalt  }
0x48: {  	_ =	shalt  }
0x49: {  	_ =	shalt  }
0x4a: {  	_ =	shalt  }
0x4b: {  	_ =	shalt  }
0x4c: {  	_ =	shalt  }
0x4d: {  	_ =	shalt  }
0x4e: {  	_ =	shalt  }
0x4f: {  	_ =	shalt  }
0x50: {  	_ =	shalt  }
0x51: {  	_ =	shalt  }
0x52: {  	_ =	shalt  }
0x53: {  	_ =	shalt  }
0x54: {  	_ =	shalt  }
0x55: {  	_ =	shalt  }
0x56: {  	_ =	shalt  }
0x57: {  	_ =	shalt  }
0x58: {  	_ =	shalt  }
0x59: {  	_ =	shalt  }
0x5a: {  	_ =	shalt  }
0x5b: {  	_ =	shalt  }
0x5c: {  	_ =	shalt  }
0x5d: {  	_ =	shalt  }
0x5e: {  	_ =	shalt  }
0x5f: {  	_ =	shalt  }
0x60: {  	_ =	shalt  }
0x61: {  	_ =	shalt  }
0x62: {  	_ =	shalt  }
0x63: {  	_ =	shalt  }
0x64: {  	_ =	shalt  }
0x65: {  	_ =	shalt  }
0x66: {  	_ =	shalt  }
0x67: {  	_ =	shalt  }
0x68: {  	_ =	shalt  }
0x69: {  	_ =	shalt  }
0x6a: {  	_ =	shalt  }
0x6b: {  	_ =	shalt  }
0x6c: {  	_ =	shalt  }
0x6d: {  	_ =	shalt  }
0x6e: {  	_ =	shalt  }
0x6f: {  	_ =	shalt  }
0x70: {  	_ =	shalt  }
0x71: {  	_ =	shalt  }
0x72: {  	_ =	shalt  }
0x73: {  	_ =	shalt  }
0x74: {  	_ =	shalt  }
0x75: {  	_ =	shalt  }
0x76: {  	_ =	shalt  }
0x77: {  	_ =	shalt  }
0x78: {  	_ =	shalt  }
0x79: {  	_ =	shalt  }
0x7a: {  	_ =	shalt  }
0x7b: {  	_ =	shalt  }
0x7c: {  	_ =	shalt  }
0x7d: {  	_ =	shalt  }
0x7e: {  	_ =	shalt  }
0x7f: {  	_ =	shalt  }
0x80: {  	_ =	shalt  }
0x81: {  	_ =	shalt  }
0x82: {  	_ =	shalt  }
0x83: {  	_ =	shalt  }
0x84: {  	_ =	shalt  }
0x85: {  	_ =	shalt  }
0x86: {  	_ =	shalt  }
0x87: {  	_ =	shalt  }
.Lfunc_end0:
.L_simem_size_0:
called_computation_lowered:
.L_overlay_start_0:
0x88: {  	s2 =	sld [smem:$0x3FD9]  }
0x89: {  	s3 =	sld [smem:$0x3FFE];
	_ =	sdelay $0x1  }
0x8a: {  	s1 =	srdreg.scid  }
0x8b: {  	s0 =	sand.u32 $0x1, s1  }
0x8c: {  	s16 =	sshll.u32 s0, $0xA;
	s2 =	sadd.s32 s3, s2  }
0x8d: {  	s2 =	sadd.s32 s2, s16  }
0x8e: {  	[smem:$0x3FBD] =	sst s2  }
0x8f: {  	_ = 	snop  }
0x90: {  	(tm) =	ssettm $0x1  }
0x91: {  	s17 =	sld [smem:$0x3FFB];
	_ =	sdelay $0x3  }
0x92: {  	_ =	strace s17  }
0x93: {  	s2 =	sld [smem:$0x3FFC];
	_ =	sdelay $0x3  }
0x94: {  	_ =	strace s2  }
0x95: {  	s2 =	sld [smem:$0x3FFD];
	_ =	sdelay $0x3  }
0x96: {  	_ =	strace s2  }
0x97: {  	_ =	strace $0x8FFFFFFF  }
0x98: {  	s18 =	sld [smem:$0x3FDB];
	_ =	sdelay $0x1  }
0x99: {  	s19 =	simm.s32 $_scs_section_size  }
0x9a: {  	s4 =	simm.s32 $_size__tile_overlayer_lowered;
	s5 =	simm.s32 $_tile_overlayer_lowered  }
0x9b: {  	s22 =	simm.s32 $0x1BFF;
	s21 =	sshll.u32 s5, $0x1;
	s2 =	sadd.s32 s19, s18  }
0x9c: {  	s6 =	simm.s32 $0x0;
	s20 =	sshll.u32 s4, $0x1;
	s4 =	sadd.s32 s21, s2  }
0x9d: {  	[timem:s6], [sflag:s22] =	dma.local [hbm:s4], s20  }
0x9e: {  	_ =	swait.ge [sflag:s22], s20  }
0x9f: {  	s3 =	ssub.s32 $0x0, s20;
	[sflag:s22] =	ssyncset.done $0x0  }
0xa0: {  	[sflag:s22] =	ssyncadd.s32 s3;
	_ =	sdelay $0x1  }
0xa1: {  	s23 =	simm.s32 $0x1B8B  }
0xa2: {  	_ =	swait.ge [sflag:s23], $0x1  }
0xa3: {  	[sflag:s23] =	ssyncset.done $0x0  }
0xa4: {  	s25 =	simm.s32 $0x1B8E;
	s24 =	sld [smem:$0x3FFE];
	[sflag:s23] =	ssyncadd.s32 $0xFFFFFFFF  }
0xa5: {  	s26 =	simm.s32 $execute0_lowered;
	[smem:$0x3FD2] =	sst s25  }
0xa6: {  	s4 =	sshll.u32 s26, $0x1;
	_ =	strace $0x80000046;
	[dreg:$0x1] =	wrdreg $0xFFFFFFFF  }
0xa7: {  	s28 =	simm.s32 $_size_execute0_lowered;
	s2 =	sadd.s32 s2, s4;
	[dreg:$0x0] =	wrdreg $0x0  }
0xa8: {  	s4 =	sshll.u32 s28, $0x1;
	[dreg:$0x2] =	wrdreg s2  }
0xa9: {  	[dreg:$0x3] =	wrdreg s4  }
0xaa: {  	[dreg:$0x4] =	wrdreg $0xC0  }
0xab: {  	_ =	task [dreg:s6], $0x5FFFF  }
0xac: {  	[dreg:$0x1] =	wrdreg $0xFFFFFFFF  }
0xad: {  	[dreg:$0x0] =	wrdreg $0x60  }
0xae: {  	[dreg:$0x2] =	wrdreg s24  }
0xaf: {  	[dreg:$0x3] =	wrdreg $0x9  }
0xb0: {  	_ =	task.clear_ibuf [dreg:s6], $0x4FFFF;
	_ =	strace $0x90000046  }
0xb1: {  	s29 =	simm.s32 $0x9;
	_ =	strace $0x80000048  }
0xb2: {  	_ =	swait.ge [sflag:s29], $0x1  }
0xb3: {  	[sflag:s29] =	ssyncadd.s32 $0xFFFFFFFF  }
0xb4: {  	_ =	strace $0x90000048  }
0xb5: {  	_ =	sfence  }
0xb6: {  	s30 =	sld [smem:$0x0];
	_ =	sdelay $0x2  }
0xb7: {  	s31 =	sshll.u32 s1, $0xD;
	s1 =	sshrl.u32 s1, $0x2  }
0xb8: {  	s3 =	sand.u32 $0x4000, s31;
	s1 =	sadd.s32 s1, s30  }
0xb9: {  	s0 =	sor.u32 s3, s0;
	s1 =	sshll.u32 s1, $0x11  }
0xba: {  	s0 =	sor.u32 s1, s0  }
0xbb: {  	s0 =	sadd.s32 $0x8F2B, s0  }
0xbc: {  	[sflag:s0] =	ssyncadd.remote.s32 $0x1  }
0xbd: {  	_ =	sfence.sel $0xFFFF  }
0xbe: {  	[dreg:$0x0] =	wrdreg $0xFFFFFFFF;
	(pc) =	sbr.abs _section_cstart, $3  }
0xbf: {  	[dreg:$0x1] =	wrdreg $0xFFFFFFFF  }
0xc0: {  	_ =	task.clear_ibuf [dreg:s6], $0x2FFFF;
	_ =	strace $0x9FFFFFFF  }
0xc1: {  	(tm) =	ssettm $0x7FFFFFFF  }
tec
execute0_lowered:
.L_overlay_start_1:
0x0: {  	(tag) =	ssettag $0x1  }
0x1: {  	s1 =	srdreg.scid  }
0x2: {  	s0 =	stileid.u32;
	s6 =	sand.u32 $0x1, s1  }
0x3: {  	s8 =	rddreg [dreg:$0x0];
	s30 =	sshll.u32 s0, $0xA;
	s2 =	sshll.u32 s6, $0x9  }
0x4: {  	s7 =	simm.s32 $0x1;
	s1 =	rddreg [dreg:$0x1];
	s9 =	sor.u32 s2, s30  }
0x5: {  	s5 =	sadd.s32 $0x188A00, s8;
	s2 =	simm.s32 $0x0;
	s3 =	sshrl.u32 s9, $0x3  }
0x6: {  	s10 =	ssub.s32 $0x2, s6;
	[smem:$0x7FF] =	sst s2;
	s3 =	sadd.s32 s3, s8  }
0x7: {  	_ =	strace $0x80000047;
	s4 =	sadd.s32 $0x1800, s3;
	s3 =	simm.s32 $0x2  }
0x8: {  	[tilespmem:s2], [sflag:$0x2] =	stream.linear.gather [hbm4b:s4+s2], $0x200, $0x38;
	[tilespmem:$0x10200] =	vst v63  }
0x9: {  	s6 =	simm.s32 $0x200;
	s11 =	sshrl.u32 s10, $0x1;
	_ =	swait.ge [sflag:s3], $0x200  }
0xa: {  	s9 =	sshll.u32 s9, $0x4;
	s31 =	ssub.s32 s10, s11;
	[sflag:s3] =	ssyncset.done $0x0  }
0xb: {  	s8 =	sadd.s32 s9, s8;
	s9 =	smax.u32 s31, $0x1;
	[sflag:s3] =	ssyncadd.s32 $0xFFFFFE00  }
0xc: {  	[tilespmem:s6], [sflag:$0x1] =	stream.indirect.gather [hbm4b:s5+s6], $0x80, s2, s6, $0xb8;
	[tilespmem:$0x10200] =	vst v63  }
0xd: {  	p0 =	sne.s32 s9, $0x1;
	_ =	swait.ge [sflag:s7], $0x10000  }
.Ltmp0:
0xe: {  	[sflag:s7] =	ssyncset.done $0x0;
	(pc) =	sbr.rel @!p0 .LBB2_2-.Ltmp0, $4  }
0xf: {  	s8 =	sadd.s32 $0x2000, s8;
	[sflag:s7] =	ssyncadd.s32 $0xFFFF0000  }
0x10: {  	[hbm4b:s8+s2] =	stream.linear.scatter [tilespmem:s6], [sflag:$0x2], $0x10000, $0x38;
	[tilespmem:$0x10200] =	vst v63  }
0x11: {  	_ =	swait.ge [sflag:s3], $0x10000  }
0x12: {  	s9 =	sadd.s32 $0xFFFFFFFF, s9;
	[sflag:s3] =	ssyncset.done $0x0  }
.LBB2_1:
0x13: {  	p0 =	sne.s32 s9, $0x1;
	s9 =	sadd.s32 $0xFFFFFFFF, s9;
	[sflag:s3] =	ssyncadd.s32 $0xFFFF0000  }
0x14: {  	[tilespmem:s2], [sflag:$0x2] =	stream.linear.gather [hbm4b:s4+s2], $0x200, $0x38;
	[tilespmem:$0x10200] =	vst v63  }
0x15: {  	_ =	swait.ge [sflag:s3], $0x200  }
0x16: {  	[sflag:s3] =	ssyncset.done $0x0  }
0x17: {  	[sflag:s3] =	ssyncadd.s32 $0xFFFFFE00  }
0x18: {  	[tilespmem:s6], [sflag:$0x1] =	stream.indirect.gather [hbm4b:s5+s6], $0x80, s2, s6, $0xb8;
	[tilespmem:$0x10200] =	vst v63  }
0x19: {  	_ =	swait.ge [sflag:s7], $0x10000  }
.Ltmp1:
0x1a: {  	[sflag:s7] =	ssyncset.done $0x0;
	(pc) =	sbr.rel @p0 .LBB2_1-.Ltmp1, $4  }
0x1b: {  	[sflag:s7] =	ssyncadd.s32 $0xFFFF0000  }
0x1c: {  	[hbm4b:s8+s2] =	stream.linear.scatter [tilespmem:s6], [sflag:$0x2], $0x10000, $0x38;
	[tilespmem:$0x10200] =	vst v63  }
0x1d: {  	_ =	swait.ge [sflag:s3], $0x10000  }
0x1e: {  	[sflag:s3] =	ssyncset.done $0x0  }
.LBB2_2:
0x1f: {  	[sflag:s3] =	ssyncadd.s32 $0xFFFF0000  }
0x20: {  	_ =	sfence.sel $0x180000  }
0x21: {  	[bflag:$0x0] =	sbarrier.arrive $0xFFFF  }
0x22: {  	p0 =	sne.s32 s0, $0x0;
	_ =	strace $0x90000047  }
0x23: {  	s0 =	sadd.s32 @!p0 $0x100000, s1;
	[bflag:$0x2] =	sbarrier.arrive $0xFFFF  }
0x24: {  	[sflag:s0] =	ssyncadd.tile.s32 @!p0 $0x1;
	_ =	shalt  }
.Lfunc_end2:
_tile_overlayer_lowered:
.L_overlay_start_2:
0x25: {  	(tag) =	ssettag $0x2  }
0x26: {  	s0 =	rddreg [dreg:$0x0];
	s2 =	stileid.u32  }
0x27: {  	s1 =	rddreg [dreg:$0x1];
	p0 =	sne.s32 s2, $0x0  }
0x28: {  	s3 =	rddreg [dreg:$0x2];
	[bflag:$0x3] =	sbarrier.arrive $0xFFFF;
	s2 =	simm.s32 @!p0 $0x1C02  }
0x29: {  	[timem:s3], [sflag:s2] =	dma.local @!p0 [hbm:s0], s1  }
0x2a: {  	s0 =	simm.s32 @!p0 $0x2  }
0x2b: {  	_ =	swait.ge @!p0 [sflag:s0], s1  }
0x2c: {  	s1 =	ssub.s32 @!p0 $0x0, s1;
	[sflag:s0] =	ssyncset.done @!p0 $0x0  }
0x2d: {  	[sflag:s0] =	ssyncadd.s32 @!p0 s1  }
0x2e: {  	[bflag:$0x3] =	sbarrier.arrive $0xFFFF  }
0x2f: {  	_ =	shalt  }

</sc_bundles>
